<compile_context>
chip_gen: v7x
topology: tpu7x:2x2x1
jax: 0.10.2.dev20260603
libtpu: 0.0.44.dev20260713+nightly
codegen_flags: <defaults>
</compile_context>

<pallas_src>
import functools

import jax
import jax.numpy as jnp
from jax import lax
from jax.experimental import pallas as pl
from jax.experimental.pallas import tpu as pltpu
from jax.experimental.pallas import tpu_sc as plsc

_BIG = 1e10
_NC = 2
_NS = 16
_GP = 272
_SROW = 2 * _GP + 32
_CHUNK = 2048


def _sort_centers_body(edges_ref, out_ref):
    pe = edges_ref.shape[2]
    p = pe - 1
    e = edges_ref[0, 0, :]
    c = 0.5 * (e[1:] + e[:-1])
    c_row = c.reshape(1, p)
    rows = lax.dot_general(
        c_row, jnp.ones((1, p), jnp.float32),
        (((0,), (0,)), ((), ())),
        preferred_element_type=jnp.float32,
        precision=lax.Precision.HIGHEST,
    )
    cols = jnp.broadcast_to(c_row, (p, p))
    ii = lax.broadcasted_iota(jnp.int32, (p, p), 0)
    jj = lax.broadcasted_iota(jnp.int32, (p, p), 1)
    less = (cols < rows) | ((cols == rows) & (jj < ii))
    rank = jnp.sum(less.astype(jnp.float32), axis=1, keepdims=True)
    onehot = (rank == jj.astype(jnp.float32)).astype(jnp.float32)
    out_ref[0, 0, :] = jnp.sum(onehot * rows, axis=0)


def _dense_body(edges_ref, tgt_ref, mask_ref, out_ref):
    n = pl.program_id(0)
    L = tgt_ref.shape[2]
    P = edges_ref.shape[2] - 1

    centers = 0.5 * (edges_ref[0, 0, 1:] + edges_ref[0, 0, :-1])
    cb = lax.dot_general(
        centers.reshape(1, P), jnp.ones((1, _CHUNK), jnp.float32),
        (((0,), (0,)), ((), ())), preferred_element_type=jnp.float32,
        precision=lax.Precision.HIGHEST,
    )

    minx = jnp.full((P, 1), _BIG, dtype=jnp.float32)
    sumy = jnp.zeros((1, 1), dtype=jnp.float32)
    cnt = jnp.zeros((1, 1), dtype=jnp.float32)
    for c in range(L // _CHUNK):
        tt = tgt_ref[0, 0, pl.ds(c * _CHUNK, _CHUNK)].reshape(1, _CHUNK)
        mm = mask_ref[0, 0, pl.ds(c * _CHUNK, _CHUNK)].reshape(1, _CHUNK)
        d2 = (cb - tt) ** 2
        d2m = jnp.where(mm > 0, d2, _BIG)
        minx = jnp.minimum(minx, jnp.min(d2m, axis=1, keepdims=True))
        miny = jnp.min(d2, axis=0, keepdims=True)
        sumy = sumy + jnp.sum(miny * mm, keepdims=True)
        cnt = cnt + jnp.sum(mm, keepdims=True)

    cham_x = jnp.sum(minx, keepdims=True).reshape(1, 1) / P
    cham_y = sumy / jnp.maximum(cnt, 1.0)

    @pl.when(n == 0)
    def _():
        out_ref[0, 0] = 0.0

    out_ref[0, 0] += cham_x[0, 0] + cham_y[0, 0]


def _combine_body(sc_ref, dense_ref, o_ref):
    sc_sum = jnp.sum(sc_ref[...]) / sc_ref.shape[1]
    o_ref[0, 0] = (sc_sum + dense_ref[0, 0]) / 8.0


def _sc_chamfer_body(nb, p, l, cen_hbm, tgt_hbm, mask_hbm, out_hbm,
                     cen_v, tgt_v, mask_v, gmax_v, gmin_v, stats_v,
                     gsx_buf, vmx_buf, gsn_buf, vmn_buf,
                     pref_v, suf_v, comb_v, loss_v, stage_sh):
    nbc = nb // _NC
    tpt = l // _NS
    nchunks = tpt // 16

    cid = lax.axis_index("c")
    sid = lax.axis_index("s")

    iota16 = lax.iota(jnp.int32, 16)
    fzero = jnp.zeros((16,), jnp.float32)

    pltpu.sync_copy(cen_hbm.at[pl.ds(cid * (nbc * p), nbc * p)], cen_v)

    def _stage(lb, _):
        b = cid * nbc + lb
        src = pl.ds(b * l + sid * tpt, tpt)
        pltpu.sync_copy(tgt_hbm.at[src], tgt_v.at[pl.ds(lb * tpt, tpt)])
        pltpu.sync_copy(mask_hbm.at[src], mask_v.at[pl.ds(lb * tpt, tpt)])
        return 0
    lax.fori_loop(0, nbc, _stage, 0)

    def _batch(lb, _):
        cbase = lb * p

        def _init(j, _):
            off = pl.multiple_of(j * 16, 16)
            gmax_v[pl.ds(off, 16)] = jnp.full((16,), -_BIG, jnp.float32)
            gmin_v[pl.ds(off, 16)] = jnp.full((16,), _BIG, jnp.float32)
            return 0
        lax.fori_loop(0, _GP // 16, _init, 0)

        @plsc.parallel_loop(0, nchunks, unroll=4, carry=(fzero, fzero))
        def _pass1(i, carry):
            sumy, cnt = carry
            off = pl.multiple_of(i * 16, 16)
            tv = tgt_v[pl.ds(lb * tpt + off, 16)]
            mv = mask_v[pl.ds(lb * tpt + off, 16)]
            valid = mv > 0.0

            pos = jnp.zeros((16,), jnp.int32)
            k = p // 2
            while k >= 1:
                val = plsc.load_gather(cen_v, [pos + (cbase + k - 1)])
                pos = jnp.where(val < tv, pos + k, pos)
                k //= 2
            cpos = plsc.load_gather(cen_v, [pos + cbase])
            below = cpos < tv
            g = pos + below.astype(jnp.int32)
            oth = jnp.where(below, jnp.minimum(pos + 1, p - 1),
                            jnp.maximum(pos - 1, 0))
            coth = plsc.load_gather(cen_v, [oth + cbase])
            dc = tv - cpos
            do = tv - coth
            dy = jnp.minimum(dc * dc, do * do)
            sumy = sumy + jnp.where(valid, dy, fzero)
            cnt = cnt + mv

            g2 = jnp.where(valid, g, jnp.full((16,), p + 1, jnp.int32))
            gs, vs = plsc.sort_key_val(g2, tv)
            occ, last = plsc.scan_count(gs)
            first = occ == 1

            vs_min = jnp.where(gs == p + 1, jnp.full((16,), _BIG, jnp.float32),
                               vs)
            smax = plsc.cummax(vs)
            smin = -lax.rev(plsc.cummax(lax.rev(-vs_min, (0,))), (0,))
            gsx_buf[pl.ds(off, 16)] = jnp.where(
                last, gs, jnp.full((16,), 260, jnp.int32))
            vmx_buf[pl.ds(off, 16)] = jnp.where(
                last, smax, jnp.full((16,), -_BIG, jnp.float32))
            gsn_buf[pl.ds(off, 16)] = jnp.where(
                first, gs, jnp.full((16,), 261, jnp.int32))
            vmn_buf[pl.ds(off, 16)] = jnp.where(
                first, smin, jnp.full((16,), _BIG, jnp.float32))
            return sumy, cnt
        sumy, cnt = _pass1

        def _pass2(i, _):
            off = pl.multiple_of(i * 16, 16)
            gx = gsx_buf[pl.ds(off, 16)]
            vx = vmx_buf[pl.ds(off, 16)]
            cur = plsc.load_gather(gmax_v, [gx])
            plsc.store_scatter(gmax_v, [gx], jnp.maximum(cur, vx))
            gn = gsn_buf[pl.ds(off, 16)]
            vn = vmn_buf[pl.ds(off, 16)]
            cur2 = plsc.load_gather(gmin_v, [gn])
            plsc.store_scatter(gmin_v, [gn], jnp.minimum(cur2, vn))
            return 0
        lax.fori_loop(0, nchunks, _pass2, 0, unroll=4)

        stats_v[pl.ds(0, 16)] = sumy
        stats_v[pl.ds(16, 16)] = cnt

        srow_base = (lb * _NS + sid) * _SROW
        pltpu.sync_copy(gmax_v, stage_sh.at[pl.ds(srow_base, _GP)])
        pltpu.sync_copy(gmin_v, stage_sh.at[pl.ds(srow_base + _GP, _GP)])
        pltpu.sync_copy(stats_v, stage_sh.at[pl.ds(srow_base + 2 * _GP, 32)])
        return 0
    lax.fori_loop(0, nbc, _batch, 0)

    plsc.subcore_barrier()

    @pl.when(sid < nbc)
    def _combine():
        pltpu.sync_copy(stage_sh.at[pl.ds(sid * (_NS * _SROW), _NS * _SROW)],
                        comb_v)

        def _red(j, _):
            off = pl.multiple_of(j * 16, 16)
            mx = jnp.full((16,), -_BIG, jnp.float32)
            mn = jnp.full((16,), _BIG, jnp.float32)
            for t in range(_NS):
                mx = jnp.maximum(mx, comb_v[pl.ds(t * _SROW + off, 16)])
                mn = jnp.minimum(mn, comb_v[pl.ds(t * _SROW + _GP + off, 16)])
            gmax_v[pl.ds(off, 16)] = mx
            gmin_v[pl.ds(off, 16)] = mn
            return 0
        lax.fori_loop(0, _GP // 16, _red, 0)

        def _pref(j, carry):
            off = pl.multiple_of(j * 16, 16)
            s = jnp.maximum(plsc.cummax(gmax_v[pl.ds(off, 16)]), carry)
            pref_v[pl.ds(off, 16)] = s
            return jnp.broadcast_to(jnp.max(s), (16,))
        lax.fori_loop(0, _GP // 16, _pref, jnp.full((16,), -_BIG, jnp.float32))

        def _suf(jrev, carry):
            j = _GP // 16 - 1 - jrev
            off = pl.multiple_of(j * 16, 16)
            v = gmin_v[pl.ds(off, 16)]
            s = -lax.rev(plsc.cummax(lax.rev(-v, (0,))), (0,))
            s = jnp.minimum(s, carry)
            suf_v[pl.ds(off, 16)] = s
            return jnp.broadcast_to(jnp.min(s), (16,))
        lax.fori_loop(0, _GP // 16, _suf, jnp.full((16,), _BIG, jnp.float32))

        cbase2 = sid * p

        def _dx(j, acc):
            off = pl.multiple_of(j * 16, 16)
            cj = plsc.load_gather(cen_v, [iota16 + (off + cbase2)])
            lft = pref_v[pl.ds(off, 16)]
            rgt = suf_v[pl.ds(off + 1, 16)]
            dl = cj - lft
            dr = rgt - cj
            d = jnp.minimum(dl * dl, dr * dr)
            d = jnp.minimum(d, jnp.full((16,), _BIG, jnp.float32))
            return acc + d
        dx = lax.fori_loop(0, p // 16, _dx, fzero)
        cham_x = jnp.broadcast_to(jnp.sum(dx), (16,)) * (1.0 / p)

        sy = fzero
        ct = fzero
        for t in range(_NS):
            sy = sy + comb_v[pl.ds(t * _SROW + 2 * _GP, 16)]
            ct = ct + comb_v[pl.ds(t * _SROW + 2 * _GP + 16, 16)]
        sumy_b = jnp.broadcast_to(jnp.sum(sy), (16,))
        cnt_b = jnp.maximum(jnp.broadcast_to(jnp.sum(ct), (16,)),
                            jnp.ones((16,), jnp.float32))
        cham_y = sumy_b / cnt_b

        loss_v[...] = cham_x + cham_y
        b = cid * nbc + sid
        pltpu.sync_copy(loss_v, out_hbm.at[pl.ds(b * 16, 16)])


def kernel(depth_pred, depth_gt, depth_mask, bin_edges):
    del depth_pred
    nb, pe = bin_edges.shape
    p = pe - 1
    nb_sc = nb // 2
    nb_tc = nb - nb_sc
    tgt = depth_gt.reshape(nb, -1)
    maskf = depth_mask.reshape(nb, -1).astype(jnp.float32)
    l = tgt.shape[1]
    nbc = nb_sc // _NC
    edges3 = bin_edges.reshape(nb, 1, pe)

    sorted_centers = pl.pallas_call(
        _sort_centers_body,
        grid=(nb_sc,),
        in_specs=[pl.BlockSpec((1, 1, pe), lambda i: (i, 0, 0))],
        out_specs=pl.BlockSpec((1, 1, p), lambda i: (i, 0, 0)),
        out_shape=jax.ShapeDtypeStruct((nb_sc, 1, p), jnp.float32),
    )(edges3[:nb_sc]).reshape(nb_sc * p)

    mesh = plsc.VectorSubcoreMesh(core_axis_name="c", subcore_axis_name="s",
                                  num_cores=_NC)
    sc_kernel = functools.partial(
        pl.kernel,
        out_type=jax.ShapeDtypeStruct((nb_sc * 16,), jnp.float32),
        mesh=mesh,
        compiler_params=pltpu.CompilerParams(use_tc_tiling_on_sc=False,
                                             needs_layout_passes=False),
        scratch_types=[
            pltpu.VMEM((nbc * p,), jnp.float32),
            pltpu.VMEM((nbc * (l // _NS),), jnp.float32),
            pltpu.VMEM((nbc * (l // _NS),), jnp.float32),
            pltpu.VMEM((_GP,), jnp.float32),
            pltpu.VMEM((_GP,), jnp.float32),
            pltpu.VMEM((32,), jnp.float32),
            pltpu.VMEM((l // _NS,), jnp.int32),
            pltpu.VMEM((l // _NS,), jnp.float32),
            pltpu.VMEM((l // _NS,), jnp.int32),
            pltpu.VMEM((l // _NS,), jnp.float32),
            pltpu.VMEM((_GP,), jnp.float32),
            pltpu.VMEM((_GP,), jnp.float32),
            pltpu.VMEM((_NS * _SROW,), jnp.float32),
            pltpu.VMEM((16,), jnp.float32),
            pltpu.VMEM_SHARED((nbc * _NS * _SROW,),
                              jnp.float32),
        ],
    )(functools.partial(_sc_chamfer_body, nb_sc, p, l))
    sc_losses = sc_kernel(sorted_centers, tgt[:nb_sc].reshape(nb_sc * l),
                          maskf[:nb_sc].reshape(nb_sc * l))

    dense_sum = pl.pallas_call(
        _dense_body,
        grid=(nb_tc,),
        in_specs=[
            pl.BlockSpec((1, 1, pe), lambda i: (i, 0, 0)),
            pl.BlockSpec((1, 1, l), lambda i: (i, 0, 0)),
            pl.BlockSpec((1, 1, l), lambda i: (i, 0, 0)),
        ],
        out_specs=pl.BlockSpec((1, 1), lambda i: (0, 0),
                               memory_space=pltpu.SMEM),
        out_shape=jax.ShapeDtypeStruct((1, 1), jnp.float32),
    )(edges3[nb_sc:], tgt[nb_sc:].reshape(nb_tc, 1, l),
      maskf[nb_sc:].reshape(nb_tc, 1, l))

    out = pl.pallas_call(
        _combine_body,
        in_specs=[
            pl.BlockSpec((nb_sc, 16), lambda: (0, 0)),
            pl.BlockSpec(memory_space=pltpu.SMEM),
        ],
        out_specs=pl.BlockSpec(memory_space=pltpu.SMEM),
        out_shape=jax.ShapeDtypeStruct((1, 1), jnp.float32),
    )(sc_losses.reshape(nb_sc, 16), dense_sum)
    return out[0, 0]

# --- scband reference (transcript-rebuilt; emitter-appended) ---
"""Pipeline reference for scband-bins-chamfer-loss-39324720562919 (READ-ONLY COPY).

The authoritative reference and input builder live on the scoring server;
editing this copy changes nothing except your own understanding.
"""

import jax, jax.numpy as jnp
import numpy as np


def setup_inputs(seed: int = 0) -> dict:
    key = jax.random.key(seed)
    k1, k2, k3, k4 = jax.random.split(key, 4)
    N, C, H, W, P = 8, 1, 128, 160, 256
    depth_pred = jax.random.normal(k1, (N, C, H, W), dtype=jnp.float32)
    depth_gt = jax.random.uniform(k2, (N, C, H, W), dtype=jnp.float32)
    depth_mask = jax.random.randint(k3, (N, C, H, W), 0, 2).astype(bool)
    bin_edges = jax.random.uniform(k4, (N, P + 1), dtype=jnp.float32)
    return {
        "depth_pred": depth_pred,
        "depth_gt": depth_gt,
        "depth_mask": depth_mask,
        "bin_edges": bin_edges,
    }


def reference(depth_pred, depth_gt, depth_mask, bin_edges):
    # output_named_tuple[1] == bin_edges in the original module
    bin_centers = 0.5 * (bin_edges[:, 1:] + bin_edges[:, :-1])  # [N, P]
    n, p = bin_centers.shape
    x = bin_centers  # input_points [N, P] (1-d coordinates)
    tgt = depth_gt.reshape(n, -1)      # [N, L]
    mask = depth_mask.reshape(n, -1)   # [N, L] bool; padding/invalid points

    # Pairwise squared distances between bin centers and GT depth points
    d2 = (x[:, :, None] - tgt[:, None, :]) ** 2  # [N, P, L]

    BIG = jnp.float32(1e10)
    # cham_x: for each bin center, nearest VALID target point (pytorch3d masks
    # padded y points with large distance), point_reduction='mean' over P
    d2_masked = jnp.where(mask[:, None, :], d2, BIG)
    cham_x = jnp.mean(jnp.min(d2_masked, axis=2), axis=1)  # [N]

    # cham_y: for each valid target point, nearest bin center; invalid points
    # contribute 0; point_reduction='mean' divides by y_lengths
    min_over_bins = jnp.min(d2, axis=1)  # [N, L]
    y_lengths = jnp.maximum(jnp.sum(mask, axis=1), 1).astype(jnp.float32)
    cham_y = jnp.sum(jnp.where(mask, min_over_bins, 0.0), axis=1) / y_lengths

    # batch_reduction='mean'
    loss = jnp.mean(cham_x + cham_y)
    return loss

if __name__ == "__main__":
    import jax
    _d = setup_inputs()
    print(jax.jit(kernel)(*tuple(_d.values())))

</pallas_src>

<mosaic_0001>
#map = affine_map<(d0, d1) -> (0)>
module attributes {stable_mosaic.version = 14 : i64} {
  func.func @_sc_chamfer_body(%arg0: i32, %arg1: i32, %arg2: memref<1024xf32, #tpu.memory_space<hbm>>, %arg3: memref<81920xf32, #tpu.memory_space<hbm>>, %arg4: memref<81920xf32, #tpu.memory_space<hbm>>, %arg5: memref<64xf32, #tpu.memory_space<hbm>>, %arg6: memref<512xf32, #tpu.memory_space<vmem>>, %arg7: memref<2560xf32, #tpu.memory_space<vmem>>, %arg8: memref<2560xf32, #tpu.memory_space<vmem>>, %arg9: memref<272xf32, #tpu.memory_space<vmem>>, %arg10: memref<272xf32, #tpu.memory_space<vmem>>, %arg11: memref<32xf32, #tpu.memory_space<vmem>>, %arg12: memref<1280xi32, #tpu.memory_space<vmem>>, %arg13: memref<1280xf32, #tpu.memory_space<vmem>>, %arg14: memref<1280xi32, #tpu.memory_space<vmem>>, %arg15: memref<1280xf32, #tpu.memory_space<vmem>>, %arg16: memref<272xf32, #tpu.memory_space<vmem>>, %arg17: memref<272xf32, #tpu.memory_space<vmem>>, %arg18: memref<9216xf32, #tpu.memory_space<vmem>>, %arg19: memref<16xf32, #tpu.memory_space<vmem>>, %arg20: memref<18432xf32, #tpu.memory_space<vmem_shared>>) attributes {dimension_semantics = [#tpu.dimension_semantics<core_parallel>, #tpu.dimension_semantics<subcore_parallel>], iteration_bounds = array<i64: 2, 16>, scalar_prefetch = 0 : i64, scratch_operands = 15 : i64, tpu.core_type = #tpu.core_type<sc_vector_subcore>, window_params = [{transform_indices = #map}, {transform_indices = #map}, {transform_indices = #map}, {transform_indices = #map}]} {
    %iota3A = tpu.iota {dimensions = array<i32: 0>} : vector<16xi32>
    %broadcast_in_dim3A = arith.constant 0.000000e+00 : f32
    %broadcast_in_dim3A_0 = vector.broadcast %broadcast_in_dim3A : f32 to vector<16xf32>
    %mul3A = arith.constant 512 : i32
    %mul3A_1 = arith.muli %arg0, %mul3A : i32
    "tpu.region"() ({
      %run_scoped3A = tpu.sem_alloc : memref<!tpu.dma_semaphore, #tpu.memory_space<semaphore_mem>>
      %dma_start3A = tpu.memref_slice %arg2[%mul3A_1] : memref<1024xf32, #tpu.memory_space<hbm>> -> memref<512xf32, #tpu.memory_space<hbm>>
      %dma_start3A_17 = tpu.memref_slice %arg2[%mul3A_1] : memref<1024xf32, #tpu.memory_space<hbm>> -> memref<512xf32, #tpu.memory_space<hbm>>
      tpu.enqueue_dma source(%dma_start3A_17 : memref<512xf32, #tpu.memory_space<hbm>>) target(%arg6 : memref<512xf32, #tpu.memory_space<vmem>>) target_semaphore(%run_scoped3A : memref<!tpu.dma_semaphore, #tpu.memory_space<semaphore_mem>>)
      %dma_wait3A = tpu.memref_slice %arg2[%mul3A_1] : memref<1024xf32, #tpu.memory_space<hbm>> -> memref<512xf32, #tpu.memory_space<hbm>>
      %dma_wait3A_18 = tpu.memref_slice %arg2[%mul3A_1] : memref<1024xf32, #tpu.memory_space<hbm>> -> memref<512xf32, #tpu.memory_space<hbm>>
      tpu.wait_dma2 semaphore(%run_scoped3A : memref<!tpu.dma_semaphore, #tpu.memory_space<semaphore_mem>>) src(%dma_wait3A_18 : memref<512xf32, #tpu.memory_space<hbm>>) dst(%arg6 : memref<512xf32, #tpu.memory_space<vmem>>)
      tpu.yield
    }) : () -> ()
    %scan3A = arith.constant 0 : i32
    %scan3A_2 = arith.constant 0 : i32
    %scan3A_3 = arith.constant 2 : i32
    %scan3A_4 = arith.addi %scan3A_2, %scan3A_3 : i32
    %scan3A_5 = arith.constant 1 : i32
    %scan3A_6 = scf.for %scan3A_17 = %scan3A_2 to %scan3A_4 step %scan3A_5 iter_args(%scan3A_18 = %scan3A) -> (i32)  : i32 {
      %mul3A_19 = arith.constant 2 : i32
      %mul3A_20 = arith.muli %arg0, %mul3A_19 : i32
      %add3A = arith.addi %mul3A_20, %scan3A_17 : i32
      %mul3A_21 = arith.constant 20480 : i32
      %mul3A_22 = arith.muli %add3A, %mul3A_21 : i32
      %mul3A_23 = arith.constant 1280 : i32
      %mul3A_24 = arith.muli %arg1, %mul3A_23 : i32
      %add3A_25 = arith.addi %mul3A_22, %mul3A_24 : i32
      %mul3A_26 = arith.constant 1280 : i32
      %mul3A_27 = arith.muli %scan3A_17, %mul3A_26 : i32
      "tpu.region"() ({
        %run_scoped3A = tpu.sem_alloc : memref<!tpu.dma_semaphore, #tpu.memory_space<semaphore_mem>>
        %dma_start3A = tpu.memref_slice %arg7[%mul3A_27] : memref<2560xf32, #tpu.memory_space<vmem>> -> memref<1280xf32, #tpu.memory_space<vmem>>
        %dma_start3A_31 = tpu.memref_slice %arg3[%add3A_25] : memref<81920xf32, #tpu.memory_space<hbm>> -> memref<1280xf32, #tpu.memory_space<hbm>>
        %dma_start3A_32 = tpu.memref_slice %arg7[%mul3A_27] : memref<2560xf32, #tpu.memory_space<vmem>> -> memref<1280xf32, #tpu.memory_space<vmem>>
        %dma_start3A_33 = tpu.memref_slice %arg3[%add3A_25] : memref<81920xf32, #tpu.memory_space<hbm>> -> memref<1280xf32, #tpu.memory_space<hbm>>
        tpu.enqueue_dma source(%dma_start3A_33 : memref<1280xf32, #tpu.memory_space<hbm>>) target(%dma_start3A_32 : memref<1280xf32, #tpu.memory_space<vmem>>) target_semaphore(%run_scoped3A : memref<!tpu.dma_semaphore, #tpu.memory_space<semaphore_mem>>)
        %dma_wait3A = tpu.memref_slice %arg7[%mul3A_27] : memref<2560xf32, #tpu.memory_space<vmem>> -> memref<1280xf32, #tpu.memory_space<vmem>>
        %dma_wait3A_34 = tpu.memref_slice %arg3[%add3A_25] : memref<81920xf32, #tpu.memory_space<hbm>> -> memref<1280xf32, #tpu.memory_space<hbm>>
        %dma_wait3A_35 = tpu.memref_slice %arg7[%mul3A_27] : memref<2560xf32, #tpu.memory_space<vmem>> -> memref<1280xf32, #tpu.memory_space<vmem>>
        %dma_wait3A_36 = tpu.memref_slice %arg3[%add3A_25] : memref<81920xf32, #tpu.memory_space<hbm>> -> memref<1280xf32, #tpu.memory_space<hbm>>
        tpu.wait_dma2 semaphore(%run_scoped3A : memref<!tpu.dma_semaphore, #tpu.memory_space<semaphore_mem>>) src(%dma_wait3A_36 : memref<1280xf32, #tpu.memory_space<hbm>>) dst(%dma_wait3A_35 : memref<1280xf32, #tpu.memory_space<vmem>>)
        tpu.yield
      }) : () -> ()
      %mul3A_28 = arith.constant 1280 : i32
      %mul3A_29 = arith.muli %scan3A_17, %mul3A_28 : i32
      "tpu.region"() ({
        %run_scoped3A = tpu.sem_alloc : memref<!tpu.dma_semaphore, #tpu.memory_space<semaphore_mem>>
        %dma_start3A = tpu.memref_slice %arg8[%mul3A_29] : memref<2560xf32, #tpu.memory_space<vmem>> -> memref<1280xf32, #tpu.memory_space<vmem>>
        %dma_start3A_31 = tpu.memref_slice %arg4[%add3A_25] : memref<81920xf32, #tpu.memory_space<hbm>> -> memref<1280xf32, #tpu.memory_space<hbm>>
        %dma_start3A_32 = tpu.memref_slice %arg8[%mul3A_29] : memref<2560xf32, #tpu.memory_space<vmem>> -> memref<1280xf32, #tpu.memory_space<vmem>>
        %dma_start3A_33 = tpu.memref_slice %arg4[%add3A_25] : memref<81920xf32, #tpu.memory_space<hbm>> -> memref<1280xf32, #tpu.memory_space<hbm>>
        tpu.enqueue_dma source(%dma_start3A_33 : memref<1280xf32, #tpu.memory_space<hbm>>) target(%dma_start3A_32 : memref<1280xf32, #tpu.memory_space<vmem>>) target_semaphore(%run_scoped3A : memref<!tpu.dma_semaphore, #tpu.memory_space<semaphore_mem>>)
        %dma_wait3A = tpu.memref_slice %arg8[%mul3A_29] : memref<2560xf32, #tpu.memory_space<vmem>> -> memref<1280xf32, #tpu.memory_space<vmem>>
        %dma_wait3A_34 = tpu.memref_slice %arg4[%add3A_25] : memref<81920xf32, #tpu.memory_space<hbm>> -> memref<1280xf32, #tpu.memory_space<hbm>>
        %dma_wait3A_35 = tpu.memref_slice %arg8[%mul3A_29] : memref<2560xf32, #tpu.memory_space<vmem>> -> memref<1280xf32, #tpu.memory_space<vmem>>
        %dma_wait3A_36 = tpu.memref_slice %arg4[%add3A_25] : memref<81920xf32, #tpu.memory_space<hbm>> -> memref<1280xf32, #tpu.memory_space<hbm>>
        tpu.wait_dma2 semaphore(%run_scoped3A : memref<!tpu.dma_semaphore, #tpu.memory_space<semaphore_mem>>) src(%dma_wait3A_36 : memref<1280xf32, #tpu.memory_space<hbm>>) dst(%dma_wait3A_35 : memref<1280xf32, #tpu.memory_space<vmem>>)
        tpu.yield
      }) : () -> ()
      %scan3A_30 = arith.constant 0 : i32
      scf.yield %scan3A_30 : i32
    }
    %scan3A_7 = arith.constant 2 : i32
    %scan3A_8 = arith.constant 0 : i32
    %scan3A_9 = arith.constant 0 : i32
    %scan3A_10 = arith.constant 2 : i32
    %scan3A_11 = arith.addi %scan3A_9, %scan3A_10 : i32
    %scan3A_12 = arith.constant 1 : i32
    %scan3A_13 = scf.for %scan3A_17 = %scan3A_9 to %scan3A_11 step %scan3A_12 iter_args(%scan3A_18 = %scan3A_8) -> (i32)  : i32 {
      %mul3A_19 = arith.constant 256 : i32
      %mul3A_20 = arith.muli %scan3A_17, %mul3A_19 : i32
      %scan3A_21 = arith.constant 0 : i32
      %scan3A_22 = arith.constant 0 : i32
      %scan3A_23 = arith.constant 17 : i32
      %scan3A_24 = arith.addi %scan3A_22, %scan3A_23 : i32
      %scan3A_25 = arith.constant 1 : i32
      %scan3A_26 = scf.for %scan3A_50 = %scan3A_22 to %scan3A_24 step %scan3A_25 iter_args(%scan3A_51 = %scan3A_21) -> (i32)  : i32 {
        %mul3A_52 = arith.constant 16 : i32
        %mul3A_53 = arith.muli %scan3A_50, %mul3A_52 : i32
        %multiple_of3A = tpu.assume_multiple %mul3A_53, 16 : i32
        %broadcast_in_dim3A_54 = arith.constant -1.000000e+10 : f32
        %broadcast_in_dim3A_55 = vector.broadcast %broadcast_in_dim3A_54 : f32 to vector<16xf32>
        %swap3A_56 = arith.index_cast %multiple_of3A : i32 to index
        %swap3A_57 = tpu.vector_load %arg9[%swap3A_56] {strides = array<i32>} : memref<272xf32, #tpu.memory_space<vmem>>, vector<16xf32>,
        tpu.vector_store %arg9[%swap3A_56], %broadcast_in_dim3A_55 {strides = array<i32>} : memref<272xf32, #tpu.memory_space<vmem>>, vector<16xf32>,
        %broadcast_in_dim3A_58 = arith.constant 1.000000e+10 : f32
        %broadcast_in_dim3A_59 = vector.broadcast %broadcast_in_dim3A_58 : f32 to vector<16xf32>
        %swap3A_60 = arith.index_cast %multiple_of3A : i32 to index
        %swap3A_61 = tpu.vector_load %arg10[%swap3A_60] {strides = array<i32>} : memref<272xf32, #tpu.memory_space<vmem>>, vector<16xf32>,
        tpu.vector_store %arg10[%swap3A_60], %broadcast_in_dim3A_59 {strides = array<i32>} : memref<272xf32, #tpu.memory_space<vmem>>, vector<16xf32>,
        %scan3A_62 = arith.constant 0 : i32
        scf.yield %scan3A_62 : i32
      }
      %scan3A_27 = arith.constant 17 : i32
      %parallel_loop3A = arith.constant 0 : i32
      %parallel_loop3A_28 = arith.constant 80 : i32
      %parallel_loop3A_29 = arith.constant 1 : i32
      %parallel_loop3A_30:2 = scf.for %parallel_loop3A_50 = %parallel_loop3A to %parallel_loop3A_28 step %parallel_loop3A_29 iter_args(%parallel_loop3A_51 = %broadcast_in_dim3A_0, %parallel_loop3A_52 = %broadcast_in_dim3A_0) -> (vector<16xf32>, vector<16xf32>)  : i32 {
        %parallel_loop3A_53 = arith.constant 16 : i32
        %parallel_loop3A_54 = arith.muli %parallel_loop3A_50, %parallel_loop3A_53 : i32
        %parallel_loop3A_55 = tpu.assume_multiple %parallel_loop3A_54, 16 : i32
        %parallel_loop3A_56 = arith.constant 1280 : i32
        %parallel_loop3A_57 = arith.muli %scan3A_17, %parallel_loop3A_56 : i32
        %parallel_loop3A_58 = arith.addi %parallel_loop3A_57, %parallel_loop3A_55 : i32
        %parallel_loop3A_59 = arith.index_cast %parallel_loop3A_58 : i32 to index
        %parallel_loop3A_60 = tpu.vector_load %arg7[%parallel_loop3A_59] {strides = array<i32>} : memref<2560xf32, #tpu.memory_space<vmem>>, vector<16xf32>,
        %parallel_loop3A_61 = arith.constant 1280 : i32
        %parallel_loop3A_62 = arith.muli %scan3A_17, %parallel_loop3A_61 : i32
        %parallel_loop3A_63 = arith.addi %parallel_loop3A_62, %parallel_loop3A_55 : i32
        %parallel_loop3A_64 = arith.index_cast %parallel_loop3A_63 : i32 to index
        %parallel_loop3A_65 = tpu.vector_load %arg8[%parallel_loop3A_64] {strides = array<i32>} : memref<2560xf32, #tpu.memory_space<vmem>>, vector<16xf32>,
        %parallel_loop3A_66 = arith.constant 0.000000e+00 : f32
        %parallel_loop3A_67 = vector.broadcast %parallel_loop3A_66 : f32 to vector<16xf32>
        %parallel_loop3A_68 = arith.cmpf ogt, %parallel_loop3A_65, %parallel_loop3A_67 : vector<16xf32>
        %parallel_loop3A_69 = arith.constant 0 : i32
        %parallel_loop3A_70 = vector.broadcast %parallel_loop3A_69 : i32 to vector<16xi32>
        %parallel_loop3A_71 = arith.constant 128 : i32
        %parallel_loop3A_72 = arith.addi %mul3A_20, %parallel_loop3A_71 : i32
        %parallel_loop3A_73 = arith.constant 1 : i32
        %parallel_loop3A_74 = arith.subi %parallel_loop3A_72, %parallel_loop3A_73 : i32
        %parallel_loop3A_75 = vector.broadcast %parallel_loop3A_74 : i32 to vector<16xi32>
        %parallel_loop3A_76 = arith.addi %parallel_loop3A_70, %parallel_loop3A_75 : vector<16xi32>
        %parallel_loop3A_77 = tpu.vector_load_idx %arg6[%parallel_loop3A_76] : memref<512xf32, #tpu.memory_space<vmem>>[vector<16xi32>], vector<16xf32>,
        %parallel_loop3A_78 = arith.cmpf olt, %parallel_loop3A_77, %parallel_loop3A_60 : vector<16xf32>
        %parallel_loop3A_79 = arith.constant 128 : i32
        %parallel_loop3A_80 = vector.broadcast %parallel_loop3A_79 : i32 to vector<16xi32>
        %parallel_loop3A_81 = arith.addi %parallel_loop3A_70, %parallel_loop3A_80 : vector<16xi32>
        %parallel_loop3A_82 = arith.select %parallel_loop3A_78, %parallel_loop3A_81, %parallel_loop3A_70 : vector<16xi1>, vector<16xi32>
        %parallel_loop3A_83 = arith.constant 64 : i32
        %parallel_loop3A_84 = arith.addi %mul3A_20, %parallel_loop3A_83 : i32
        %parallel_loop3A_85 = arith.constant 1 : i32
        %parallel_loop3A_86 = arith.subi %parallel_loop3A_84, %parallel_loop3A_85 : i32
        %parallel_loop3A_87 = vector.broadcast %parallel_loop3A_86 : i32 to vector<16xi32>
        %parallel_loop3A_88 = arith.addi %parallel_loop3A_82, %parallel_loop3A_87 : vector<16xi32>
        %parallel_loop3A_89 = tpu.vector_load_idx %arg6[%parallel_loop3A_88] : memref<512xf32, #tpu.memory_space<vmem>>[vector<16xi32>], vector<16xf32>,
        %parallel_loop3A_90 = arith.cmpf olt, %parallel_loop3A_89, %parallel_loop3A_60 : vector<16xf32>
        %parallel_loop3A_91 = arith.constant 64 : i32
        %parallel_loop3A_92 = vector.broadcast %parallel_loop3A_91 : i32 to vector<16xi32>
        %parallel_loop3A_93 = arith.addi %parallel_loop3A_82, %parallel_loop3A_92 : vector<16xi32>
        %parallel_loop3A_94 = arith.select %parallel_loop3A_90, %parallel_loop3A_93, %parallel_loop3A_82 : vector<16xi1>, vector<16xi32>
        %parallel_loop3A_95 = arith.constant 32 : i32
        %parallel_loop3A_96 = arith.addi %mul3A_20, %parallel_loop3A_95 : i32
        %parallel_loop3A_97 = arith.constant 1 : i32
        %parallel_loop3A_98 = arith.subi %parallel_loop3A_96, %parallel_loop3A_97 : i32
        %parallel_loop3A_99 = vector.broadcast %parallel_loop3A_98 : i32 to vector<16xi32>
        %parallel_loop3A_100 = arith.addi %parallel_loop3A_94, %parallel_loop3A_99 : vector<16xi32>
        %parallel_loop3A_101 = tpu.vector_load_idx %arg6[%parallel_loop3A_100] : memref<512xf32, #tpu.memory_space<vmem>>[vector<16xi32>], vector<16xf32>,
        %parallel_loop3A_102 = arith.cmpf olt, %parallel_loop3A_101, %parallel_loop3A_60 : vector<16xf32>
        %parallel_loop3A_103 = arith.constant 32 : i32
        %parallel_loop3A_104 = vector.broadcast %parallel_loop3A_103 : i32 to vector<16xi32>
        %parallel_loop3A_105 = arith.addi %parallel_loop3A_94, %parallel_loop3A_104 : vector<16xi32>
        %parallel_loop3A_106 = arith.select %parallel_loop3A_102, %parallel_loop3A_105, %parallel_loop3A_94 : vector<16xi1>, vector<16xi32>
        %parallel_loop3A_107 = arith.constant 16 : i32
        %parallel_loop3A_108 = arith.addi %mul3A_20, %parallel_loop3A_107 : i32
        %parallel_loop3A_109 = arith.constant 1 : i32
        %parallel_loop3A_110 = arith.subi %parallel_loop3A_108, %parallel_loop3A_109 : i32
        %parallel_loop3A_111 = vector.broadcast %parallel_loop3A_110 : i32 to vector<16xi32>
        %parallel_loop3A_112 = arith.addi %parallel_loop3A_106, %parallel_loop3A_111 : vector<16xi32>
        %parallel_loop3A_113 = tpu.vector_load_idx %arg6[%parallel_loop3A_112] : memref<512xf32, #tpu.memory_space<vmem>>[vector<16xi32>], vector<16xf32>,
        %parallel_loop3A_114 = arith.cmpf olt, %parallel_loop3A_113, %parallel_loop3A_60 : vector<16xf32>
        %parallel_loop3A_115 = arith.constant 16 : i32
        %parallel_loop3A_116 = vector.broadcast %parallel_loop3A_115 : i32 to vector<16xi32>
        %parallel_loop3A_117 = arith.addi %parallel_loop3A_106, %parallel_loop3A_116 : vector<16xi32>
        %parallel_loop3A_118 = arith.select %parallel_loop3A_114, %parallel_loop3A_117, %parallel_loop3A_106 : vector<16xi1>, vector<16xi32>
        %parallel_loop3A_119 = arith.constant 8 : i32
        %parallel_loop3A_120 = arith.addi %mul3A_20, %parallel_loop3A_119 : i32
        %parallel_loop3A_121 = arith.constant 1 : i32
        %parallel_loop3A_122 = arith.subi %parallel_loop3A_120, %parallel_loop3A_121 : i32
        %parallel_loop3A_123 = vector.broadcast %parallel_loop3A_122 : i32 to vector<16xi32>
        %parallel_loop3A_124 = arith.addi %parallel_loop3A_118, %parallel_loop3A_123 : vector<16xi32>
        %parallel_loop3A_125 = tpu.vector_load_idx %arg6[%parallel_loop3A_124] : memref<512xf32, #tpu.memory_space<vmem>>[vector<16xi32>], vector<16xf32>,
        %parallel_loop3A_126 = arith.cmpf olt, %parallel_loop3A_125, %parallel_loop3A_60 : vector<16xf32>
        %parallel_loop3A_127 = arith.constant 8 : i32
        %parallel_loop3A_128 = vector.broadcast %parallel_loop3A_127 : i32 to vector<16xi32>
        %parallel_loop3A_129 = arith.addi %parallel_loop3A_118, %parallel_loop3A_128 : vector<16xi32>
        %parallel_loop3A_130 = arith.select %parallel_loop3A_126, %parallel_loop3A_129, %parallel_loop3A_118 : vector<16xi1>, vector<16xi32>
        %parallel_loop3A_131 = arith.constant 4 : i32
        %parallel_loop3A_132 = arith.addi %mul3A_20, %parallel_loop3A_131 : i32
        %parallel_loop3A_133 = arith.constant 1 : i32
        %parallel_loop3A_134 = arith.subi %parallel_loop3A_132, %parallel_loop3A_133 : i32
        %parallel_loop3A_135 = vector.broadcast %parallel_loop3A_134 : i32 to vector<16xi32>
        %parallel_loop3A_136 = arith.addi %parallel_loop3A_130, %parallel_loop3A_135 : vector<16xi32>
        %parallel_loop3A_137 = tpu.vector_load_idx %arg6[%parallel_loop3A_136] : memref<512xf32, #tpu.memory_space<vmem>>[vector<16xi32>], vector<16xf32>,
        %parallel_loop3A_138 = arith.cmpf olt, %parallel_loop3A_137, %parallel_loop3A_60 : vector<16xf32>
        %parallel_loop3A_139 = arith.constant 4 : i32
        %parallel_loop3A_140 = vector.broadcast %parallel_loop3A_139 : i32 to vector<16xi32>
        %parallel_loop3A_141 = arith.addi %parallel_loop3A_130, %parallel_loop3A_140 : vector<16xi32>
        %parallel_loop3A_142 = arith.select %parallel_loop3A_138, %parallel_loop3A_141, %parallel_loop3A_130 : vector<16xi1>, vector<16xi32>
        %parallel_loop3A_143 = arith.constant 2 : i32
        %parallel_loop3A_144 = arith.addi %mul3A_20, %parallel_loop3A_143 : i32
        %parallel_loop3A_145 = arith.constant 1 : i32
        %parallel_loop3A_146 = arith.subi %parallel_loop3A_144, %parallel_loop3A_145 : i32
        %parallel_loop3A_147 = vector.broadcast %parallel_loop3A_146 : i32 to vector<16xi32>
        %parallel_loop3A_148 = arith.addi %parallel_loop3A_142, %parallel_loop3A_147 : vector<16xi32>
        %parallel_loop3A_149 = tpu.vector_load_idx %arg6[%parallel_loop3A_148] : memref<512xf32, #tpu.memory_space<vmem>>[vector<16xi32>], vector<16xf32>,
        %parallel_loop3A_150 = arith.cmpf olt, %parallel_loop3A_149, %parallel_loop3A_60 : vector<16xf32>
        %parallel_loop3A_151 = arith.constant 2 : i32
        %parallel_loop3A_152 = vector.broadcast %parallel_loop3A_151 : i32 to vector<16xi32>
        %parallel_loop3A_153 = arith.addi %parallel_loop3A_142, %parallel_loop3A_152 : vector<16xi32>
        %parallel_loop3A_154 = arith.select %parallel_loop3A_150, %parallel_loop3A_153, %parallel_loop3A_142 : vector<16xi1>, vector<16xi32>
        %parallel_loop3A_155 = arith.constant 1 : i32
        %parallel_loop3A_156 = arith.addi %mul3A_20, %parallel_loop3A_155 : i32
        %parallel_loop3A_157 = arith.constant 1 : i32
        %parallel_loop3A_158 = arith.subi %parallel_loop3A_156, %parallel_loop3A_157 : i32
        %parallel_loop3A_159 = vector.broadcast %parallel_loop3A_158 : i32 to vector<16xi32>
        %parallel_loop3A_160 = arith.addi %parallel_loop3A_154, %parallel_loop3A_159 : vector<16xi32>
        %parallel_loop3A_161 = tpu.vector_load_idx %arg6[%parallel_loop3A_160] : memref<512xf32, #tpu.memory_space<vmem>>[vector<16xi32>], vector<16xf32>,
        %parallel_loop3A_162 = arith.cmpf olt, %parallel_loop3A_161, %parallel_loop3A_60 : vector<16xf32>
        %parallel_loop3A_163 = arith.constant 1 : i32
        %parallel_loop3A_164 = vector.broadcast %parallel_loop3A_163 : i32 to vector<16xi32>
        %parallel_loop3A_165 = arith.addi %parallel_loop3A_154, %parallel_loop3A_164 : vector<16xi32>
        %parallel_loop3A_166 = arith.select %parallel_loop3A_162, %parallel_loop3A_165, %parallel_loop3A_154 : vector<16xi1>, vector<16xi32>
        %parallel_loop3A_167 = vector.broadcast %mul3A_20 : i32 to vector<16xi32>
        %parallel_loop3A_168 = arith.addi %parallel_loop3A_166, %parallel_loop3A_167 : vector<16xi32>
        %parallel_loop3A_169 = tpu.vector_load_idx %arg6[%parallel_loop3A_168] : memref<512xf32, #tpu.memory_space<vmem>>[vector<16xi32>], vector<16xf32>,
        %parallel_loop3A_170 = arith.cmpf olt, %parallel_loop3A_169, %parallel_loop3A_60 : vector<16xf32>
        %parallel_loop3A_171 = arith.extui %parallel_loop3A_170 : vector<16xi1> to vector<16xi32>
        %parallel_loop3A_172 = arith.addi %parallel_loop3A_166, %parallel_loop3A_171 : vector<16xi32>
        %parallel_loop3A_173 = arith.constant 1 : i32
        %parallel_loop3A_174 = vector.broadcast %parallel_loop3A_173 : i32 to vector<16xi32>
        %parallel_loop3A_175 = arith.addi %parallel_loop3A_166, %parallel_loop3A_174 : vector<16xi32>
        %parallel_loop3A_176 = arith.constant 255 : i32
        %parallel_loop3A_177 = vector.broadcast %parallel_loop3A_176 : i32 to vector<16xi32>
        %parallel_loop3A_178 = arith.minsi %parallel_loop3A_175, %parallel_loop3A_177 : vector<16xi32>
        %parallel_loop3A_179 = arith.constant 1 : i32
        %parallel_loop3A_180 = vector.broadcast %parallel_loop3A_179 : i32 to vector<16xi32>
        %parallel_loop3A_181 = arith.subi %parallel_loop3A_166, %parallel_loop3A_180 : vector<16xi32>
        %parallel_loop3A_182 = arith.constant 0 : i32
        %parallel_loop3A_183 = vector.broadcast %parallel_loop3A_182 : i32 to vector<16xi32>
        %parallel_loop3A_184 = arith.maxsi %parallel_loop3A_181, %parallel_loop3A_183 : vector<16xi32>
        %parallel_loop3A_185 = arith.select %parallel_loop3A_170, %parallel_loop3A_178, %parallel_loop3A_184 : vector<16xi1>, vector<16xi32>
        %parallel_loop3A_186 = vector.broadcast %mul3A_20 : i32 to vector<16xi32>
        %parallel_loop3A_187 = arith.addi %parallel_loop3A_185, %parallel_loop3A_186 : vector<16xi32>
        %parallel_loop3A_188 = tpu.vector_load_idx %arg6[%parallel_loop3A_187] : memref<512xf32, #tpu.memory_space<vmem>>[vector<16xi32>], vector<16xf32>,
        %parallel_loop3A_189 = arith.subf %parallel_loop3A_60, %parallel_loop3A_169 : vector<16xf32>
        %parallel_loop3A_190 = arith.subf %parallel_loop3A_60, %parallel_loop3A_188 : vector<16xf32>
        %parallel_loop3A_191 = arith.mulf %parallel_loop3A_189, %parallel_loop3A_189 : vector<16xf32>
        %parallel_loop3A_192 = arith.mulf %parallel_loop3A_190, %parallel_loop3A_190 : vector<16xf32>
        %parallel_loop3A_193 = arith.minimumf %parallel_loop3A_191, %parallel_loop3A_192 : vector<16xf32>
        %parallel_loop3A_194 = arith.select %parallel_loop3A_68, %parallel_loop3A_193, %broadcast_in_dim3A_0 : vector<16xi1>, vector<16xf32>
        %parallel_loop3A_195 = arith.addf %parallel_loop3A_51, %parallel_loop3A_194 : vector<16xf32>
        %parallel_loop3A_196 = arith.addf %parallel_loop3A_52, %parallel_loop3A_65 : vector<16xf32>
        %parallel_loop3A_197 = arith.constant 257 : i32
        %parallel_loop3A_198 = vector.broadcast %parallel_loop3A_197 : i32 to vector<16xi32>
        %parallel_loop3A_199 = arith.select %parallel_loop3A_68, %parallel_loop3A_172, %parallel_loop3A_198 : vector<16xi1>, vector<16xi32>
        %parallel_loop3A_200 = arith.constant dense<true> : vector<16xi1>
        %parallel_loop3A_201 = arith.constant -2147483648 : i32
        %parallel_loop3A_202 = vector.broadcast %parallel_loop3A_201 : i32 to vector<16xi32>
        %parallel_loop3A_203 = arith.xori %parallel_loop3A_199, %parallel_loop3A_202 : vector<16xi32>
        %parallel_loop3A_204, %parallel_loop3A_205, %parallel_loop3A_206 = tpu.sort %parallel_loop3A_203, %parallel_loop3A_60 masked %parallel_loop3A_200 : (vector<16xi32>, vector<16xf32>, vector<16xi1>) -> (vector<16xi1>, vector<16xi32>, vector<16xf32>)
        %parallel_loop3A_207 = arith.xori %parallel_loop3A_205, %parallel_loop3A_202 : vector<16xi32>
        %parallel_loop3A_208 = arith.constant true
        %parallel_loop3A_209 = vector.broadcast %parallel_loop3A_208 : i1 to vector<16xi1>
        %parallel_loop3A_210, %parallel_loop3A_211 = tpu.scan_count mask(%parallel_loop3A_209 : vector<16xi1>) value(%parallel_loop3A_207 : vector<16xi32>) : vector<16xi1>, vector<16xi32>
        %parallel_loop3A_212 = arith.constant 1 : i32
        %parallel_loop3A_213 = vector.broadcast %parallel_loop3A_212 : i32 to vector<16xi32>
        %parallel_loop3A_214 = arith.cmpi eq, %parallel_loop3A_211, %parallel_loop3A_213 : vector<16xi32>
        %parallel_loop3A_215 = arith.constant 257 : i32
        %parallel_loop3A_216 = vector.broadcast %parallel_loop3A_215 : i32 to vector<16xi32>
        %parallel_loop3A_217 = arith.cmpi eq, %parallel_loop3A_207, %parallel_loop3A_216 : vector<16xi32>
        %parallel_loop3A_218 = arith.constant 1.000000e+10 : f32
        %parallel_loop3A_219 = vector.broadcast %parallel_loop3A_218 : f32 to vector<16xf32>
        %parallel_loop3A_220 = arith.select %parallel_loop3A_217, %parallel_loop3A_219, %parallel_loop3A_206 : vector<16xi1>, vector<16xf32>
        %parallel_loop3A_221 = arith.constant true
        %parallel_loop3A_222 = vector.broadcast %parallel_loop3A_221 : i1 to vector<16xi1>
        %parallel_loop3A_223 = tpu.scan <max>, %parallel_loop3A_206 masked %parallel_loop3A_222 : vector<16xf32>, vector<16xi1> -> vector<16xf32>
        %parallel_loop3A_224 = arith.constant 0.000000e+00 : f32
        %parallel_loop3A_225 = vector.broadcast %parallel_loop3A_224 : f32 to vector<16xf32>
        %parallel_loop3A_226 = arith.subf %parallel_loop3A_225, %parallel_loop3A_220 : vector<16xf32>
        %parallel_loop3A_227 = arith.constant 15 : i32
        %parallel_loop3A_228 = vector.broadcast %parallel_loop3A_227 : i32 to vector<16xi32>
        %parallel_loop3A_229 = tpu.iota {dimensions = array<i32: 0>} : vector<16xi32>
        %parallel_loop3A_230 = arith.subi %parallel_loop3A_228, %parallel_loop3A_229 : vector<16xi32>
        %parallel_loop3A_231 = tpu.dynamic_gather %parallel_loop3A_226[%parallel_loop3A_230] in [0] : vector<16xf32>, vector<16xi32> -> vector<16xf32>
        %parallel_loop3A_232 = arith.constant true
        %parallel_loop3A_233 = vector.broadcast %parallel_loop3A_232 : i1 to vector<16xi1>
        %parallel_loop3A_234 = tpu.scan <max>, %parallel_loop3A_231 masked %parallel_loop3A_233 : vector<16xf32>, vector<16xi1> -> vector<16xf32>
        %parallel_loop3A_235 = arith.constant 15 : i32
        %parallel_loop3A_236 = vector.broadcast %parallel_loop3A_235 : i32 to vector<16xi32>
        %parallel_loop3A_237 = tpu.iota {dimensions = array<i32: 0>} : vector<16xi32>
        %parallel_loop3A_238 = arith.subi %parallel_loop3A_236, %parallel_loop3A_237 : vector<16xi32>
        %parallel_loop3A_239 = tpu.dynamic_gather %parallel_loop3A_234[%parallel_loop3A_238] in [0] : vector<16xf32>, vector<16xi32> -> vector<16xf32>
        %parallel_loop3A_240 = arith.constant 0.000000e+00 : f32
        %parallel_loop3A_241 = vector.broadcast %parallel_loop3A_240 : f32 to vector<16xf32>
        %parallel_loop3A_242 = arith.subf %parallel_loop3A_241, %parallel_loop3A_239 : vector<16xf32>
        %parallel_loop3A_243 = arith.constant 260 : i32
        %parallel_loop3A_244 = vector.broadcast %parallel_loop3A_243 : i32 to vector<16xi32>
        %parallel_loop3A_245 = arith.select %parallel_loop3A_210, %parallel_loop3A_207, %parallel_loop3A_244 : vector<16xi1>, vector<16xi32>
        %parallel_loop3A_246 = arith.index_cast %parallel_loop3A_55 : i32 to index
        %parallel_loop3A_247 = tpu.vector_load %arg12[%parallel_loop3A_246] {strides = array<i32>} : memref<1280xi32, #tpu.memory_space<vmem>>, vector<16xi32>,
        tpu.vector_store %arg12[%parallel_loop3A_246], %parallel_loop3A_245 {strides = array<i32>} : memref<1280xi32, #tpu.memory_space<vmem>>, vector<16xi32>,
        %parallel_loop3A_248 = arith.constant -1.000000e+10 : f32
        %parallel_loop3A_249 = vector.broadcast %parallel_loop3A_248 : f32 to vector<16xf32>
        %parallel_loop3A_250 = arith.select %parallel_loop3A_210, %parallel_loop3A_223, %parallel_loop3A_249 : vector<16xi1>, vector<16xf32>
        %parallel_loop3A_251 = arith.index_cast %parallel_loop3A_55 : i32 to index
        %parallel_loop3A_252 = tpu.vector_load %arg13[%parallel_loop3A_251] {strides = array<i32>} : memref<1280xf32, #tpu.memory_space<vmem>>, vector<16xf32>,
        tpu.vector_store %arg13[%parallel_loop3A_251], %parallel_loop3A_250 {strides = array<i32>} : memref<1280xf32, #tpu.memory_space<vmem>>, vector<16xf32>,
        %parallel_loop3A_253 = arith.constant 261 : i32
        %parallel_loop3A_254 = vector.broadcast %parallel_loop3A_253 : i32 to vector<16xi32>
        %parallel_loop3A_255 = arith.select %parallel_loop3A_214, %parallel_loop3A_207, %parallel_loop3A_254 : vector<16xi1>, vector<16xi32>
        %parallel_loop3A_256 = arith.index_cast %parallel_loop3A_55 : i32 to index
        %parallel_loop3A_257 = tpu.vector_load %arg14[%parallel_loop3A_256] {strides = array<i32>} : memref<1280xi32, #tpu.memory_space<vmem>>, vector<16xi32>,
        tpu.vector_store %arg14[%parallel_loop3A_256], %parallel_loop3A_255 {strides = array<i32>} : memref<1280xi32, #tpu.memory_space<vmem>>, vector<16xi32>,
        %parallel_loop3A_258 = arith.constant 1.000000e+10 : f32
        %parallel_loop3A_259 = vector.broadcast %parallel_loop3A_258 : f32 to vector<16xf32>
        %parallel_loop3A_260 = arith.select %parallel_loop3A_214, %parallel_loop3A_242, %parallel_loop3A_259 : vector<16xi1>, vector<16xf32>
        %parallel_loop3A_261 = arith.index_cast %parallel_loop3A_55 : i32 to index
        %parallel_loop3A_262 = tpu.vector_load %arg15[%parallel_loop3A_261] {strides = array<i32>} : memref<1280xf32, #tpu.memory_space<vmem>>, vector<16xf32>,
        tpu.vector_store %arg15[%parallel_loop3A_261], %parallel_loop3A_260 {strides = array<i32>} : memref<1280xf32, #tpu.memory_space<vmem>>, vector<16xf32>,
        scf.yield %parallel_loop3A_195, %parallel_loop3A_196 : vector<16xf32>, vector<16xf32>
      } {sc.loop_unroll_factor = 4 : i64, sc.parallel_access}
      %scan3A_31 = arith.constant 0 : i32
      %scan3A_32 = arith.constant 0 : i32
      %scan3A_33 = arith.constant 80 : i32
      %scan3A_34 = arith.addi %scan3A_32, %scan3A_33 : i32
      %scan3A_35 = arith.constant 4 : i32
      %scan3A_36 = scf.for %scan3A_50 = %scan3A_32 to %scan3A_34 step %scan3A_35 iter_args(%scan3A_51 = %scan3A_31) -> (i32)  : i32 {
        %mul3A_52 = arith.constant 16 : i32
        %mul3A_53 = arith.muli %scan3A_50, %mul3A_52 : i32
        %multiple_of3A = tpu.assume_multiple %mul3A_53, 16 : i32
        %get3A = arith.index_cast %multiple_of3A : i32 to index
        %get3A_54 = tpu.vector_load %arg12[%get3A] {strides = array<i32>} : memref<1280xi32, #tpu.memory_space<vmem>>, vector<16xi32>,
        %get3A_55 = arith.index_cast %multiple_of3A : i32 to index
        %get3A_56 = tpu.vector_load %arg13[%get3A_55] {strides = array<i32>} : memref<1280xf32, #tpu.memory_space<vmem>>, vector<16xf32>,
        %gather3A = tpu.vector_load_idx %arg9[%get3A_54] : memref<272xf32, #tpu.memory_space<vmem>>[vector<16xi32>], vector<16xf32>,
        %max3A = arith.maximumf %gather3A, %get3A_56 : vector<16xf32>
        tpu.vector_store_idx %arg9[%get3A_54], %max3A : memref<272xf32, #tpu.memory_space<vmem>>[vector<16xi32>], vector<16xf32>,
        %get3A_57 = arith.index_cast %multiple_of3A : i32 to index
        %get3A_58 = tpu.vector_load %arg14[%get3A_57] {strides = array<i32>} : memref<1280xi32, #tpu.memory_space<vmem>>, vector<16xi32>,
        %get3A_59 = arith.index_cast %multiple_of3A : i32 to index
        %get3A_60 = tpu.vector_load %arg15[%get3A_59] {strides = array<i32>} : memref<1280xf32, #tpu.memory_space<vmem>>, vector<16xf32>,
        %gather3A_61 = tpu.vector_load_idx %arg10[%get3A_58] : memref<272xf32, #tpu.memory_space<vmem>>[vector<16xi32>], vector<16xf32>,
        %min3A = arith.minimumf %gather3A_61, %get3A_60 : vector<16xf32>
        tpu.vector_store_idx %arg10[%get3A_58], %min3A : memref<272xf32, #tpu.memory_space<vmem>>[vector<16xi32>], vector<16xf32>,
        %scan3A_62 = arith.constant 0 : i32
        %scan3A_63 = arith.constant 1 : i32
        %scan3A_64 = arith.addi %scan3A_50, %scan3A_63 : i32
        %mul3A_65 = arith.constant 16 : i32
        %mul3A_66 = arith.muli %scan3A_64, %mul3A_65 : i32
        %multiple_of3A_67 = tpu.assume_multiple %mul3A_66, 16 : i32
        %get3A_68 = arith.index_cast %multiple_of3A_67 : i32 to index
        %get3A_69 = tpu.vector_load %arg12[%get3A_68] {strides = array<i32>} : memref<1280xi32, #tpu.memory_space<vmem>>, vector<16xi32>,
        %get3A_70 = arith.index_cast %multiple_of3A_67 : i32 to index
        %get3A_71 = tpu.vector_load %arg13[%get3A_70] {strides = array<i32>} : memref<1280xf32, #tpu.memory_space<vmem>>, vector<16xf32>,
        %gather3A_72 = tpu.vector_load_idx %arg9[%get3A_69] : memref<272xf32, #tpu.memory_space<vmem>>[vector<16xi32>], vector<16xf32>,
        %max3A_73 = arith.maximumf %gather3A_72, %get3A_71 : vector<16xf32>
        tpu.vector_store_idx %arg9[%get3A_69], %max3A_73 : memref<272xf32, #tpu.memory_space<vmem>>[vector<16xi32>], vector<16xf32>,
        %get3A_74 = arith.index_cast %multiple_of3A_67 : i32 to index
        %get3A_75 = tpu.vector_load %arg14[%get3A_74] {strides = array<i32>} : memref<1280xi32, #tpu.memory_space<vmem>>, vector<16xi32>,
        %get3A_76 = arith.index_cast %multiple_of3A_67 : i32 to index
        %get3A_77 = tpu.vector_load %arg15[%get3A_76] {strides = array<i32>} : memref<1280xf32, #tpu.memory_space<vmem>>, vector<16xf32>,
        %gather3A_78 = tpu.vector_load_idx %arg10[%get3A_75] : memref<272xf32, #tpu.memory_space<vmem>>[vector<16xi32>], vector<16xf32>,
        %min3A_79 = arith.minimumf %gather3A_78, %get3A_77 : vector<16xf32>
        tpu.vector_store_idx %arg10[%get3A_75], %min3A_79 : memref<272xf32, #tpu.memory_space<vmem>>[vector<16xi32>], vector<16xf32>,
        %scan3A_80 = arith.constant 0 : i32
        %scan3A_81 = arith.constant 2 : i32
        %scan3A_82 = arith.addi %scan3A_50, %scan3A_81 : i32
        %mul3A_83 = arith.constant 16 : i32
        %mul3A_84 = arith.muli %scan3A_82, %mul3A_83 : i32
        %multiple_of3A_85 = tpu.assume_multiple %mul3A_84, 16 : i32
        %get3A_86 = arith.index_cast %multiple_of3A_85 : i32 to index
        %get3A_87 = tpu.vector_load %arg12[%get3A_86] {strides = array<i32>} : memref<1280xi32, #tpu.memory_space<vmem>>, vector<16xi32>,
        %get3A_88 = arith.index_cast %multiple_of3A_85 : i32 to index
        %get3A_89 = tpu.vector_load %arg13[%get3A_88] {strides = array<i32>} : memref<1280xf32, #tpu.memory_space<vmem>>, vector<16xf32>,
        %gather3A_90 = tpu.vector_load_idx %arg9[%get3A_87] : memref<272xf32, #tpu.memory_space<vmem>>[vector<16xi32>], vector<16xf32>,
        %max3A_91 = arith.maximumf %gather3A_90, %get3A_89 : vector<16xf32>
        tpu.vector_store_idx %arg9[%get3A_87], %max3A_91 : memref<272xf32, #tpu.memory_space<vmem>>[vector<16xi32>], vector<16xf32>,
        %get3A_92 = arith.index_cast %multiple_of3A_85 : i32 to index
        %get3A_93 = tpu.vector_load %arg14[%get3A_92] {strides = array<i32>} : memref<1280xi32, #tpu.memory_space<vmem>>, vector<16xi32>,
        %get3A_94 = arith.index_cast %multiple_of3A_85 : i32 to index
        %get3A_95 = tpu.vector_load %arg15[%get3A_94] {strides = array<i32>} : memref<1280xf32, #tpu.memory_space<vmem>>, vector<16xf32>,
        %gather3A_96 = tpu.vector_load_idx %arg10[%get3A_93] : memref<272xf32, #tpu.memory_space<vmem>>[vector<16xi32>], vector<16xf32>,
        %min3A_97 = arith.minimumf %gather3A_96, %get3A_95 : vector<16xf32>
        tpu.vector_store_idx %arg10[%get3A_93], %min3A_97 : memref<272xf32, #tpu.memory_space<vmem>>[vector<16xi32>], vector<16xf32>,
        %scan3A_98 = arith.constant 0 : i32
        %scan3A_99 = arith.constant 3 : i32
        %scan3A_100 = arith.addi %scan3A_50, %scan3A_99 : i32
        %mul3A_101 = arith.constant 16 : i32
        %mul3A_102 = arith.muli %scan3A_100, %mul3A_101 : i32
        %multiple_of3A_103 = tpu.assume_multiple %mul3A_102, 16 : i32
        %get3A_104 = arith.index_cast %multiple_of3A_103 : i32 to index
        %get3A_105 = tpu.vector_load %arg12[%get3A_104] {strides = array<i32>} : memref<1280xi32, #tpu.memory_space<vmem>>, vector<16xi32>,
        %get3A_106 = arith.index_cast %multiple_of3A_103 : i32 to index
        %get3A_107 = tpu.vector_load %arg13[%get3A_106] {strides = array<i32>} : memref<1280xf32, #tpu.memory_space<vmem>>, vector<16xf32>,
        %gather3A_108 = tpu.vector_load_idx %arg9[%get3A_105] : memref<272xf32, #tpu.memory_space<vmem>>[vector<16xi32>], vector<16xf32>,
        %max3A_109 = arith.maximumf %gather3A_108, %get3A_107 : vector<16xf32>
        tpu.vector_store_idx %arg9[%get3A_105], %max3A_109 : memref<272xf32, #tpu.memory_space<vmem>>[vector<16xi32>], vector<16xf32>,
        %get3A_110 = arith.index_cast %multiple_of3A_103 : i32 to index
        %get3A_111 = tpu.vector_load %arg14[%get3A_110] {strides = array<i32>} : memref<1280xi32, #tpu.memory_space<vmem>>, vector<16xi32>,
        %get3A_112 = arith.index_cast %multiple_of3A_103 : i32 to index
        %get3A_113 = tpu.vector_load %arg15[%get3A_112] {strides = array<i32>} : memref<1280xf32, #tpu.memory_space<vmem>>, vector<16xf32>,
        %gather3A_114 = tpu.vector_load_idx %arg10[%get3A_111] : memref<272xf32, #tpu.memory_space<vmem>>[vector<16xi32>], vector<16xf32>,
        %min3A_115 = arith.minimumf %gather3A_114, %get3A_113 : vector<16xf32>
        tpu.vector_store_idx %arg10[%get3A_111], %min3A_115 : memref<272xf32, #tpu.memory_space<vmem>>[vector<16xi32>], vector<16xf32>,
        %scan3A_116 = arith.constant 0 : i32
        scf.yield %scan3A_116 : i32
      }
      %scan3A_37 = arith.constant 80 : i32
      %swap3A = arith.constant 0 : index
      %swap3A_38 = tpu.vector_load %arg11[%swap3A] {strides = array<i32>} : memref<32xf32, #tpu.memory_space<vmem>>, vector<16xf32>,
      tpu.vector_store %arg11[%swap3A], %parallel_loop3A_30#0 {strides = array<i32>} : memref<32xf32, #tpu.memory_space<vmem>>, vector<16xf32>,
      %swap3A_39 = arith.constant 16 : index
      %swap3A_40 = tpu.vector_load %arg11[%swap3A_39] {strides = array<i32>} : memref<32xf32, #tpu.memory_space<vmem>>, vector<16xf32>,
      tpu.vector_store %arg11[%swap3A_39], %parallel_loop3A_30#1 {strides = array<i32>} : memref<32xf32, #tpu.memory_space<vmem>>, vector<16xf32>,
      %mul3A_41 = arith.constant 16 : i32
      %mul3A_42 = arith.muli %scan3A_17, %mul3A_41 : i32
      %add3A = arith.addi %mul3A_42, %arg1 : i32
      %mul3A_43 = arith.constant 576 : i32
      %mul3A_44 = arith.muli %add3A, %mul3A_43 : i32
      "tpu.region"() ({
        %run_scoped3A = tpu.sem_alloc : memref<!tpu.dma_semaphore, #tpu.memory_space<semaphore_mem>>
        %dma_start3A = tpu.memref_slice %arg20[%mul3A_44] : memref<18432xf32, #tpu.memory_space<vmem_shared>> -> memref<272xf32, #tpu.memory_space<vmem_shared>>
        %dma_start3A_50 = tpu.memref_slice %arg20[%mul3A_44] : memref<18432xf32, #tpu.memory_space<vmem_shared>> -> memref<272xf32, #tpu.memory_space<vmem_shared>>
        tpu.enqueue_dma source(%arg9 : memref<272xf32, #tpu.memory_space<vmem>>) target(%dma_start3A_50 : memref<272xf32, #tpu.memory_space<vmem_shared>>) target_semaphore(%run_scoped3A : memref<!tpu.dma_semaphore, #tpu.memory_space<semaphore_mem>>)
        %dma_wait3A = tpu.memref_slice %arg20[%mul3A_44] : memref<18432xf32, #tpu.memory_space<vmem_shared>> -> memref<272xf32, #tpu.memory_space<vmem_shared>>
        %dma_wait3A_51 = tpu.memref_slice %arg20[%mul3A_44] : memref<18432xf32, #tpu.memory_space<vmem_shared>> -> memref<272xf32, #tpu.memory_space<vmem_shared>>
        tpu.wait_dma2 semaphore(%run_scoped3A : memref<!tpu.dma_semaphore, #tpu.memory_space<semaphore_mem>>) src(%arg9 : memref<272xf32, #tpu.memory_space<vmem>>) dst(%dma_wait3A_51 : memref<272xf32, #tpu.memory_space<vmem_shared>>)
        tpu.yield
      }) : () -> ()
      %add3A_45 = arith.constant 272 : i32
      %add3A_46 = arith.addi %mul3A_44, %add3A_45 : i32
      "tpu.region"() ({
        %run_scoped3A = tpu.sem_alloc : memref<!tpu.dma_semaphore, #tpu.memory_space<semaphore_mem>>
        %dma_start3A = tpu.memref_slice %arg20[%add3A_46] : memref<18432xf32, #tpu.memory_space<vmem_shared>> -> memref<272xf32, #tpu.memory_space<vmem_shared>>
        %dma_start3A_50 = tpu.memref_slice %arg20[%add3A_46] : memref<18432xf32, #tpu.memory_space<vmem_shared>> -> memref<272xf32, #tpu.memory_space<vmem_shared>>
        tpu.enqueue_dma source(%arg10 : memref<272xf32, #tpu.memory_space<vmem>>) target(%dma_start3A_50 : memref<272xf32, #tpu.memory_space<vmem_shared>>) target_semaphore(%run_scoped3A : memref<!tpu.dma_semaphore, #tpu.memory_space<semaphore_mem>>)
        %dma_wait3A = tpu.memref_slice %arg20[%add3A_46] : memref<18432xf32, #tpu.memory_space<vmem_shared>> -> memref<272xf32, #tpu.memory_space<vmem_shared>>
        %dma_wait3A_51 = tpu.memref_slice %arg20[%add3A_46] : memref<18432xf32, #tpu.memory_space<vmem_shared>> -> memref<272xf32, #tpu.memory_space<vmem_shared>>
        tpu.wait_dma2 semaphore(%run_scoped3A : memref<!tpu.dma_semaphore, #tpu.memory_space<semaphore_mem>>) src(%arg10 : memref<272xf32, #tpu.memory_space<vmem>>) dst(%dma_wait3A_51 : memref<272xf32, #tpu.memory_space<vmem_shared>>)
        tpu.yield
      }) : () -> ()
      %add3A_47 = arith.constant 544 : i32
      %add3A_48 = arith.addi %mul3A_44, %add3A_47 : i32
      "tpu.region"() ({
        %run_scoped3A = tpu.sem_alloc : memref<!tpu.dma_semaphore, #tpu.memory_space<semaphore_mem>>
        %dma_start3A = tpu.memref_slice %arg20[%add3A_48] : memref<18432xf32, #tpu.memory_space<vmem_shared>> -> memref<32xf32, #tpu.memory_space<vmem_shared>>
        %dma_start3A_50 = tpu.memref_slice %arg20[%add3A_48] : memref<18432xf32, #tpu.memory_space<vmem_shared>> -> memref<32xf32, #tpu.memory_space<vmem_shared>>
        tpu.enqueue_dma source(%arg11 : memref<32xf32, #tpu.memory_space<vmem>>) target(%dma_start3A_50 : memref<32xf32, #tpu.memory_space<vmem_shared>>) target_semaphore(%run_scoped3A : memref<!tpu.dma_semaphore, #tpu.memory_space<semaphore_mem>>)
        %dma_wait3A = tpu.memref_slice %arg20[%add3A_48] : memref<18432xf32, #tpu.memory_space<vmem_shared>> -> memref<32xf32, #tpu.memory_space<vmem_shared>>
        %dma_wait3A_51 = tpu.memref_slice %arg20[%add3A_48] : memref<18432xf32, #tpu.memory_space<vmem_shared>> -> memref<32xf32, #tpu.memory_space<vmem_shared>>
        tpu.wait_dma2 semaphore(%run_scoped3A : memref<!tpu.dma_semaphore, #tpu.memory_space<semaphore_mem>>) src(%arg11 : memref<32xf32, #tpu.memory_space<vmem>>) dst(%dma_wait3A_51 : memref<32xf32, #tpu.memory_space<vmem_shared>>)
        tpu.yield
      }) : () -> ()
      %scan3A_49 = arith.constant 0 : i32
      scf.yield %scan3A_49 : i32
    }
    %scan3A_14 = arith.constant 2 : i32
    %barrier3A = arith.constant 0 : index
    tpu.barrier barrier_id(%barrier3A)
    %lt3A = arith.constant 2 : i32
    %lt3A_15 = arith.cmpi slt, %arg1, %lt3A : i32
    %convert_element_type3A = arith.extui %lt3A_15 : i1 to i32
    %cond3A = arith.constant 0 : i32
    %cond3A_16 = arith.cmpi ne, %convert_element_type3A, %cond3A : i32
    scf.if %cond3A_16 {
      %mul3A_17 = arith.constant 9216 : i32
      %mul3A_18 = arith.muli %arg1, %mul3A_17 : i32
      "tpu.region"() ({
        %run_scoped3A = tpu.sem_alloc : memref<!tpu.dma_semaphore, #tpu.memory_space<semaphore_mem>>
        %dma_start3A = tpu.memref_slice %arg20[%mul3A_18] : memref<18432xf32, #tpu.memory_space<vmem_shared>> -> memref<9216xf32, #tpu.memory_space<vmem_shared>>
        %dma_start3A_170 = tpu.memref_slice %arg20[%mul3A_18] : memref<18432xf32, #tpu.memory_space<vmem_shared>> -> memref<9216xf32, #tpu.memory_space<vmem_shared>>
        tpu.enqueue_dma source(%dma_start3A_170 : memref<9216xf32, #tpu.memory_space<vmem_shared>>) target(%arg18 : memref<9216xf32, #tpu.memory_space<vmem>>) target_semaphore(%run_scoped3A : memref<!tpu.dma_semaphore, #tpu.memory_space<semaphore_mem>>)
        %dma_wait3A = tpu.memref_slice %arg20[%mul3A_18] : memref<18432xf32, #tpu.memory_space<vmem_shared>> -> memref<9216xf32, #tpu.memory_space<vmem_shared>>
        %dma_wait3A_171 = tpu.memref_slice %arg20[%mul3A_18] : memref<18432xf32, #tpu.memory_space<vmem_shared>> -> memref<9216xf32, #tpu.memory_space<vmem_shared>>
        tpu.wait_dma2 semaphore(%run_scoped3A : memref<!tpu.dma_semaphore, #tpu.memory_space<semaphore_mem>>) src(%dma_wait3A_171 : memref<9216xf32, #tpu.memory_space<vmem_shared>>) dst(%arg18 : memref<9216xf32, #tpu.memory_space<vmem>>)
        tpu.yield
      }) : () -> ()
      %scan3A_19 = arith.constant 0 : i32
      %scan3A_20 = arith.constant 0 : i32
      %scan3A_21 = arith.constant 17 : i32
      %scan3A_22 = arith.addi %scan3A_20, %scan3A_21 : i32
      %scan3A_23 = arith.constant 1 : i32
      %scan3A_24 = scf.for %scan3A_170 = %scan3A_20 to %scan3A_22 step %scan3A_23 iter_args(%scan3A_171 = %scan3A_19) -> (i32)  : i32 {
        %mul3A_172 = arith.constant 16 : i32
        %mul3A_173 = arith.muli %scan3A_170, %mul3A_172 : i32
        %multiple_of3A = tpu.assume_multiple %mul3A_173, 16 : i32
        %broadcast_in_dim3A_174 = arith.constant -1.000000e+10 : f32
        %broadcast_in_dim3A_175 = vector.broadcast %broadcast_in_dim3A_174 : f32 to vector<16xf32>
        %broadcast_in_dim3A_176 = arith.constant 1.000000e+10 : f32
        %broadcast_in_dim3A_177 = vector.broadcast %broadcast_in_dim3A_176 : f32 to vector<16xf32>
        %add3A_178 = arith.constant 0 : i32
        %add3A_179 = arith.addi %add3A_178, %multiple_of3A : i32
        %get3A_180 = arith.index_cast %add3A_179 : i32 to index
        %get3A_181 = tpu.vector_load %arg18[%get3A_180] {strides = array<i32>} : memref<9216xf32, #tpu.memory_space<vmem>>, vector<16xf32>,
        %max3A_182 = arith.maximumf %broadcast_in_dim3A_175, %get3A_181 : vector<16xf32>
        %add3A_183 = arith.constant 272 : i32
        %add3A_184 = arith.addi %add3A_183, %multiple_of3A : i32
        %get3A_185 = arith.index_cast %add3A_184 : i32 to index
        %get3A_186 = tpu.vector_load %arg18[%get3A_185] {strides = array<i32>} : memref<9216xf32, #tpu.memory_space<vmem>>, vector<16xf32>,
        %min3A = arith.minimumf %broadcast_in_dim3A_177, %get3A_186 : vector<16xf32>
        %add3A_187 = arith.constant 576 : i32
        %add3A_188 = arith.addi %add3A_187, %multiple_of3A : i32
        %get3A_189 = arith.index_cast %add3A_188 : i32 to index
        %get3A_190 = tpu.vector_load %arg18[%get3A_189] {strides = array<i32>} : memref<9216xf32, #tpu.memory_space<vmem>>, vector<16xf32>,
        %max3A_191 = arith.maximumf %max3A_182, %get3A_190 : vector<16xf32>
        %add3A_192 = arith.constant 848 : i32
        %add3A_193 = arith.addi %add3A_192, %multiple_of3A : i32
        %get3A_194 = arith.index_cast %add3A_193 : i32 to index
        %get3A_195 = tpu.vector_load %arg18[%get3A_194] {strides = array<i32>} : memref<9216xf32, #tpu.memory_space<vmem>>, vector<16xf32>,
        %min3A_196 = arith.minimumf %min3A, %get3A_195 : vector<16xf32>
        %add3A_197 = arith.constant 1152 : i32
        %add3A_198 = arith.addi %add3A_197, %multiple_of3A : i32
        %get3A_199 = arith.index_cast %add3A_198 : i32 to index
        %get3A_200 = tpu.vector_load %arg18[%get3A_199] {strides = array<i32>} : memref<9216xf32, #tpu.memory_space<vmem>>, vector<16xf32>,
        %max3A_201 = arith.maximumf %max3A_191, %get3A_200 : vector<16xf32>
        %add3A_202 = arith.constant 1424 : i32
        %add3A_203 = arith.addi %add3A_202, %multiple_of3A : i32
        %get3A_204 = arith.index_cast %add3A_203 : i32 to index
        %get3A_205 = tpu.vector_load %arg18[%get3A_204] {strides = array<i32>} : memref<9216xf32, #tpu.memory_space<vmem>>, vector<16xf32>,
        %min3A_206 = arith.minimumf %min3A_196, %get3A_205 : vector<16xf32>
        %add3A_207 = arith.constant 1728 : i32
        %add3A_208 = arith.addi %add3A_207, %multiple_of3A : i32
        %get3A_209 = arith.index_cast %add3A_208 : i32 to index
        %get3A_210 = tpu.vector_load %arg18[%get3A_209] {strides = array<i32>} : memref<9216xf32, #tpu.memory_space<vmem>>, vector<16xf32>,
        %max3A_211 = arith.maximumf %max3A_201, %get3A_210 : vector<16xf32>
        %add3A_212 = arith.constant 2000 : i32
        %add3A_213 = arith.addi %add3A_212, %multiple_of3A : i32
        %get3A_214 = arith.index_cast %add3A_213 : i32 to index
        %get3A_215 = tpu.vector_load %arg18[%get3A_214] {strides = array<i32>} : memref<9216xf32, #tpu.memory_space<vmem>>, vector<16xf32>,
        %min3A_216 = arith.minimumf %min3A_206, %get3A_215 : vector<16xf32>
        %add3A_217 = arith.constant 2304 : i32
        %add3A_218 = arith.addi %add3A_217, %multiple_of3A : i32
        %get3A_219 = arith.index_cast %add3A_218 : i32 to index
        %get3A_220 = tpu.vector_load %arg18[%get3A_219] {strides = array<i32>} : memref<9216xf32, #tpu.memory_space<vmem>>, vector<16xf32>,
        %max3A_221 = arith.maximumf %max3A_211, %get3A_220 : vector<16xf32>
        %add3A_222 = arith.constant 2576 : i32
        %add3A_223 = arith.addi %add3A_222, %multiple_of3A : i32
        %get3A_224 = arith.index_cast %add3A_223 : i32 to index
        %get3A_225 = tpu.vector_load %arg18[%get3A_224] {strides = array<i32>} : memref<9216xf32, #tpu.memory_space<vmem>>, vector<16xf32>,
        %min3A_226 = arith.minimumf %min3A_216, %get3A_225 : vector<16xf32>
        %add3A_227 = arith.constant 2880 : i32
        %add3A_228 = arith.addi %add3A_227, %multiple_of3A : i32
        %get3A_229 = arith.index_cast %add3A_228 : i32 to index
        %get3A_230 = tpu.vector_load %arg18[%get3A_229] {strides = array<i32>} : memref<9216xf32, #tpu.memory_space<vmem>>, vector<16xf32>,
        %max3A_231 = arith.maximumf %max3A_221, %get3A_230 : vector<16xf32>
        %add3A_232 = arith.constant 3152 : i32
        %add3A_233 = arith.addi %add3A_232, %multiple_of3A : i32
        %get3A_234 = arith.index_cast %add3A_233 : i32 to index
        %get3A_235 = tpu.vector_load %arg18[%get3A_234] {strides = array<i32>} : memref<9216xf32, #tpu.memory_space<vmem>>, vector<16xf32>,
        %min3A_236 = arith.minimumf %min3A_226, %get3A_235 : vector<16xf32>
        %add3A_237 = arith.constant 3456 : i32
        %add3A_238 = arith.addi %add3A_237, %multiple_of3A : i32
        %get3A_239 = arith.index_cast %add3A_238 : i32 to index
        %get3A_240 = tpu.vector_load %arg18[%get3A_239] {strides = array<i32>} : memref<9216xf32, #tpu.memory_space<vmem>>, vector<16xf32>,
        %max3A_241 = arith.maximumf %max3A_231, %get3A_240 : vector<16xf32>
        %add3A_242 = arith.constant 3728 : i32
        %add3A_243 = arith.addi %add3A_242, %multiple_of3A : i32
        %get3A_244 = arith.index_cast %add3A_243 : i32 to index
        %get3A_245 = tpu.vector_load %arg18[%get3A_244] {strides = array<i32>} : memref<9216xf32, #tpu.memory_space<vmem>>, vector<16xf32>,
        %min3A_246 = arith.minimumf %min3A_236, %get3A_245 : vector<16xf32>
        %add3A_247 = arith.constant 4032 : i32
        %add3A_248 = arith.addi %add3A_247, %multiple_of3A : i32
        %get3A_249 = arith.index_cast %add3A_248 : i32 to index
        %get3A_250 = tpu.vector_load %arg18[%get3A_249] {strides = array<i32>} : memref<9216xf32, #tpu.memory_space<vmem>>, vector<16xf32>,
        %max3A_251 = arith.maximumf %max3A_241, %get3A_250 : vector<16xf32>
        %add3A_252 = arith.constant 4304 : i32
        %add3A_253 = arith.addi %add3A_252, %multiple_of3A : i32
        %get3A_254 = arith.index_cast %add3A_253 : i32 to index
        %get3A_255 = tpu.vector_load %arg18[%get3A_254] {strides = array<i32>} : memref<9216xf32, #tpu.memory_space<vmem>>, vector<16xf32>,
        %min3A_256 = arith.minimumf %min3A_246, %get3A_255 : vector<16xf32>
        %add3A_257 = arith.constant 4608 : i32
        %add3A_258 = arith.addi %add3A_257, %multiple_of3A : i32
        %get3A_259 = arith.index_cast %add3A_258 : i32 to index
        %get3A_260 = tpu.vector_load %arg18[%get3A_259] {strides = array<i32>} : memref<9216xf32, #tpu.memory_space<vmem>>, vector<16xf32>,
        %max3A_261 = arith.maximumf %max3A_251, %get3A_260 : vector<16xf32>
        %add3A_262 = arith.constant 4880 : i32
        %add3A_263 = arith.addi %add3A_262, %multiple_of3A : i32
        %get3A_264 = arith.index_cast %add3A_263 : i32 to index
        %get3A_265 = tpu.vector_load %arg18[%get3A_264] {strides = array<i32>} : memref<9216xf32, #tpu.memory_space<vmem>>, vector<16xf32>,
        %min3A_266 = arith.minimumf %min3A_256, %get3A_265 : vector<16xf32>
        %add3A_267 = arith.constant 5184 : i32
        %add3A_268 = arith.addi %add3A_267, %multiple_of3A : i32
        %get3A_269 = arith.index_cast %add3A_268 : i32 to index
        %get3A_270 = tpu.vector_load %arg18[%get3A_269] {strides = array<i32>} : memref<9216xf32, #tpu.memory_space<vmem>>, vector<16xf32>,
        %max3A_271 = arith.maximumf %max3A_261, %get3A_270 : vector<16xf32>
        %add3A_272 = arith.constant 5456 : i32
        %add3A_273 = arith.addi %add3A_272, %multiple_of3A : i32
        %get3A_274 = arith.index_cast %add3A_273 : i32 to index
        %get3A_275 = tpu.vector_load %arg18[%get3A_274] {strides = array<i32>} : memref<9216xf32, #tpu.memory_space<vmem>>, vector<16xf32>,
        %min3A_276 = arith.minimumf %min3A_266, %get3A_275 : vector<16xf32>
        %add3A_277 = arith.constant 5760 : i32
        %add3A_278 = arith.addi %add3A_277, %multiple_of3A : i32
        %get3A_279 = arith.index_cast %add3A_278 : i32 to index
        %get3A_280 = tpu.vector_load %arg18[%get3A_279] {strides = array<i32>} : memref<9216xf32, #tpu.memory_space<vmem>>, vector<16xf32>,
        %max3A_281 = arith.maximumf %max3A_271, %get3A_280 : vector<16xf32>
        %add3A_282 = arith.constant 6032 : i32
        %add3A_283 = arith.addi %add3A_282, %multiple_of3A : i32
        %get3A_284 = arith.index_cast %add3A_283 : i32 to index
        %get3A_285 = tpu.vector_load %arg18[%get3A_284] {strides = array<i32>} : memref<9216xf32, #tpu.memory_space<vmem>>, vector<16xf32>,
        %min3A_286 = arith.minimumf %min3A_276, %get3A_285 : vector<16xf32>
        %add3A_287 = arith.constant 6336 : i32
        %add3A_288 = arith.addi %add3A_287, %multiple_of3A : i32
        %get3A_289 = arith.index_cast %add3A_288 : i32 to index
        %get3A_290 = tpu.vector_load %arg18[%get3A_289] {strides = array<i32>} : memref<9216xf32, #tpu.memory_space<vmem>>, vector<16xf32>,
        %max3A_291 = arith.maximumf %max3A_281, %get3A_290 : vector<16xf32>
        %add3A_292 = arith.constant 6608 : i32
        %add3A_293 = arith.addi %add3A_292, %multiple_of3A : i32
        %get3A_294 = arith.index_cast %add3A_293 : i32 to index
        %get3A_295 = tpu.vector_load %arg18[%get3A_294] {strides = array<i32>} : memref<9216xf32, #tpu.memory_space<vmem>>, vector<16xf32>,
        %min3A_296 = arith.minimumf %min3A_286, %get3A_295 : vector<16xf32>
        %add3A_297 = arith.constant 6912 : i32
        %add3A_298 = arith.addi %add3A_297, %multiple_of3A : i32
        %get3A_299 = arith.index_cast %add3A_298 : i32 to index
        %get3A_300 = tpu.vector_load %arg18[%get3A_299] {strides = array<i32>} : memref<9216xf32, #tpu.memory_space<vmem>>, vector<16xf32>,
        %max3A_301 = arith.maximumf %max3A_291, %get3A_300 : vector<16xf32>
        %add3A_302 = arith.constant 7184 : i32
        %add3A_303 = arith.addi %add3A_302, %multiple_of3A : i32
        %get3A_304 = arith.index_cast %add3A_303 : i32 to index
        %get3A_305 = tpu.vector_load %arg18[%get3A_304] {strides = array<i32>} : memref<9216xf32, #tpu.memory_space<vmem>>, vector<16xf32>,
        %min3A_306 = arith.minimumf %min3A_296, %get3A_305 : vector<16xf32>
        %add3A_307 = arith.constant 7488 : i32
        %add3A_308 = arith.addi %add3A_307, %multiple_of3A : i32
        %get3A_309 = arith.index_cast %add3A_308 : i32 to index
        %get3A_310 = tpu.vector_load %arg18[%get3A_309] {strides = array<i32>} : memref<9216xf32, #tpu.memory_space<vmem>>, vector<16xf32>,
        %max3A_311 = arith.maximumf %max3A_301, %get3A_310 : vector<16xf32>
        %add3A_312 = arith.constant 7760 : i32
        %add3A_313 = arith.addi %add3A_312, %multiple_of3A : i32
        %get3A_314 = arith.index_cast %add3A_313 : i32 to index
        %get3A_315 = tpu.vector_load %arg18[%get3A_314] {strides = array<i32>} : memref<9216xf32, #tpu.memory_space<vmem>>, vector<16xf32>,
        %min3A_316 = arith.minimumf %min3A_306, %get3A_315 : vector<16xf32>
        %add3A_317 = arith.constant 8064 : i32
        %add3A_318 = arith.addi %add3A_317, %multiple_of3A : i32
        %get3A_319 = arith.index_cast %add3A_318 : i32 to index
        %get3A_320 = tpu.vector_load %arg18[%get3A_319] {strides = array<i32>} : memref<9216xf32, #tpu.memory_space<vmem>>, vector<16xf32>,
        %max3A_321 = arith.maximumf %max3A_311, %get3A_320 : vector<16xf32>
        %add3A_322 = arith.constant 8336 : i32
        %add3A_323 = arith.addi %add3A_322, %multiple_of3A : i32
        %get3A_324 = arith.index_cast %add3A_323 : i32 to index
        %get3A_325 = tpu.vector_load %arg18[%get3A_324] {strides = array<i32>} : memref<9216xf32, #tpu.memory_space<vmem>>, vector<16xf32>,
        %min3A_326 = arith.minimumf %min3A_316, %get3A_325 : vector<16xf32>
        %add3A_327 = arith.constant 8640 : i32
        %add3A_328 = arith.addi %add3A_327, %multiple_of3A : i32
        %get3A_329 = arith.index_cast %add3A_328 : i32 to index
        %get3A_330 = tpu.vector_load %arg18[%get3A_329] {strides = array<i32>} : memref<9216xf32, #tpu.memory_space<vmem>>, vector<16xf32>,
        %max3A_331 = arith.maximumf %max3A_321, %get3A_330 : vector<16xf32>
        %add3A_332 = arith.constant 8912 : i32
        %add3A_333 = arith.addi %add3A_332, %multiple_of3A : i32
        %get3A_334 = arith.index_cast %add3A_333 : i32 to index
        %get3A_335 = tpu.vector_load %arg18[%get3A_334] {strides = array<i32>} : memref<9216xf32, #tpu.memory_space<vmem>>, vector<16xf32>,
        %min3A_336 = arith.minimumf %min3A_326, %get3A_335 : vector<16xf32>
        %swap3A_337 = arith.index_cast %multiple_of3A : i32 to index
        %swap3A_338 = tpu.vector_load %arg9[%swap3A_337] {strides = array<i32>} : memref<272xf32, #tpu.memory_space<vmem>>, vector<16xf32>,
        tpu.vector_store %arg9[%swap3A_337], %max3A_331 {strides = array<i32>} : memref<272xf32, #tpu.memory_space<vmem>>, vector<16xf32>,
        %swap3A_339 = arith.index_cast %multiple_of3A : i32 to index
        %swap3A_340 = tpu.vector_load %arg10[%swap3A_339] {strides = array<i32>} : memref<272xf32, #tpu.memory_space<vmem>>, vector<16xf32>,
        tpu.vector_store %arg10[%swap3A_339], %min3A_336 {strides = array<i32>} : memref<272xf32, #tpu.memory_space<vmem>>, vector<16xf32>,
        %scan3A_341 = arith.constant 0 : i32
        scf.yield %scan3A_341 : i32
      }
      %scan3A_25 = arith.constant 17 : i32
      %broadcast_in_dim3A_26 = arith.constant -1.000000e+10 : f32
      %broadcast_in_dim3A_27 = vector.broadcast %broadcast_in_dim3A_26 : f32 to vector<16xf32>
      %scan3A_28 = arith.constant 0 : i32
      %scan3A_29 = arith.constant 17 : i32
      %scan3A_30 = arith.addi %scan3A_28, %scan3A_29 : i32
      %scan3A_31 = arith.constant 1 : i32
      %scan3A_32 = scf.for %scan3A_170 = %scan3A_28 to %scan3A_30 step %scan3A_31 iter_args(%scan3A_171 = %broadcast_in_dim3A_27) -> (vector<16xf32>)  : i32 {
        %mul3A_172 = arith.constant 16 : i32
        %mul3A_173 = arith.muli %scan3A_170, %mul3A_172 : i32
        %multiple_of3A = tpu.assume_multiple %mul3A_173, 16 : i32
        %get3A_174 = arith.index_cast %multiple_of3A : i32 to index
        %get3A_175 = tpu.vector_load %arg9[%get3A_174] {strides = array<i32>} : memref<272xf32, #tpu.memory_space<vmem>>, vector<16xf32>,
        %broadcast_in_dim3A_176 = arith.constant true
        %broadcast_in_dim3A_177 = vector.broadcast %broadcast_in_dim3A_176 : i1 to vector<16xi1>
        %masked_cummax3A = tpu.scan <max>, %get3A_175 masked %broadcast_in_dim3A_177 : vector<16xf32>, vector<16xi1> -> vector<16xf32>
        %max3A_178 = arith.maximumf %masked_cummax3A, %scan3A_171 : vector<16xf32>
        %swap3A_179 = arith.index_cast %multiple_of3A : i32 to index
        %swap3A_180 = tpu.vector_load %arg16[%swap3A_179] {strides = array<i32>} : memref<272xf32, #tpu.memory_space<vmem>>, vector<16xf32>,
        tpu.vector_store %arg16[%swap3A_179], %max3A_178 {strides = array<i32>} : memref<272xf32, #tpu.memory_space<vmem>>, vector<16xf32>,
        %reduce_max3A = arith.constant true
        %reduce_max3A_181 = vector.broadcast %reduce_max3A : i1 to vector<16xi1>
        %reduce_max3A_182 = tpu.scan <max>, %max3A_178 masked %reduce_max3A_181 : vector<16xf32>, vector<16xi1> -> vector<16xf32>
        %reduce_max3A_183 = vector.extract %reduce_max3A_182[15] : f32 from vector<16xf32>
        %broadcast_in_dim3A_184 = vector.broadcast %reduce_max3A_183 : f32 to vector<16xf32>
        scf.yield %broadcast_in_dim3A_184 : vector<16xf32>
      }
      %scan3A_33 = arith.constant 17 : i32
      %broadcast_in_dim3A_34 = arith.constant 1.000000e+10 : f32
      %broadcast_in_dim3A_35 = vector.broadcast %broadcast_in_dim3A_34 : f32 to vector<16xf32>
      %scan3A_36 = arith.constant 0 : i32
      %scan3A_37 = arith.constant 17 : i32
      %scan3A_38 = arith.addi %scan3A_36, %scan3A_37 : i32
      %scan3A_39 = arith.constant 1 : i32
      %scan3A_40 = scf.for %scan3A_170 = %scan3A_36 to %scan3A_38 step %scan3A_39 iter_args(%scan3A_171 = %broadcast_in_dim3A_35) -> (vector<16xf32>)  : i32 {
        %sub3A = arith.constant 16 : i32
        %sub3A_172 = arith.subi %sub3A, %scan3A_170 : i32
        %mul3A_173 = arith.constant 16 : i32
        %mul3A_174 = arith.muli %sub3A_172, %mul3A_173 : i32
        %multiple_of3A = tpu.assume_multiple %mul3A_174, 16 : i32
        %get3A_175 = arith.index_cast %multiple_of3A : i32 to index
        %get3A_176 = tpu.vector_load %arg10[%get3A_175] {strides = array<i32>} : memref<272xf32, #tpu.memory_space<vmem>>, vector<16xf32>,
        %neg3A = arith.constant 0.000000e+00 : f32
        %neg3A_177 = vector.broadcast %neg3A : f32 to vector<16xf32>
        %neg3A_178 = arith.subf %neg3A_177, %get3A_176 : vector<16xf32>
        %rev3A = arith.constant 15 : i32
        %rev3A_179 = vector.broadcast %rev3A : i32 to vector<16xi32>
        %rev3A_180 = tpu.iota {dimensions = array<i32: 0>} : vector<16xi32>
        %rev3A_181 = arith.subi %rev3A_179, %rev3A_180 : vector<16xi32>
        %rev3A_182 = tpu.dynamic_gather %neg3A_178[%rev3A_181] in [0] : vector<16xf32>, vector<16xi32> -> vector<16xf32>
        %broadcast_in_dim3A_183 = arith.constant true
        %broadcast_in_dim3A_184 = vector.broadcast %broadcast_in_dim3A_183 : i1 to vector<16xi1>
        %masked_cummax3A = tpu.scan <max>, %rev3A_182 masked %broadcast_in_dim3A_184 : vector<16xf32>, vector<16xi1> -> vector<16xf32>
        %rev3A_185 = arith.constant 15 : i32
        %rev3A_186 = vector.broadcast %rev3A_185 : i32 to vector<16xi32>
        %rev3A_187 = tpu.iota {dimensions = array<i32: 0>} : vector<16xi32>
        %rev3A_188 = arith.subi %rev3A_186, %rev3A_187 : vector<16xi32>
        %rev3A_189 = tpu.dynamic_gather %masked_cummax3A[%rev3A_188] in [0] : vector<16xf32>, vector<16xi32> -> vector<16xf32>
        %neg3A_190 = arith.constant 0.000000e+00 : f32
        %neg3A_191 = vector.broadcast %neg3A_190 : f32 to vector<16xf32>
        %neg3A_192 = arith.subf %neg3A_191, %rev3A_189 : vector<16xf32>
        %min3A = arith.minimumf %neg3A_192, %scan3A_171 : vector<16xf32>
        %swap3A_193 = arith.index_cast %multiple_of3A : i32 to index
        %swap3A_194 = tpu.vector_load %arg17[%swap3A_193] {strides = array<i32>} : memref<272xf32, #tpu.memory_space<vmem>>, vector<16xf32>,
        tpu.vector_store %arg17[%swap3A_193], %min3A {strides = array<i32>} : memref<272xf32, #tpu.memory_space<vmem>>, vector<16xf32>,
        %reduce_min3A = arith.constant true
        %reduce_min3A_195 = vector.broadcast %reduce_min3A : i1 to vector<16xi1>
        %reduce_min3A_196 = tpu.scan <min>, %min3A masked %reduce_min3A_195 : vector<16xf32>, vector<16xi1> -> vector<16xf32>
        %reduce_min3A_197 = vector.extract %reduce_min3A_196[15] : f32 from vector<16xf32>
        %broadcast_in_dim3A_198 = vector.broadcast %reduce_min3A_197 : f32 to vector<16xf32>
        scf.yield %broadcast_in_dim3A_198 : vector<16xf32>
      }
      %scan3A_41 = arith.constant 17 : i32
      %mul3A_42 = arith.constant 256 : i32
      %mul3A_43 = arith.muli %arg1, %mul3A_42 : i32
      %scan3A_44 = arith.constant 0 : i32
      %scan3A_45 = arith.constant 16 : i32
      %scan3A_46 = arith.addi %scan3A_44, %scan3A_45 : i32
      %scan3A_47 = arith.constant 1 : i32
      %scan3A_48 = scf.for %scan3A_170 = %scan3A_44 to %scan3A_46 step %scan3A_47 iter_args(%scan3A_171 = %broadcast_in_dim3A_0) -> (vector<16xf32>)  : i32 {
        %mul3A_172 = arith.constant 16 : i32
        %mul3A_173 = arith.muli %scan3A_170, %mul3A_172 : i32
        %multiple_of3A = tpu.assume_multiple %mul3A_173, 16 : i32
        %add3A_174 = arith.addi %multiple_of3A, %mul3A_43 : i32
        %add3A_175 = vector.broadcast %add3A_174 : i32 to vector<16xi32>
        %add3A_176 = arith.addi %iota3A, %add3A_175 : vector<16xi32>
        %gather3A = tpu.vector_load_idx %arg6[%add3A_176] : memref<512xf32, #tpu.memory_space<vmem>>[vector<16xi32>], vector<16xf32>,
        %get3A_177 = arith.index_cast %multiple_of3A : i32 to index
        %get3A_178 = tpu.vector_load %arg16[%get3A_177] {strides = array<i32>} : memref<272xf32, #tpu.memory_space<vmem>>, vector<16xf32>,
        %add3A_179 = arith.constant 1 : i32
        %add3A_180 = arith.addi %multiple_of3A, %add3A_179 : i32
        %get3A_181 = arith.index_cast %add3A_180 : i32 to index
        %get3A_182 = tpu.vector_load %arg17[%get3A_181] {strides = array<i32>} : memref<272xf32, #tpu.memory_space<vmem>>, vector<16xf32>,
        %sub3A = arith.subf %gather3A, %get3A_178 : vector<16xf32>
        %sub3A_183 = arith.subf %get3A_182, %gather3A : vector<16xf32>
        %mul3A_184 = arith.mulf %sub3A, %sub3A : vector<16xf32>
        %mul3A_185 = arith.mulf %sub3A_183, %sub3A_183 : vector<16xf32>
        %min3A = arith.minimumf %mul3A_184, %mul3A_185 : vector<16xf32>
        %broadcast_in_dim3A_186 = arith.constant 1.000000e+10 : f32
        %broadcast_in_dim3A_187 = vector.broadcast %broadcast_in_dim3A_186 : f32 to vector<16xf32>
        %min3A_188 = arith.minimumf %min3A, %broadcast_in_dim3A_187 : vector<16xf32>
        %add3A_189 = arith.addf %scan3A_171, %min3A_188 : vector<16xf32>
        scf.yield %add3A_189 : vector<16xf32>
      }
      %scan3A_49 = arith.constant 16 : i32
      %reduce_sum3A = arith.constant true
      %reduce_sum3A_50 = vector.broadcast %reduce_sum3A : i1 to vector<16xi1>
      %reduce_sum3A_51 = tpu.scan <sum>, %scan3A_48 masked %reduce_sum3A_50 : vector<16xf32>, vector<16xi1> -> vector<16xf32>
      %reduce_sum3A_52 = vector.extract %reduce_sum3A_51[15] : f32 from vector<16xf32>
      %broadcast_in_dim3A_53 = vector.broadcast %reduce_sum3A_52 : f32 to vector<16xf32>
      %mul3A_54 = arith.constant 3.906250e-03 : f32
      %mul3A_55 = vector.broadcast %mul3A_54 : f32 to vector<16xf32>
      %mul3A_56 = arith.mulf %broadcast_in_dim3A_53, %mul3A_55 : vector<16xf32>
      %get3A = arith.constant 544 : index
      %get3A_57 = tpu.vector_load %arg18[%get3A] {strides = array<i32>} : memref<9216xf32, #tpu.memory_space<vmem>>, vector<16xf32>,
      %add3A = arith.addf %broadcast_in_dim3A_0, %get3A_57 : vector<16xf32>
      %get3A_58 = arith.constant 560 : index
      %get3A_59 = tpu.vector_load %arg18[%get3A_58] {strides = array<i32>} : memref<9216xf32, #tpu.memory_space<vmem>>, vector<16xf32>,
      %add3A_60 = arith.addf %broadcast_in_dim3A_0, %get3A_59 : vector<16xf32>
      %get3A_61 = arith.constant 1120 : index
      %get3A_62 = tpu.vector_load %arg18[%get3A_61] {strides = array<i32>} : memref<9216xf32, #tpu.memory_space<vmem>>, vector<16xf32>,
      %add3A_63 = arith.addf %add3A, %get3A_62 : vector<16xf32>
      %get3A_64 = arith.constant 1136 : index
      %get3A_65 = tpu.vector_load %arg18[%get3A_64] {strides = array<i32>} : memref<9216xf32, #tpu.memory_space<vmem>>, vector<16xf32>,
      %add3A_66 = arith.addf %add3A_60, %get3A_65 : vector<16xf32>
      %get3A_67 = arith.constant 1696 : index
      %get3A_68 = tpu.vector_load %arg18[%get3A_67] {strides = array<i32>} : memref<9216xf32, #tpu.memory_space<vmem>>, vector<16xf32>,
      %add3A_69 = arith.addf %add3A_63, %get3A_68 : vector<16xf32>
      %get3A_70 = arith.constant 1712 : index
      %get3A_71 = tpu.vector_load %arg18[%get3A_70] {strides = array<i32>} : memref<9216xf32, #tpu.memory_space<vmem>>, vector<16xf32>,
      %add3A_72 = arith.addf %add3A_66, %get3A_71 : vector<16xf32>
      %get3A_73 = arith.constant 2272 : index
      %get3A_74 = tpu.vector_load %arg18[%get3A_73] {strides = array<i32>} : memref<9216xf32, #tpu.memory_space<vmem>>, vector<16xf32>,
      %add3A_75 = arith.addf %add3A_69, %get3A_74 : vector<16xf32>
      %get3A_76 = arith.constant 2288 : index
      %get3A_77 = tpu.vector_load %arg18[%get3A_76] {strides = array<i32>} : memref<9216xf32, #tpu.memory_space<vmem>>, vector<16xf32>,
      %add3A_78 = arith.addf %add3A_72, %get3A_77 : vector<16xf32>
      %get3A_79 = arith.constant 2848 : index
      %get3A_80 = tpu.vector_load %arg18[%get3A_79] {strides = array<i32>} : memref<9216xf32, #tpu.memory_space<vmem>>, vector<16xf32>,
      %add3A_81 = arith.addf %add3A_75, %get3A_80 : vector<16xf32>
      %get3A_82 = arith.constant 2864 : index
      %get3A_83 = tpu.vector_load %arg18[%get3A_82] {strides = array<i32>} : memref<9216xf32, #tpu.memory_space<vmem>>, vector<16xf32>,
      %add3A_84 = arith.addf %add3A_78, %get3A_83 : vector<16xf32>
      %get3A_85 = arith.constant 3424 : index
      %get3A_86 = tpu.vector_load %arg18[%get3A_85] {strides = array<i32>} : memref<9216xf32, #tpu.memory_space<vmem>>, vector<16xf32>,
      %add3A_87 = arith.addf %add3A_81, %get3A_86 : vector<16xf32>
      %get3A_88 = arith.constant 3440 : index
      %get3A_89 = tpu.vector_load %arg18[%get3A_88] {strides = array<i32>} : memref<9216xf32, #tpu.memory_space<vmem>>, vector<16xf32>,
      %add3A_90 = arith.addf %add3A_84, %get3A_89 : vector<16xf32>
      %get3A_91 = arith.constant 4000 : index
      %get3A_92 = tpu.vector_load %arg18[%get3A_91] {strides = array<i32>} : memref<9216xf32, #tpu.memory_space<vmem>>, vector<16xf32>,
      %add3A_93 = arith.addf %add3A_87, %get3A_92 : vector<16xf32>
      %get3A_94 = arith.constant 4016 : index
      %get3A_95 = tpu.vector_load %arg18[%get3A_94] {strides = array<i32>} : memref<9216xf32, #tpu.memory_space<vmem>>, vector<16xf32>,
      %add3A_96 = arith.addf %add3A_90, %get3A_95 : vector<16xf32>
      %get3A_97 = arith.constant 4576 : index
      %get3A_98 = tpu.vector_load %arg18[%get3A_97] {strides = array<i32>} : memref<9216xf32, #tpu.memory_space<vmem>>, vector<16xf32>,
      %add3A_99 = arith.addf %add3A_93, %get3A_98 : vector<16xf32>
      %get3A_100 = arith.constant 4592 : index
      %get3A_101 = tpu.vector_load %arg18[%get3A_100] {strides = array<i32>} : memref<9216xf32, #tpu.memory_space<vmem>>, vector<16xf32>,
      %add3A_102 = arith.addf %add3A_96, %get3A_101 : vector<16xf32>
      %get3A_103 = arith.constant 5152 : index
      %get3A_104 = tpu.vector_load %arg18[%get3A_103] {strides = array<i32>} : memref<9216xf32, #tpu.memory_space<vmem>>, vector<16xf32>,
      %add3A_105 = arith.addf %add3A_99, %get3A_104 : vector<16xf32>
      %get3A_106 = arith.constant 5168 : index
      %get3A_107 = tpu.vector_load %arg18[%get3A_106] {strides = array<i32>} : memref<9216xf32, #tpu.memory_space<vmem>>, vector<16xf32>,
      %add3A_108 = arith.addf %add3A_102, %get3A_107 : vector<16xf32>
      %get3A_109 = arith.constant 5728 : index
      %get3A_110 = tpu.vector_load %arg18[%get3A_109] {strides = array<i32>} : memref<9216xf32, #tpu.memory_space<vmem>>, vector<16xf32>,
      %add3A_111 = arith.addf %add3A_105, %get3A_110 : vector<16xf32>
      %get3A_112 = arith.constant 5744 : index
      %get3A_113 = tpu.vector_load %arg18[%get3A_112] {strides = array<i32>} : memref<9216xf32, #tpu.memory_space<vmem>>, vector<16xf32>,
      %add3A_114 = arith.addf %add3A_108, %get3A_113 : vector<16xf32>
      %get3A_115 = arith.constant 6304 : index
      %get3A_116 = tpu.vector_load %arg18[%get3A_115] {strides = array<i32>} : memref<9216xf32, #tpu.memory_space<vmem>>, vector<16xf32>,
      %add3A_117 = arith.addf %add3A_111, %get3A_116 : vector<16xf32>
      %get3A_118 = arith.constant 6320 : index
      %get3A_119 = tpu.vector_load %arg18[%get3A_118] {strides = array<i32>} : memref<9216xf32, #tpu.memory_space<vmem>>, vector<16xf32>,
      %add3A_120 = arith.addf %add3A_114, %get3A_119 : vector<16xf32>
      %get3A_121 = arith.constant 6880 : index
      %get3A_122 = tpu.vector_load %arg18[%get3A_121] {strides = array<i32>} : memref<9216xf32, #tpu.memory_space<vmem>>, vector<16xf32>,
      %add3A_123 = arith.addf %add3A_117, %get3A_122 : vector<16xf32>
      %get3A_124 = arith.constant 6896 : index
      %get3A_125 = tpu.vector_load %arg18[%get3A_124] {strides = array<i32>} : memref<9216xf32, #tpu.memory_space<vmem>>, vector<16xf32>,
      %add3A_126 = arith.addf %add3A_120, %get3A_125 : vector<16xf32>
      %get3A_127 = arith.constant 7456 : index
      %get3A_128 = tpu.vector_load %arg18[%get3A_127] {strides = array<i32>} : memref<9216xf32, #tpu.memory_space<vmem>>, vector<16xf32>,
      %add3A_129 = arith.addf %add3A_123, %get3A_128 : vector<16xf32>
      %get3A_130 = arith.constant 7472 : index
      %get3A_131 = tpu.vector_load %arg18[%get3A_130] {strides = array<i32>} : memref<9216xf32, #tpu.memory_space<vmem>>, vector<16xf32>,
      %add3A_132 = arith.addf %add3A_126, %get3A_131 : vector<16xf32>
      %get3A_133 = arith.constant 8032 : index
      %get3A_134 = tpu.vector_load %arg18[%get3A_133] {strides = array<i32>} : memref<9216xf32, #tpu.memory_space<vmem>>, vector<16xf32>,
      %add3A_135 = arith.addf %add3A_129, %get3A_134 : vector<16xf32>
      %get3A_136 = arith.constant 8048 : index
      %get3A_137 = tpu.vector_load %arg18[%get3A_136] {strides = array<i32>} : memref<9216xf32, #tpu.memory_space<vmem>>, vector<16xf32>,
      %add3A_138 = arith.addf %add3A_132, %get3A_137 : vector<16xf32>
      %get3A_139 = arith.constant 8608 : index
      %get3A_140 = tpu.vector_load %arg18[%get3A_139] {strides = array<i32>} : memref<9216xf32, #tpu.memory_space<vmem>>, vector<16xf32>,
      %add3A_141 = arith.addf %add3A_135, %get3A_140 : vector<16xf32>
      %get3A_142 = arith.constant 8624 : index
      %get3A_143 = tpu.vector_load %arg18[%get3A_142] {strides = array<i32>} : memref<9216xf32, #tpu.memory_space<vmem>>, vector<16xf32>,
      %add3A_144 = arith.addf %add3A_138, %get3A_143 : vector<16xf32>
      %get3A_145 = arith.constant 9184 : index
      %get3A_146 = tpu.vector_load %arg18[%get3A_145] {strides = array<i32>} : memref<9216xf32, #tpu.memory_space<vmem>>, vector<16xf32>,
      %add3A_147 = arith.addf %add3A_141, %get3A_146 : vector<16xf32>
      %get3A_148 = arith.constant 9200 : index
      %get3A_149 = tpu.vector_load %arg18[%get3A_148] {strides = array<i32>} : memref<9216xf32, #tpu.memory_space<vmem>>, vector<16xf32>,
      %add3A_150 = arith.addf %add3A_144, %get3A_149 : vector<16xf32>
      %reduce_sum3A_151 = arith.constant true
      %reduce_sum3A_152 = vector.broadcast %reduce_sum3A_151 : i1 to vector<16xi1>
      %reduce_sum3A_153 = tpu.scan <sum>, %add3A_147 masked %reduce_sum3A_152 : vector<16xf32>, vector<16xi1> -> vector<16xf32>
      %reduce_sum3A_154 = vector.extract %reduce_sum3A_153[15] : f32 from vector<16xf32>
      %broadcast_in_dim3A_155 = vector.broadcast %reduce_sum3A_154 : f32 to vector<16xf32>
      %reduce_sum3A_156 = arith.constant true
      %reduce_sum3A_157 = vector.broadcast %reduce_sum3A_156 : i1 to vector<16xi1>
      %reduce_sum3A_158 = tpu.scan <sum>, %add3A_150 masked %reduce_sum3A_157 : vector<16xf32>, vector<16xi1> -> vector<16xf32>
      %reduce_sum3A_159 = vector.extract %reduce_sum3A_158[15] : f32 from vector<16xf32>
      %broadcast_in_dim3A_160 = vector.broadcast %reduce_sum3A_159 : f32 to vector<16xf32>
      %broadcast_in_dim3A_161 = arith.constant 1.000000e+00 : f32
      %broadcast_in_dim3A_162 = vector.broadcast %broadcast_in_dim3A_161 : f32 to vector<16xf32>
      %max3A = arith.maximumf %broadcast_in_dim3A_160, %broadcast_in_dim3A_162 : vector<16xf32>
      %div3A = arith.divf %broadcast_in_dim3A_155, %max3A : vector<16xf32>
      %add3A_163 = arith.addf %mul3A_56, %div3A : vector<16xf32>
      %swap3A = arith.constant 0 : index
      %swap3A_164 = tpu.vector_load %arg19[%swap3A] {strides = array<i32>} : memref<16xf32, #tpu.memory_space<vmem>>, vector<16xf32>,
      tpu.vector_store %arg19[%swap3A], %add3A_163 {strides = array<i32>} : memref<16xf32, #tpu.memory_space<vmem>>, vector<16xf32>,
      %mul3A_165 = arith.constant 2 : i32
      %mul3A_166 = arith.muli %arg0, %mul3A_165 : i32
      %add3A_167 = arith.addi %mul3A_166, %arg1 : i32
      %mul3A_168 = arith.constant 16 : i32
      %mul3A_169 = arith.muli %add3A_167, %mul3A_168 : i32
      "tpu.region"() ({
        %run_scoped3A = tpu.sem_alloc : memref<!tpu.dma_semaphore, #tpu.memory_space<semaphore_mem>>
        %dma_start3A = tpu.memref_slice %arg5[%mul3A_169] : memref<64xf32, #tpu.memory_space<hbm>> -> memref<16xf32, #tpu.memory_space<hbm>>
        %dma_start3A_170 = tpu.memref_slice %arg5[%mul3A_169] : memref<64xf32, #tpu.memory_space<hbm>> -> memref<16xf32, #tpu.memory_space<hbm>>
        tpu.enqueue_dma source(%arg19 : memref<16xf32, #tpu.memory_space<vmem>>) target(%dma_start3A_170 : memref<16xf32, #tpu.memory_space<hbm>>) target_semaphore(%run_scoped3A : memref<!tpu.dma_semaphore, #tpu.memory_space<semaphore_mem>>)
        %dma_wait3A = tpu.memref_slice %arg5[%mul3A_169] : memref<64xf32, #tpu.memory_space<hbm>> -> memref<16xf32, #tpu.memory_space<hbm>>
        %dma_wait3A_171 = tpu.memref_slice %arg5[%mul3A_169] : memref<64xf32, #tpu.memory_space<hbm>> -> memref<16xf32, #tpu.memory_space<hbm>>
        tpu.wait_dma2 semaphore(%run_scoped3A : memref<!tpu.dma_semaphore, #tpu.memory_space<semaphore_mem>>) src(%arg19 : memref<16xf32, #tpu.memory_space<vmem>>) dst(%dma_wait3A_171 : memref<16xf32, #tpu.memory_space<hbm>>)
        tpu.yield
      }) : () -> ()
    } else {
    }
    return
  }
}

module attributes {stable_mosaic.version = 14 : i64} {
  func.func @_sort_centers_body(%arg0: i32, %arg1: memref<1x1x257xf32, #tpu.memory_space<vmem>>, %arg2: memref<1x1x256xf32, #tpu.memory_space<vmem>>) attributes {dimension_semantics = [#tpu.dimension_semantics<arbitrary>], iteration_bounds = array<i64: 4>, scalar_prefetch = 0 : i64, scratch_operands = 0 : i64, tpu.core_type = #tpu.core_type<tc>, window_params = [{transform_indices = @transform_0, window_bounds = array<i64: 1, 1, 257>}, {transform_indices = @transform_1, window_bounds = array<i64: 1, 1, 256>}]} {
    %get3A = arith.constant 0 : index
    %get3A_0 = arith.constant 0 : index
    %get3A_1 = arith.constant 0 : index
    %get3A_2 = vector.load %arg1[%get3A, %get3A_0, %get3A_1] : memref<1x1x257xf32, #tpu.memory_space<vmem>>, vector<1x1x257xf32>
    %get3A_3 = vector.shape_cast %get3A_2 : vector<1x1x257xf32> to vector<257xf32>
    %slice3A = vector.extract_strided_slice %get3A_3 {offsets = [1], sizes = [256], strides = [1]} : vector<257xf32> to vector<256xf32>
    %slice3A_4 = vector.extract_strided_slice %get3A_3 {offsets = [0], sizes = [256], strides = [1]} : vector<257xf32> to vector<256xf32>
    %add3A = arith.addf %slice3A, %slice3A_4 : vector<256xf32>
    %mul3A = arith.constant 5.000000e-01 : f32
    %mul3A_5 = vector.broadcast %mul3A : f32 to vector<256xf32>
    %mul3A_6 = arith.mulf %mul3A_5, %add3A : vector<256xf32>
    %reshape3A = vector.shape_cast %mul3A_6 : vector<256xf32> to vector<1x256xf32>
    %broadcast_in_dim3A = arith.constant 1.000000e+00 : f32
    %broadcast_in_dim3A_7 = vector.broadcast %broadcast_in_dim3A : f32 to vector<1x256xf32>
    %dot_general3A = arith.constant dense<0.000000e+00> : vector<256x256xf32>
    %dot_general3A_8 = tpu.matmul %reshape3A, %broadcast_in_dim3A_7, %dot_general3A {dimension_numbers = #tpu.dot_dimension_numbers<[0], [0], [1], [1], [0, 1, 1, 1], [], []>, precision = #tpu.contract_precision<fp32>, transpose_lhs_hint = false} : vector<1x256xf32>, vector<1x256xf32>, vector<256x256xf32> -> vector<256x256xf32>
    %broadcast_in_dim3A_9 = vector.shape_cast %reshape3A : vector<1x256xf32> to vector<1x256xf32>
    %broadcast_in_dim3A_10 = vector.broadcast %broadcast_in_dim3A_9 : vector<1x256xf32> to vector<256x256xf32>
    %iota3A = tpu.iota {dimensions = array<i32: 0>} : vector<256x256xi32>
    %iota3A_11 = tpu.iota {dimensions = array<i32: 1>} : vector<256x256xi32>
    %lt3A = arith.cmpf olt, %broadcast_in_dim3A_10, %dot_general3A_8 : vector<256x256xf32>
    %eq3A = arith.cmpf oeq, %broadcast_in_dim3A_10, %dot_general3A_8 : vector<256x256xf32>
    %lt3A_12 = arith.cmpi slt, %iota3A_11, %iota3A : vector<256x256xi32>
    %and3A = arith.andi %eq3A, %lt3A_12 : vector<256x256xi1>
    %or3A = arith.ori %lt3A, %and3A : vector<256x256xi1>
    %convert_element_type3A = arith.extui %or3A : vector<256x256xi1> to vector<256x256xi32>
    %convert_element_type3A_13 = arith.sitofp %convert_element_type3A : vector<256x256xi32> to vector<256x256xf32>
    %reduce_sum3A = arith.constant dense<0.000000e+00> : vector<256xf32>
    %reduce_sum3A_14 = vector.multi_reduction <add>, %convert_element_type3A_13, %reduce_sum3A [1] : vector<256x256xf32> to vector<256xf32>
    %broadcast_in_dim3A_15 = vector.shape_cast %reduce_sum3A_14 : vector<256xf32> to vector<256x1xf32>
    %convert_element_type3A_16 = arith.sitofp %iota3A_11 : vector<256x256xi32> to vector<256x256xf32>
    %eq3A_17 = vector.broadcast %broadcast_in_dim3A_15 : vector<256x1xf32> to vector<256x256xf32>
    %eq3A_18 = arith.cmpf oeq, %eq3A_17, %convert_element_type3A_16 : vector<256x256xf32>
    %convert_element_type3A_19 = arith.extui %eq3A_18 : vector<256x256xi1> to vector<256x256xi32>
    %convert_element_type3A_20 = arith.sitofp %convert_element_type3A_19 : vector<256x256xi32> to vector<256x256xf32>
    %mul3A_21 = arith.mulf %convert_element_type3A_20, %dot_general3A_8 : vector<256x256xf32>
    %reduce_sum3A_22 = arith.constant dense<0.000000e+00> : vector<256xf32>
    %reduce_sum3A_23 = vector.multi_reduction <add>, %mul3A_21, %reduce_sum3A_22 [0] : vector<256x256xf32> to vector<256xf32>
    %swap3A = arith.constant 0 : index
    %swap3A_24 = arith.constant 0 : index
    %swap3A_25 = arith.constant 0 : index
    %swap3A_26 = vector.load %arg2[%swap3A, %swap3A_24, %swap3A_25] : memref<1x1x256xf32, #tpu.memory_space<vmem>>, vector<1x1x256xf32>
    %swap3A_27 = vector.shape_cast %swap3A_26 : vector<1x1x256xf32> to vector<256xf32>
    %swap3A_28 = vector.shape_cast %reduce_sum3A_23 : vector<256xf32> to vector<1x1x256xf32>
    tpu.vector_store %arg2[%swap3A, %swap3A_24, %swap3A_25], %swap3A_28 {strides = array<i32>} : memref<1x1x256xf32, #tpu.memory_space<vmem>>, vector<1x1x256xf32>,
    return
  }
  func.func @transform_0(%arg0: i32) -> (i32, i32, i32) {
    %c0_i32 = arith.constant 0 : i32
    %c0_i32_0 = arith.constant 0 : i32
    %c0_i32_1 = arith.constant 0 : i32
    return %arg0, %c0_i32, %c0_i32_0 : i32, i32, i32
  }
  func.func @transform_1(%arg0: i32) -> (i32, i32, i32) {
    %c0_i32 = arith.constant 0 : i32
    %c0_i32_0 = arith.constant 0 : i32
    %c0_i32_1 = arith.constant 0 : i32
    return %arg0, %c0_i32, %c0_i32_0 : i32, i32, i32
  }
}

module attributes {stable_mosaic.version = 14 : i64} {
  func.func @_dense_body(%arg0: i32, %arg1: memref<1x1x257xf32, #tpu.memory_space<vmem>>, %arg2: memref<1x1x20480xf32, #tpu.memory_space<vmem>>, %arg3: memref<1x1x20480xf32, #tpu.memory_space<vmem>>, %arg4: memref<1x1xf32, #tpu.memory_space<smem>>) attributes {dimension_semantics = [#tpu.dimension_semantics<arbitrary>], iteration_bounds = array<i64: 4>, scalar_prefetch = 0 : i64, scratch_operands = 0 : i64, tpu.core_type = #tpu.core_type<tc>, window_params = [{transform_indices = @transform_0, window_bounds = array<i64: 1, 1, 257>}, {transform_indices = @transform_1, window_bounds = array<i64: 1, 1, 20480>}, {transform_indices = @transform_2, window_bounds = array<i64: 1, 1, 20480>}, {transform_indices = @transform_3, window_bounds = array<i64: 1, 1>}]} {
    %get3A = arith.constant 0 : index
    %get3A_0 = arith.constant 0 : index
    %get3A_1 = arith.constant 1 : index
    %get3A_2 = vector.load %arg1[%get3A, %get3A_0, %get3A_1] : memref<1x1x257xf32, #tpu.memory_space<vmem>>, vector<1x1x256xf32>
    %get3A_3 = vector.shape_cast %get3A_2 : vector<1x1x256xf32> to vector<256xf32>
    %get3A_4 = arith.constant 0 : index
    %get3A_5 = arith.constant 0 : index
    %get3A_6 = arith.constant 0 : index
    %get3A_7 = vector.load %arg1[%get3A_4, %get3A_5, %get3A_6] : memref<1x1x257xf32, #tpu.memory_space<vmem>>, vector<1x1x256xf32>
    %get3A_8 = vector.shape_cast %get3A_7 : vector<1x1x256xf32> to vector<256xf32>
    %add3A = arith.addf %get3A_3, %get3A_8 : vector<256xf32>
    %mul3A = arith.constant 5.000000e-01 : f32
    %mul3A_9 = vector.broadcast %mul3A : f32 to vector<256xf32>
    %mul3A_10 = arith.mulf %mul3A_9, %add3A : vector<256xf32>
    %reshape3A = vector.shape_cast %mul3A_10 : vector<256xf32> to vector<1x256xf32>
    %broadcast_in_dim3A = arith.constant 1.000000e+00 : f32
    %broadcast_in_dim3A_11 = vector.broadcast %broadcast_in_dim3A : f32 to vector<1x2048xf32>
    %dot_general3A = arith.constant dense<0.000000e+00> : vector<256x2048xf32>
    %dot_general3A_12 = tpu.matmul %reshape3A, %broadcast_in_dim3A_11, %dot_general3A {dimension_numbers = #tpu.dot_dimension_numbers<[0], [0], [1], [1], [0, 1, 1, 1], [], []>, precision = #tpu.contract_precision<fp32>, transpose_lhs_hint = false} : vector<1x256xf32>, vector<1x2048xf32>, vector<256x2048xf32> -> vector<256x2048xf32>
    %broadcast_in_dim3A_13 = arith.constant 1.000000e+10 : f32
    %broadcast_in_dim3A_14 = vector.broadcast %broadcast_in_dim3A_13 : f32 to vector<256x1xf32>
    %broadcast_in_dim3A_15 = arith.constant 0.000000e+00 : f32
    %broadcast_in_dim3A_16 = vector.broadcast %broadcast_in_dim3A_15 : f32 to vector<1x1xf32>
    %broadcast_in_dim3A_17 = arith.constant 0.000000e+00 : f32
    %broadcast_in_dim3A_18 = vector.broadcast %broadcast_in_dim3A_17 : f32 to vector<1x1xf32>
    %get3A_19 = arith.constant 0 : index
    %get3A_20 = arith.constant 0 : index
    %get3A_21 = arith.constant 0 : index
    %get3A_22 = vector.load %arg2[%get3A_19, %get3A_20, %get3A_21] : memref<1x1x20480xf32, #tpu.memory_space<vmem>>, vector<1x1x2048xf32>
    %get3A_23 = vector.shape_cast %get3A_22 : vector<1x1x2048xf32> to vector<2048xf32>
    %reshape3A_24 = vector.shape_cast %get3A_23 : vector<2048xf32> to vector<1x2048xf32>
    %get3A_25 = arith.constant 0 : index
    %get3A_26 = arith.constant 0 : index
    %get3A_27 = arith.constant 0 : index
    %get3A_28 = vector.load %arg3[%get3A_25, %get3A_26, %get3A_27] : memref<1x1x20480xf32, #tpu.memory_space<vmem>>, vector<1x1x2048xf32>
    %get3A_29 = vector.shape_cast %get3A_28 : vector<1x1x2048xf32> to vector<2048xf32>
    %reshape3A_30 = vector.shape_cast %get3A_29 : vector<2048xf32> to vector<1x2048xf32>
    %sub3A = vector.broadcast %reshape3A_24 : vector<1x2048xf32> to vector<256x2048xf32>
    %sub3A_31 = arith.subf %dot_general3A_12, %sub3A : vector<256x2048xf32>
    %integer_pow3A = arith.mulf %sub3A_31, %sub3A_31 : vector<256x2048xf32>
    %gt3A = arith.constant 0.000000e+00 : f32
    %gt3A_32 = vector.broadcast %gt3A : f32 to vector<1x2048xf32>
    %gt3A_33 = arith.cmpf ogt, %reshape3A_30, %gt3A_32 : vector<1x2048xf32>
    %jit3A = arith.constant 1.000000e+10 : f32
    %broadcast_in_dim3A_34 = vector.shape_cast %gt3A_33 : vector<1x2048xi1> to vector<1x2048xi1>
    %broadcast_in_dim3A_35 = vector.broadcast %broadcast_in_dim3A_34 : vector<1x2048xi1> to vector<256x2048xi1>
    %broadcast_in_dim3A_36 = vector.broadcast %jit3A : f32 to vector<256x2048xf32>
    %select_n3A = arith.select %broadcast_in_dim3A_35, %integer_pow3A, %broadcast_in_dim3A_36 : vector<256x2048xi1>, vector<256x2048xf32>
    %reduce_min3A = arith.constant dense<0x7F800000> : vector<256xf32>
    %reduce_min3A_37 = vector.multi_reduction <minimumf>, %select_n3A, %reduce_min3A [1] : vector<256x2048xf32> to vector<256xf32>
    %broadcast_in_dim3A_38 = vector.shape_cast %reduce_min3A_37 : vector<256xf32> to vector<256x1xf32>
    %min3A = arith.minimumf %broadcast_in_dim3A_14, %broadcast_in_dim3A_38 : vector<256x1xf32>
    %reduce_min3A_39 = arith.constant dense<0x7F800000> : vector<2048xf32>
    %reduce_min3A_40 = vector.multi_reduction <minimumf>, %integer_pow3A, %reduce_min3A_39 [0] : vector<256x2048xf32> to vector<2048xf32>
    %broadcast_in_dim3A_41 = vector.shape_cast %reduce_min3A_40 : vector<2048xf32> to vector<1x2048xf32>
    %mul3A_42 = arith.mulf %broadcast_in_dim3A_41, %reshape3A_30 : vector<1x2048xf32>
    %reduce_sum3A = vector.shape_cast %mul3A_42 : vector<1x2048xf32> to vector<1x1x2048xf32>
    %reduce_sum3A_43 = arith.constant dense<0.000000e+00> : vector<1xf32>
    %reduce_sum3A_44 = vector.multi_reduction <add>, %reduce_sum3A, %reduce_sum3A_43 [1, 2] : vector<1x1x2048xf32> to vector<1xf32>
    %reduce_sum3A_45 = vector.shape_cast %reduce_sum3A_44 : vector<1xf32> to vector<1x1x1xf32>
    %reduce_sum3A_46 = vector.extract %reduce_sum3A_45[0, 0, 0] : f32 from vector<1x1x1xf32>
    %broadcast_in_dim3A_47 = vector.broadcast %reduce_sum3A_46 : f32 to vector<1x1xf32>
    %add3A_48 = arith.addf %broadcast_in_dim3A_16, %broadcast_in_dim3A_47 : vector<1x1xf32>
    %reduce_sum3A_49 = vector.shape_cast %reshape3A_30 : vector<1x2048xf32> to vector<1x1x2048xf32>
    %reduce_sum3A_50 = arith.constant dense<0.000000e+00> : vector<1xf32>
    %reduce_sum3A_51 = vector.multi_reduction <add>, %reduce_sum3A_49, %reduce_sum3A_50 [1, 2] : vector<1x1x2048xf32> to vector<1xf32>
    %reduce_sum3A_52 = vector.shape_cast %reduce_sum3A_51 : vector<1xf32> to vector<1x1x1xf32>
    %reduce_sum3A_53 = vector.extract %reduce_sum3A_52[0, 0, 0] : f32 from vector<1x1x1xf32>
    %broadcast_in_dim3A_54 = vector.broadcast %reduce_sum3A_53 : f32 to vector<1x1xf32>
    %add3A_55 = arith.addf %broadcast_in_dim3A_18, %broadcast_in_dim3A_54 : vector<1x1xf32>
    %get3A_56 = arith.constant 0 : index
    %get3A_57 = arith.constant 0 : index
    %get3A_58 = arith.constant 2048 : index
    %get3A_59 = vector.load %arg2[%get3A_56, %get3A_57, %get3A_58] : memref<1x1x20480xf32, #tpu.memory_space<vmem>>, vector<1x1x2048xf32>
    %get3A_60 = vector.shape_cast %get3A_59 : vector<1x1x2048xf32> to vector<2048xf32>
    %reshape3A_61 = vector.shape_cast %get3A_60 : vector<2048xf32> to vector<1x2048xf32>
    %get3A_62 = arith.constant 0 : index
    %get3A_63 = arith.constant 0 : index
    %get3A_64 = arith.constant 2048 : index
    %get3A_65 = vector.load %arg3[%get3A_62, %get3A_63, %get3A_64] : memref<1x1x20480xf32, #tpu.memory_space<vmem>>, vector<1x1x2048xf32>
    %get3A_66 = vector.shape_cast %get3A_65 : vector<1x1x2048xf32> to vector<2048xf32>
    %reshape3A_67 = vector.shape_cast %get3A_66 : vector<2048xf32> to vector<1x2048xf32>
    %sub3A_68 = vector.broadcast %reshape3A_61 : vector<1x2048xf32> to vector<256x2048xf32>
    %sub3A_69 = arith.subf %dot_general3A_12, %sub3A_68 : vector<256x2048xf32>
    %integer_pow3A_70 = arith.mulf %sub3A_69, %sub3A_69 : vector<256x2048xf32>
    %gt3A_71 = arith.constant 0.000000e+00 : f32
    %gt3A_72 = vector.broadcast %gt3A_71 : f32 to vector<1x2048xf32>
    %gt3A_73 = arith.cmpf ogt, %reshape3A_67, %gt3A_72 : vector<1x2048xf32>
    %jit3A_74 = arith.constant 1.000000e+10 : f32
    %broadcast_in_dim3A_75 = vector.shape_cast %gt3A_73 : vector<1x2048xi1> to vector<1x2048xi1>
    %broadcast_in_dim3A_76 = vector.broadcast %broadcast_in_dim3A_75 : vector<1x2048xi1> to vector<256x2048xi1>
    %broadcast_in_dim3A_77 = vector.broadcast %jit3A_74 : f32 to vector<256x2048xf32>
    %select_n3A_78 = arith.select %broadcast_in_dim3A_76, %integer_pow3A_70, %broadcast_in_dim3A_77 : vector<256x2048xi1>, vector<256x2048xf32>
    %reduce_min3A_79 = arith.constant dense<0x7F800000> : vector<256xf32>
    %reduce_min3A_80 = vector.multi_reduction <minimumf>, %select_n3A_78, %reduce_min3A_79 [1] : vector<256x2048xf32> to vector<256xf32>
    %broadcast_in_dim3A_81 = vector.shape_cast %reduce_min3A_80 : vector<256xf32> to vector<256x1xf32>
    %min3A_82 = arith.minimumf %min3A, %broadcast_in_dim3A_81 : vector<256x1xf32>
    %reduce_min3A_83 = arith.constant dense<0x7F800000> : vector<2048xf32>
    %reduce_min3A_84 = vector.multi_reduction <minimumf>, %integer_pow3A_70, %reduce_min3A_83 [0] : vector<256x2048xf32> to vector<2048xf32>
    %broadcast_in_dim3A_85 = vector.shape_cast %reduce_min3A_84 : vector<2048xf32> to vector<1x2048xf32>
    %mul3A_86 = arith.mulf %broadcast_in_dim3A_85, %reshape3A_67 : vector<1x2048xf32>
    %reduce_sum3A_87 = vector.shape_cast %mul3A_86 : vector<1x2048xf32> to vector<1x1x2048xf32>
    %reduce_sum3A_88 = arith.constant dense<0.000000e+00> : vector<1xf32>
    %reduce_sum3A_89 = vector.multi_reduction <add>, %reduce_sum3A_87, %reduce_sum3A_88 [1, 2] : vector<1x1x2048xf32> to vector<1xf32>
    %reduce_sum3A_90 = vector.shape_cast %reduce_sum3A_89 : vector<1xf32> to vector<1x1x1xf32>
    %reduce_sum3A_91 = vector.extract %reduce_sum3A_90[0, 0, 0] : f32 from vector<1x1x1xf32>
    %broadcast_in_dim3A_92 = vector.broadcast %reduce_sum3A_91 : f32 to vector<1x1xf32>
    %add3A_93 = arith.addf %add3A_48, %broadcast_in_dim3A_92 : vector<1x1xf32>
    %reduce_sum3A_94 = vector.shape_cast %reshape3A_67 : vector<1x2048xf32> to vector<1x1x2048xf32>
    %reduce_sum3A_95 = arith.constant dense<0.000000e+00> : vector<1xf32>
    %reduce_sum3A_96 = vector.multi_reduction <add>, %reduce_sum3A_94, %reduce_sum3A_95 [1, 2] : vector<1x1x2048xf32> to vector<1xf32>
    %reduce_sum3A_97 = vector.shape_cast %reduce_sum3A_96 : vector<1xf32> to vector<1x1x1xf32>
    %reduce_sum3A_98 = vector.extract %reduce_sum3A_97[0, 0, 0] : f32 from vector<1x1x1xf32>
    %broadcast_in_dim3A_99 = vector.broadcast %reduce_sum3A_98 : f32 to vector<1x1xf32>
    %add3A_100 = arith.addf %add3A_55, %broadcast_in_dim3A_99 : vector<1x1xf32>
    %get3A_101 = arith.constant 0 : index
    %get3A_102 = arith.constant 0 : index
    %get3A_103 = arith.constant 4096 : index
    %get3A_104 = vector.load %arg2[%get3A_101, %get3A_102, %get3A_103] : memref<1x1x20480xf32, #tpu.memory_space<vmem>>, vector<1x1x2048xf32>
    %get3A_105 = vector.shape_cast %get3A_104 : vector<1x1x2048xf32> to vector<2048xf32>
    %reshape3A_106 = vector.shape_cast %get3A_105 : vector<2048xf32> to vector<1x2048xf32>
    %get3A_107 = arith.constant 0 : index
    %get3A_108 = arith.constant 0 : index
    %get3A_109 = arith.constant 4096 : index
    %get3A_110 = vector.load %arg3[%get3A_107, %get3A_108, %get3A_109] : memref<1x1x20480xf32, #tpu.memory_space<vmem>>, vector<1x1x2048xf32>
    %get3A_111 = vector.shape_cast %get3A_110 : vector<1x1x2048xf32> to vector<2048xf32>
    %reshape3A_112 = vector.shape_cast %get3A_111 : vector<2048xf32> to vector<1x2048xf32>
    %sub3A_113 = vector.broadcast %reshape3A_106 : vector<1x2048xf32> to vector<256x2048xf32>
    %sub3A_114 = arith.subf %dot_general3A_12, %sub3A_113 : vector<256x2048xf32>
    %integer_pow3A_115 = arith.mulf %sub3A_114, %sub3A_114 : vector<256x2048xf32>
    %gt3A_116 = arith.constant 0.000000e+00 : f32
    %gt3A_117 = vector.broadcast %gt3A_116 : f32 to vector<1x2048xf32>
    %gt3A_118 = arith.cmpf ogt, %reshape3A_112, %gt3A_117 : vector<1x2048xf32>
    %jit3A_119 = arith.constant 1.000000e+10 : f32
    %broadcast_in_dim3A_120 = vector.shape_cast %gt3A_118 : vector<1x2048xi1> to vector<1x2048xi1>
    %broadcast_in_dim3A_121 = vector.broadcast %broadcast_in_dim3A_120 : vector<1x2048xi1> to vector<256x2048xi1>
    %broadcast_in_dim3A_122 = vector.broadcast %jit3A_119 : f32 to vector<256x2048xf32>
    %select_n3A_123 = arith.select %broadcast_in_dim3A_121, %integer_pow3A_115, %broadcast_in_dim3A_122 : vector<256x2048xi1>, vector<256x2048xf32>
    %reduce_min3A_124 = arith.constant dense<0x7F800000> : vector<256xf32>
    %reduce_min3A_125 = vector.multi_reduction <minimumf>, %select_n3A_123, %reduce_min3A_124 [1] : vector<256x2048xf32> to vector<256xf32>
    %broadcast_in_dim3A_126 = vector.shape_cast %reduce_min3A_125 : vector<256xf32> to vector<256x1xf32>
    %min3A_127 = arith.minimumf %min3A_82, %broadcast_in_dim3A_126 : vector<256x1xf32>
    %reduce_min3A_128 = arith.constant dense<0x7F800000> : vector<2048xf32>
    %reduce_min3A_129 = vector.multi_reduction <minimumf>, %integer_pow3A_115, %reduce_min3A_128 [0] : vector<256x2048xf32> to vector<2048xf32>
    %broadcast_in_dim3A_130 = vector.shape_cast %reduce_min3A_129 : vector<2048xf32> to vector<1x2048xf32>
    %mul3A_131 = arith.mulf %broadcast_in_dim3A_130, %reshape3A_112 : vector<1x2048xf32>
    %reduce_sum3A_132 = vector.shape_cast %mul3A_131 : vector<1x2048xf32> to vector<1x1x2048xf32>
    %reduce_sum3A_133 = arith.constant dense<0.000000e+00> : vector<1xf32>
    %reduce_sum3A_134 = vector.multi_reduction <add>, %reduce_sum3A_132, %reduce_sum3A_133 [1, 2] : vector<1x1x2048xf32> to vector<1xf32>
    %reduce_sum3A_135 = vector.shape_cast %reduce_sum3A_134 : vector<1xf32> to vector<1x1x1xf32>
    %reduce_sum3A_136 = vector.extract %reduce_sum3A_135[0, 0, 0] : f32 from vector<1x1x1xf32>
    %broadcast_in_dim3A_137 = vector.broadcast %reduce_sum3A_136 : f32 to vector<1x1xf32>
    %add3A_138 = arith.addf %add3A_93, %broadcast_in_dim3A_137 : vector<1x1xf32>
    %reduce_sum3A_139 = vector.shape_cast %reshape3A_112 : vector<1x2048xf32> to vector<1x1x2048xf32>
    %reduce_sum3A_140 = arith.constant dense<0.000000e+00> : vector<1xf32>
    %reduce_sum3A_141 = vector.multi_reduction <add>, %reduce_sum3A_139, %reduce_sum3A_140 [1, 2] : vector<1x1x2048xf32> to vector<1xf32>
    %reduce_sum3A_142 = vector.shape_cast %reduce_sum3A_141 : vector<1xf32> to vector<1x1x1xf32>
    %reduce_sum3A_143 = vector.extract %reduce_sum3A_142[0, 0, 0] : f32 from vector<1x1x1xf32>
    %broadcast_in_dim3A_144 = vector.broadcast %reduce_sum3A_143 : f32 to vector<1x1xf32>
    %add3A_145 = arith.addf %add3A_100, %broadcast_in_dim3A_144 : vector<1x1xf32>
    %get3A_146 = arith.constant 0 : index
    %get3A_147 = arith.constant 0 : index
    %get3A_148 = arith.constant 6144 : index
    %get3A_149 = vector.load %arg2[%get3A_146, %get3A_147, %get3A_148] : memref<1x1x20480xf32, #tpu.memory_space<vmem>>, vector<1x1x2048xf32>
    %get3A_150 = vector.shape_cast %get3A_149 : vector<1x1x2048xf32> to vector<2048xf32>
    %reshape3A_151 = vector.shape_cast %get3A_150 : vector<2048xf32> to vector<1x2048xf32>
    %get3A_152 = arith.constant 0 : index
    %get3A_153 = arith.constant 0 : index
    %get3A_154 = arith.constant 6144 : index
    %get3A_155 = vector.load %arg3[%get3A_152, %get3A_153, %get3A_154] : memref<1x1x20480xf32, #tpu.memory_space<vmem>>, vector<1x1x2048xf32>
    %get3A_156 = vector.shape_cast %get3A_155 : vector<1x1x2048xf32> to vector<2048xf32>
    %reshape3A_157 = vector.shape_cast %get3A_156 : vector<2048xf32> to vector<1x2048xf32>
    %sub3A_158 = vector.broadcast %reshape3A_151 : vector<1x2048xf32> to vector<256x2048xf32>
    %sub3A_159 = arith.subf %dot_general3A_12, %sub3A_158 : vector<256x2048xf32>
    %integer_pow3A_160 = arith.mulf %sub3A_159, %sub3A_159 : vector<256x2048xf32>
    %gt3A_161 = arith.constant 0.000000e+00 : f32
    %gt3A_162 = vector.broadcast %gt3A_161 : f32 to vector<1x2048xf32>
    %gt3A_163 = arith.cmpf ogt, %reshape3A_157, %gt3A_162 : vector<1x2048xf32>
    %jit3A_164 = arith.constant 1.000000e+10 : f32
    %broadcast_in_dim3A_165 = vector.shape_cast %gt3A_163 : vector<1x2048xi1> to vector<1x2048xi1>
    %broadcast_in_dim3A_166 = vector.broadcast %broadcast_in_dim3A_165 : vector<1x2048xi1> to vector<256x2048xi1>
    %broadcast_in_dim3A_167 = vector.broadcast %jit3A_164 : f32 to vector<256x2048xf32>
    %select_n3A_168 = arith.select %broadcast_in_dim3A_166, %integer_pow3A_160, %broadcast_in_dim3A_167 : vector<256x2048xi1>, vector<256x2048xf32>
    %reduce_min3A_169 = arith.constant dense<0x7F800000> : vector<256xf32>
    %reduce_min3A_170 = vector.multi_reduction <minimumf>, %select_n3A_168, %reduce_min3A_169 [1] : vector<256x2048xf32> to vector<256xf32>
    %broadcast_in_dim3A_171 = vector.shape_cast %reduce_min3A_170 : vector<256xf32> to vector<256x1xf32>
    %min3A_172 = arith.minimumf %min3A_127, %broadcast_in_dim3A_171 : vector<256x1xf32>
    %reduce_min3A_173 = arith.constant dense<0x7F800000> : vector<2048xf32>
    %reduce_min3A_174 = vector.multi_reduction <minimumf>, %integer_pow3A_160, %reduce_min3A_173 [0] : vector<256x2048xf32> to vector<2048xf32>
    %broadcast_in_dim3A_175 = vector.shape_cast %reduce_min3A_174 : vector<2048xf32> to vector<1x2048xf32>
    %mul3A_176 = arith.mulf %broadcast_in_dim3A_175, %reshape3A_157 : vector<1x2048xf32>
    %reduce_sum3A_177 = vector.shape_cast %mul3A_176 : vector<1x2048xf32> to vector<1x1x2048xf32>
    %reduce_sum3A_178 = arith.constant dense<0.000000e+00> : vector<1xf32>
    %reduce_sum3A_179 = vector.multi_reduction <add>, %reduce_sum3A_177, %reduce_sum3A_178 [1, 2] : vector<1x1x2048xf32> to vector<1xf32>
    %reduce_sum3A_180 = vector.shape_cast %reduce_sum3A_179 : vector<1xf32> to vector<1x1x1xf32>
    %reduce_sum3A_181 = vector.extract %reduce_sum3A_180[0, 0, 0] : f32 from vector<1x1x1xf32>
    %broadcast_in_dim3A_182 = vector.broadcast %reduce_sum3A_181 : f32 to vector<1x1xf32>
    %add3A_183 = arith.addf %add3A_138, %broadcast_in_dim3A_182 : vector<1x1xf32>
    %reduce_sum3A_184 = vector.shape_cast %reshape3A_157 : vector<1x2048xf32> to vector<1x1x2048xf32>
    %reduce_sum3A_185 = arith.constant dense<0.000000e+00> : vector<1xf32>
    %reduce_sum3A_186 = vector.multi_reduction <add>, %reduce_sum3A_184, %reduce_sum3A_185 [1, 2] : vector<1x1x2048xf32> to vector<1xf32>
    %reduce_sum3A_187 = vector.shape_cast %reduce_sum3A_186 : vector<1xf32> to vector<1x1x1xf32>
    %reduce_sum3A_188 = vector.extract %reduce_sum3A_187[0, 0, 0] : f32 from vector<1x1x1xf32>
    %broadcast_in_dim3A_189 = vector.broadcast %reduce_sum3A_188 : f32 to vector<1x1xf32>
    %add3A_190 = arith.addf %add3A_145, %broadcast_in_dim3A_189 : vector<1x1xf32>
    %get3A_191 = arith.constant 0 : index
    %get3A_192 = arith.constant 0 : index
    %get3A_193 = arith.constant 8192 : index
    %get3A_194 = vector.load %arg2[%get3A_191, %get3A_192, %get3A_193] : memref<1x1x20480xf32, #tpu.memory_space<vmem>>, vector<1x1x2048xf32>
    %get3A_195 = vector.shape_cast %get3A_194 : vector<1x1x2048xf32> to vector<2048xf32>
    %reshape3A_196 = vector.shape_cast %get3A_195 : vector<2048xf32> to vector<1x2048xf32>
    %get3A_197 = arith.constant 0 : index
    %get3A_198 = arith.constant 0 : index
    %get3A_199 = arith.constant 8192 : index
    %get3A_200 = vector.load %arg3[%get3A_197, %get3A_198, %get3A_199] : memref<1x1x20480xf32, #tpu.memory_space<vmem>>, vector<1x1x2048xf32>
    %get3A_201 = vector.shape_cast %get3A_200 : vector<1x1x2048xf32> to vector<2048xf32>
    %reshape3A_202 = vector.shape_cast %get3A_201 : vector<2048xf32> to vector<1x2048xf32>
    %sub3A_203 = vector.broadcast %reshape3A_196 : vector<1x2048xf32> to vector<256x2048xf32>
    %sub3A_204 = arith.subf %dot_general3A_12, %sub3A_203 : vector<256x2048xf32>
    %integer_pow3A_205 = arith.mulf %sub3A_204, %sub3A_204 : vector<256x2048xf32>
    %gt3A_206 = arith.constant 0.000000e+00 : f32
    %gt3A_207 = vector.broadcast %gt3A_206 : f32 to vector<1x2048xf32>
    %gt3A_208 = arith.cmpf ogt, %reshape3A_202, %gt3A_207 : vector<1x2048xf32>
    %jit3A_209 = arith.constant 1.000000e+10 : f32
    %broadcast_in_dim3A_210 = vector.shape_cast %gt3A_208 : vector<1x2048xi1> to vector<1x2048xi1>
    %broadcast_in_dim3A_211 = vector.broadcast %broadcast_in_dim3A_210 : vector<1x2048xi1> to vector<256x2048xi1>
    %broadcast_in_dim3A_212 = vector.broadcast %jit3A_209 : f32 to vector<256x2048xf32>
    %select_n3A_213 = arith.select %broadcast_in_dim3A_211, %integer_pow3A_205, %broadcast_in_dim3A_212 : vector<256x2048xi1>, vector<256x2048xf32>
    %reduce_min3A_214 = arith.constant dense<0x7F800000> : vector<256xf32>
    %reduce_min3A_215 = vector.multi_reduction <minimumf>, %select_n3A_213, %reduce_min3A_214 [1] : vector<256x2048xf32> to vector<256xf32>
    %broadcast_in_dim3A_216 = vector.shape_cast %reduce_min3A_215 : vector<256xf32> to vector<256x1xf32>
    %min3A_217 = arith.minimumf %min3A_172, %broadcast_in_dim3A_216 : vector<256x1xf32>
    %reduce_min3A_218 = arith.constant dense<0x7F800000> : vector<2048xf32>
    %reduce_min3A_219 = vector.multi_reduction <minimumf>, %integer_pow3A_205, %reduce_min3A_218 [0] : vector<256x2048xf32> to vector<2048xf32>
    %broadcast_in_dim3A_220 = vector.shape_cast %reduce_min3A_219 : vector<2048xf32> to vector<1x2048xf32>
    %mul3A_221 = arith.mulf %broadcast_in_dim3A_220, %reshape3A_202 : vector<1x2048xf32>
    %reduce_sum3A_222 = vector.shape_cast %mul3A_221 : vector<1x2048xf32> to vector<1x1x2048xf32>
    %reduce_sum3A_223 = arith.constant dense<0.000000e+00> : vector<1xf32>
    %reduce_sum3A_224 = vector.multi_reduction <add>, %reduce_sum3A_222, %reduce_sum3A_223 [1, 2] : vector<1x1x2048xf32> to vector<1xf32>
    %reduce_sum3A_225 = vector.shape_cast %reduce_sum3A_224 : vector<1xf32> to vector<1x1x1xf32>
    %reduce_sum3A_226 = vector.extract %reduce_sum3A_225[0, 0, 0] : f32 from vector<1x1x1xf32>
    %broadcast_in_dim3A_227 = vector.broadcast %reduce_sum3A_226 : f32 to vector<1x1xf32>
    %add3A_228 = arith.addf %add3A_183, %broadcast_in_dim3A_227 : vector<1x1xf32>
    %reduce_sum3A_229 = vector.shape_cast %reshape3A_202 : vector<1x2048xf32> to vector<1x1x2048xf32>
    %reduce_sum3A_230 = arith.constant dense<0.000000e+00> : vector<1xf32>
    %reduce_sum3A_231 = vector.multi_reduction <add>, %reduce_sum3A_229, %reduce_sum3A_230 [1, 2] : vector<1x1x2048xf32> to vector<1xf32>
    %reduce_sum3A_232 = vector.shape_cast %reduce_sum3A_231 : vector<1xf32> to vector<1x1x1xf32>
    %reduce_sum3A_233 = vector.extract %reduce_sum3A_232[0, 0, 0] : f32 from vector<1x1x1xf32>
    %broadcast_in_dim3A_234 = vector.broadcast %reduce_sum3A_233 : f32 to vector<1x1xf32>
    %add3A_235 = arith.addf %add3A_190, %broadcast_in_dim3A_234 : vector<1x1xf32>
    %get3A_236 = arith.constant 0 : index
    %get3A_237 = arith.constant 0 : index
    %get3A_238 = arith.constant 10240 : index
    %get3A_239 = vector.load %arg2[%get3A_236, %get3A_237, %get3A_238] : memref<1x1x20480xf32, #tpu.memory_space<vmem>>, vector<1x1x2048xf32>
    %get3A_240 = vector.shape_cast %get3A_239 : vector<1x1x2048xf32> to vector<2048xf32>
    %reshape3A_241 = vector.shape_cast %get3A_240 : vector<2048xf32> to vector<1x2048xf32>
    %get3A_242 = arith.constant 0 : index
    %get3A_243 = arith.constant 0 : index
    %get3A_244 = arith.constant 10240 : index
    %get3A_245 = vector.load %arg3[%get3A_242, %get3A_243, %get3A_244] : memref<1x1x20480xf32, #tpu.memory_space<vmem>>, vector<1x1x2048xf32>
    %get3A_246 = vector.shape_cast %get3A_245 : vector<1x1x2048xf32> to vector<2048xf32>
    %reshape3A_247 = vector.shape_cast %get3A_246 : vector<2048xf32> to vector<1x2048xf32>
    %sub3A_248 = vector.broadcast %reshape3A_241 : vector<1x2048xf32> to vector<256x2048xf32>
    %sub3A_249 = arith.subf %dot_general3A_12, %sub3A_248 : vector<256x2048xf32>
    %integer_pow3A_250 = arith.mulf %sub3A_249, %sub3A_249 : vector<256x2048xf32>
    %gt3A_251 = arith.constant 0.000000e+00 : f32
    %gt3A_252 = vector.broadcast %gt3A_251 : f32 to vector<1x2048xf32>
    %gt3A_253 = arith.cmpf ogt, %reshape3A_247, %gt3A_252 : vector<1x2048xf32>
    %jit3A_254 = arith.constant 1.000000e+10 : f32
    %broadcast_in_dim3A_255 = vector.shape_cast %gt3A_253 : vector<1x2048xi1> to vector<1x2048xi1>
    %broadcast_in_dim3A_256 = vector.broadcast %broadcast_in_dim3A_255 : vector<1x2048xi1> to vector<256x2048xi1>
    %broadcast_in_dim3A_257 = vector.broadcast %jit3A_254 : f32 to vector<256x2048xf32>
    %select_n3A_258 = arith.select %broadcast_in_dim3A_256, %integer_pow3A_250, %broadcast_in_dim3A_257 : vector<256x2048xi1>, vector<256x2048xf32>
    %reduce_min3A_259 = arith.constant dense<0x7F800000> : vector<256xf32>
    %reduce_min3A_260 = vector.multi_reduction <minimumf>, %select_n3A_258, %reduce_min3A_259 [1] : vector<256x2048xf32> to vector<256xf32>
    %broadcast_in_dim3A_261 = vector.shape_cast %reduce_min3A_260 : vector<256xf32> to vector<256x1xf32>
    %min3A_262 = arith.minimumf %min3A_217, %broadcast_in_dim3A_261 : vector<256x1xf32>
    %reduce_min3A_263 = arith.constant dense<0x7F800000> : vector<2048xf32>
    %reduce_min3A_264 = vector.multi_reduction <minimumf>, %integer_pow3A_250, %reduce_min3A_263 [0] : vector<256x2048xf32> to vector<2048xf32>
    %broadcast_in_dim3A_265 = vector.shape_cast %reduce_min3A_264 : vector<2048xf32> to vector<1x2048xf32>
    %mul3A_266 = arith.mulf %broadcast_in_dim3A_265, %reshape3A_247 : vector<1x2048xf32>
    %reduce_sum3A_267 = vector.shape_cast %mul3A_266 : vector<1x2048xf32> to vector<1x1x2048xf32>
    %reduce_sum3A_268 = arith.constant dense<0.000000e+00> : vector<1xf32>
    %reduce_sum3A_269 = vector.multi_reduction <add>, %reduce_sum3A_267, %reduce_sum3A_268 [1, 2] : vector<1x1x2048xf32> to vector<1xf32>
    %reduce_sum3A_270 = vector.shape_cast %reduce_sum3A_269 : vector<1xf32> to vector<1x1x1xf32>
    %reduce_sum3A_271 = vector.extract %reduce_sum3A_270[0, 0, 0] : f32 from vector<1x1x1xf32>
    %broadcast_in_dim3A_272 = vector.broadcast %reduce_sum3A_271 : f32 to vector<1x1xf32>
    %add3A_273 = arith.addf %add3A_228, %broadcast_in_dim3A_272 : vector<1x1xf32>
    %reduce_sum3A_274 = vector.shape_cast %reshape3A_247 : vector<1x2048xf32> to vector<1x1x2048xf32>
    %reduce_sum3A_275 = arith.constant dense<0.000000e+00> : vector<1xf32>
    %reduce_sum3A_276 = vector.multi_reduction <add>, %reduce_sum3A_274, %reduce_sum3A_275 [1, 2] : vector<1x1x2048xf32> to vector<1xf32>
    %reduce_sum3A_277 = vector.shape_cast %reduce_sum3A_276 : vector<1xf32> to vector<1x1x1xf32>
    %reduce_sum3A_278 = vector.extract %reduce_sum3A_277[0, 0, 0] : f32 from vector<1x1x1xf32>
    %broadcast_in_dim3A_279 = vector.broadcast %reduce_sum3A_278 : f32 to vector<1x1xf32>
    %add3A_280 = arith.addf %add3A_235, %broadcast_in_dim3A_279 : vector<1x1xf32>
    %get3A_281 = arith.constant 0 : index
    %get3A_282 = arith.constant 0 : index
    %get3A_283 = arith.constant 12288 : index
    %get3A_284 = vector.load %arg2[%get3A_281, %get3A_282, %get3A_283] : memref<1x1x20480xf32, #tpu.memory_space<vmem>>, vector<1x1x2048xf32>
    %get3A_285 = vector.shape_cast %get3A_284 : vector<1x1x2048xf32> to vector<2048xf32>
    %reshape3A_286 = vector.shape_cast %get3A_285 : vector<2048xf32> to vector<1x2048xf32>
    %get3A_287 = arith.constant 0 : index
    %get3A_288 = arith.constant 0 : index
    %get3A_289 = arith.constant 12288 : index
    %get3A_290 = vector.load %arg3[%get3A_287, %get3A_288, %get3A_289] : memref<1x1x20480xf32, #tpu.memory_space<vmem>>, vector<1x1x2048xf32>
    %get3A_291 = vector.shape_cast %get3A_290 : vector<1x1x2048xf32> to vector<2048xf32>
    %reshape3A_292 = vector.shape_cast %get3A_291 : vector<2048xf32> to vector<1x2048xf32>
    %sub3A_293 = vector.broadcast %reshape3A_286 : vector<1x2048xf32> to vector<256x2048xf32>
    %sub3A_294 = arith.subf %dot_general3A_12, %sub3A_293 : vector<256x2048xf32>
    %integer_pow3A_295 = arith.mulf %sub3A_294, %sub3A_294 : vector<256x2048xf32>
    %gt3A_296 = arith.constant 0.000000e+00 : f32
    %gt3A_297 = vector.broadcast %gt3A_296 : f32 to vector<1x2048xf32>
    %gt3A_298 = arith.cmpf ogt, %reshape3A_292, %gt3A_297 : vector<1x2048xf32>
    %jit3A_299 = arith.constant 1.000000e+10 : f32
    %broadcast_in_dim3A_300 = vector.shape_cast %gt3A_298 : vector<1x2048xi1> to vector<1x2048xi1>
    %broadcast_in_dim3A_301 = vector.broadcast %broadcast_in_dim3A_300 : vector<1x2048xi1> to vector<256x2048xi1>
    %broadcast_in_dim3A_302 = vector.broadcast %jit3A_299 : f32 to vector<256x2048xf32>
    %select_n3A_303 = arith.select %broadcast_in_dim3A_301, %integer_pow3A_295, %broadcast_in_dim3A_302 : vector<256x2048xi1>, vector<256x2048xf32>
    %reduce_min3A_304 = arith.constant dense<0x7F800000> : vector<256xf32>
    %reduce_min3A_305 = vector.multi_reduction <minimumf>, %select_n3A_303, %reduce_min3A_304 [1] : vector<256x2048xf32> to vector<256xf32>
    %broadcast_in_dim3A_306 = vector.shape_cast %reduce_min3A_305 : vector<256xf32> to vector<256x1xf32>
    %min3A_307 = arith.minimumf %min3A_262, %broadcast_in_dim3A_306 : vector<256x1xf32>
    %reduce_min3A_308 = arith.constant dense<0x7F800000> : vector<2048xf32>
    %reduce_min3A_309 = vector.multi_reduction <minimumf>, %integer_pow3A_295, %reduce_min3A_308 [0] : vector<256x2048xf32> to vector<2048xf32>
    %broadcast_in_dim3A_310 = vector.shape_cast %reduce_min3A_309 : vector<2048xf32> to vector<1x2048xf32>
    %mul3A_311 = arith.mulf %broadcast_in_dim3A_310, %reshape3A_292 : vector<1x2048xf32>
    %reduce_sum3A_312 = vector.shape_cast %mul3A_311 : vector<1x2048xf32> to vector<1x1x2048xf32>
    %reduce_sum3A_313 = arith.constant dense<0.000000e+00> : vector<1xf32>
    %reduce_sum3A_314 = vector.multi_reduction <add>, %reduce_sum3A_312, %reduce_sum3A_313 [1, 2] : vector<1x1x2048xf32> to vector<1xf32>
    %reduce_sum3A_315 = vector.shape_cast %reduce_sum3A_314 : vector<1xf32> to vector<1x1x1xf32>
    %reduce_sum3A_316 = vector.extract %reduce_sum3A_315[0, 0, 0] : f32 from vector<1x1x1xf32>
    %broadcast_in_dim3A_317 = vector.broadcast %reduce_sum3A_316 : f32 to vector<1x1xf32>
    %add3A_318 = arith.addf %add3A_273, %broadcast_in_dim3A_317 : vector<1x1xf32>
    %reduce_sum3A_319 = vector.shape_cast %reshape3A_292 : vector<1x2048xf32> to vector<1x1x2048xf32>
    %reduce_sum3A_320 = arith.constant dense<0.000000e+00> : vector<1xf32>
    %reduce_sum3A_321 = vector.multi_reduction <add>, %reduce_sum3A_319, %reduce_sum3A_320 [1, 2] : vector<1x1x2048xf32> to vector<1xf32>
    %reduce_sum3A_322 = vector.shape_cast %reduce_sum3A_321 : vector<1xf32> to vector<1x1x1xf32>
    %reduce_sum3A_323 = vector.extract %reduce_sum3A_322[0, 0, 0] : f32 from vector<1x1x1xf32>
    %broadcast_in_dim3A_324 = vector.broadcast %reduce_sum3A_323 : f32 to vector<1x1xf32>
    %add3A_325 = arith.addf %add3A_280, %broadcast_in_dim3A_324 : vector<1x1xf32>
    %get3A_326 = arith.constant 0 : index
    %get3A_327 = arith.constant 0 : index
    %get3A_328 = arith.constant 14336 : index
    %get3A_329 = vector.load %arg2[%get3A_326, %get3A_327, %get3A_328] : memref<1x1x20480xf32, #tpu.memory_space<vmem>>, vector<1x1x2048xf32>
    %get3A_330 = vector.shape_cast %get3A_329 : vector<1x1x2048xf32> to vector<2048xf32>
    %reshape3A_331 = vector.shape_cast %get3A_330 : vector<2048xf32> to vector<1x2048xf32>
    %get3A_332 = arith.constant 0 : index
    %get3A_333 = arith.constant 0 : index
    %get3A_334 = arith.constant 14336 : index
    %get3A_335 = vector.load %arg3[%get3A_332, %get3A_333, %get3A_334] : memref<1x1x20480xf32, #tpu.memory_space<vmem>>, vector<1x1x2048xf32>
    %get3A_336 = vector.shape_cast %get3A_335 : vector<1x1x2048xf32> to vector<2048xf32>
    %reshape3A_337 = vector.shape_cast %get3A_336 : vector<2048xf32> to vector<1x2048xf32>
    %sub3A_338 = vector.broadcast %reshape3A_331 : vector<1x2048xf32> to vector<256x2048xf32>
    %sub3A_339 = arith.subf %dot_general3A_12, %sub3A_338 : vector<256x2048xf32>
    %integer_pow3A_340 = arith.mulf %sub3A_339, %sub3A_339 : vector<256x2048xf32>
    %gt3A_341 = arith.constant 0.000000e+00 : f32
    %gt3A_342 = vector.broadcast %gt3A_341 : f32 to vector<1x2048xf32>
    %gt3A_343 = arith.cmpf ogt, %reshape3A_337, %gt3A_342 : vector<1x2048xf32>
    %jit3A_344 = arith.constant 1.000000e+10 : f32
    %broadcast_in_dim3A_345 = vector.shape_cast %gt3A_343 : vector<1x2048xi1> to vector<1x2048xi1>
    %broadcast_in_dim3A_346 = vector.broadcast %broadcast_in_dim3A_345 : vector<1x2048xi1> to vector<256x2048xi1>
    %broadcast_in_dim3A_347 = vector.broadcast %jit3A_344 : f32 to vector<256x2048xf32>
    %select_n3A_348 = arith.select %broadcast_in_dim3A_346, %integer_pow3A_340, %broadcast_in_dim3A_347 : vector<256x2048xi1>, vector<256x2048xf32>
    %reduce_min3A_349 = arith.constant dense<0x7F800000> : vector<256xf32>
    %reduce_min3A_350 = vector.multi_reduction <minimumf>, %select_n3A_348, %reduce_min3A_349 [1] : vector<256x2048xf32> to vector<256xf32>
    %broadcast_in_dim3A_351 = vector.shape_cast %reduce_min3A_350 : vector<256xf32> to vector<256x1xf32>
    %min3A_352 = arith.minimumf %min3A_307, %broadcast_in_dim3A_351 : vector<256x1xf32>
    %reduce_min3A_353 = arith.constant dense<0x7F800000> : vector<2048xf32>
    %reduce_min3A_354 = vector.multi_reduction <minimumf>, %integer_pow3A_340, %reduce_min3A_353 [0] : vector<256x2048xf32> to vector<2048xf32>
    %broadcast_in_dim3A_355 = vector.shape_cast %reduce_min3A_354 : vector<2048xf32> to vector<1x2048xf32>
    %mul3A_356 = arith.mulf %broadcast_in_dim3A_355, %reshape3A_337 : vector<1x2048xf32>
    %reduce_sum3A_357 = vector.shape_cast %mul3A_356 : vector<1x2048xf32> to vector<1x1x2048xf32>
    %reduce_sum3A_358 = arith.constant dense<0.000000e+00> : vector<1xf32>
    %reduce_sum3A_359 = vector.multi_reduction <add>, %reduce_sum3A_357, %reduce_sum3A_358 [1, 2] : vector<1x1x2048xf32> to vector<1xf32>
    %reduce_sum3A_360 = vector.shape_cast %reduce_sum3A_359 : vector<1xf32> to vector<1x1x1xf32>
    %reduce_sum3A_361 = vector.extract %reduce_sum3A_360[0, 0, 0] : f32 from vector<1x1x1xf32>
    %broadcast_in_dim3A_362 = vector.broadcast %reduce_sum3A_361 : f32 to vector<1x1xf32>
    %add3A_363 = arith.addf %add3A_318, %broadcast_in_dim3A_362 : vector<1x1xf32>
    %reduce_sum3A_364 = vector.shape_cast %reshape3A_337 : vector<1x2048xf32> to vector<1x1x2048xf32>
    %reduce_sum3A_365 = arith.constant dense<0.000000e+00> : vector<1xf32>
    %reduce_sum3A_366 = vector.multi_reduction <add>, %reduce_sum3A_364, %reduce_sum3A_365 [1, 2] : vector<1x1x2048xf32> to vector<1xf32>
    %reduce_sum3A_367 = vector.shape_cast %reduce_sum3A_366 : vector<1xf32> to vector<1x1x1xf32>
    %reduce_sum3A_368 = vector.extract %reduce_sum3A_367[0, 0, 0] : f32 from vector<1x1x1xf32>
    %broadcast_in_dim3A_369 = vector.broadcast %reduce_sum3A_368 : f32 to vector<1x1xf32>
    %add3A_370 = arith.addf %add3A_325, %broadcast_in_dim3A_369 : vector<1x1xf32>
    %get3A_371 = arith.constant 0 : index
    %get3A_372 = arith.constant 0 : index
    %get3A_373 = arith.constant 16384 : index
    %get3A_374 = vector.load %arg2[%get3A_371, %get3A_372, %get3A_373] : memref<1x1x20480xf32, #tpu.memory_space<vmem>>, vector<1x1x2048xf32>
    %get3A_375 = vector.shape_cast %get3A_374 : vector<1x1x2048xf32> to vector<2048xf32>
    %reshape3A_376 = vector.shape_cast %get3A_375 : vector<2048xf32> to vector<1x2048xf32>
    %get3A_377 = arith.constant 0 : index
    %get3A_378 = arith.constant 0 : index
    %get3A_379 = arith.constant 16384 : index
    %get3A_380 = vector.load %arg3[%get3A_377, %get3A_378, %get3A_379] : memref<1x1x20480xf32, #tpu.memory_space<vmem>>, vector<1x1x2048xf32>
    %get3A_381 = vector.shape_cast %get3A_380 : vector<1x1x2048xf32> to vector<2048xf32>
    %reshape3A_382 = vector.shape_cast %get3A_381 : vector<2048xf32> to vector<1x2048xf32>
    %sub3A_383 = vector.broadcast %reshape3A_376 : vector<1x2048xf32> to vector<256x2048xf32>
    %sub3A_384 = arith.subf %dot_general3A_12, %sub3A_383 : vector<256x2048xf32>
    %integer_pow3A_385 = arith.mulf %sub3A_384, %sub3A_384 : vector<256x2048xf32>
    %gt3A_386 = arith.constant 0.000000e+00 : f32
    %gt3A_387 = vector.broadcast %gt3A_386 : f32 to vector<1x2048xf32>
    %gt3A_388 = arith.cmpf ogt, %reshape3A_382, %gt3A_387 : vector<1x2048xf32>
    %jit3A_389 = arith.constant 1.000000e+10 : f32
    %broadcast_in_dim3A_390 = vector.shape_cast %gt3A_388 : vector<1x2048xi1> to vector<1x2048xi1>
    %broadcast_in_dim3A_391 = vector.broadcast %broadcast_in_dim3A_390 : vector<1x2048xi1> to vector<256x2048xi1>
    %broadcast_in_dim3A_392 = vector.broadcast %jit3A_389 : f32 to vector<256x2048xf32>
    %select_n3A_393 = arith.select %broadcast_in_dim3A_391, %integer_pow3A_385, %broadcast_in_dim3A_392 : vector<256x2048xi1>, vector<256x2048xf32>
    %reduce_min3A_394 = arith.constant dense<0x7F800000> : vector<256xf32>
    %reduce_min3A_395 = vector.multi_reduction <minimumf>, %select_n3A_393, %reduce_min3A_394 [1] : vector<256x2048xf32> to vector<256xf32>
    %broadcast_in_dim3A_396 = vector.shape_cast %reduce_min3A_395 : vector<256xf32> to vector<256x1xf32>
    %min3A_397 = arith.minimumf %min3A_352, %broadcast_in_dim3A_396 : vector<256x1xf32>
    %reduce_min3A_398 = arith.constant dense<0x7F800000> : vector<2048xf32>
    %reduce_min3A_399 = vector.multi_reduction <minimumf>, %integer_pow3A_385, %reduce_min3A_398 [0] : vector<256x2048xf32> to vector<2048xf32>
    %broadcast_in_dim3A_400 = vector.shape_cast %reduce_min3A_399 : vector<2048xf32> to vector<1x2048xf32>
    %mul3A_401 = arith.mulf %broadcast_in_dim3A_400, %reshape3A_382 : vector<1x2048xf32>
    %reduce_sum3A_402 = vector.shape_cast %mul3A_401 : vector<1x2048xf32> to vector<1x1x2048xf32>
    %reduce_sum3A_403 = arith.constant dense<0.000000e+00> : vector<1xf32>
    %reduce_sum3A_404 = vector.multi_reduction <add>, %reduce_sum3A_402, %reduce_sum3A_403 [1, 2] : vector<1x1x2048xf32> to vector<1xf32>
    %reduce_sum3A_405 = vector.shape_cast %reduce_sum3A_404 : vector<1xf32> to vector<1x1x1xf32>
    %reduce_sum3A_406 = vector.extract %reduce_sum3A_405[0, 0, 0] : f32 from vector<1x1x1xf32>
    %broadcast_in_dim3A_407 = vector.broadcast %reduce_sum3A_406 : f32 to vector<1x1xf32>
    %add3A_408 = arith.addf %add3A_363, %broadcast_in_dim3A_407 : vector<1x1xf32>
    %reduce_sum3A_409 = vector.shape_cast %reshape3A_382 : vector<1x2048xf32> to vector<1x1x2048xf32>
    %reduce_sum3A_410 = arith.constant dense<0.000000e+00> : vector<1xf32>
    %reduce_sum3A_411 = vector.multi_reduction <add>, %reduce_sum3A_409, %reduce_sum3A_410 [1, 2] : vector<1x1x2048xf32> to vector<1xf32>
    %reduce_sum3A_412 = vector.shape_cast %reduce_sum3A_411 : vector<1xf32> to vector<1x1x1xf32>
    %reduce_sum3A_413 = vector.extract %reduce_sum3A_412[0, 0, 0] : f32 from vector<1x1x1xf32>
    %broadcast_in_dim3A_414 = vector.broadcast %reduce_sum3A_413 : f32 to vector<1x1xf32>
    %add3A_415 = arith.addf %add3A_370, %broadcast_in_dim3A_414 : vector<1x1xf32>
    %get3A_416 = arith.constant 0 : index
    %get3A_417 = arith.constant 0 : index
    %get3A_418 = arith.constant 18432 : index
    %get3A_419 = vector.load %arg2[%get3A_416, %get3A_417, %get3A_418] : memref<1x1x20480xf32, #tpu.memory_space<vmem>>, vector<1x1x2048xf32>
    %get3A_420 = vector.shape_cast %get3A_419 : vector<1x1x2048xf32> to vector<2048xf32>
    %reshape3A_421 = vector.shape_cast %get3A_420 : vector<2048xf32> to vector<1x2048xf32>
    %get3A_422 = arith.constant 0 : index
    %get3A_423 = arith.constant 0 : index
    %get3A_424 = arith.constant 18432 : index
    %get3A_425 = vector.load %arg3[%get3A_422, %get3A_423, %get3A_424] : memref<1x1x20480xf32, #tpu.memory_space<vmem>>, vector<1x1x2048xf32>
    %get3A_426 = vector.shape_cast %get3A_425 : vector<1x1x2048xf32> to vector<2048xf32>
    %reshape3A_427 = vector.shape_cast %get3A_426 : vector<2048xf32> to vector<1x2048xf32>
    %sub3A_428 = vector.broadcast %reshape3A_421 : vector<1x2048xf32> to vector<256x2048xf32>
    %sub3A_429 = arith.subf %dot_general3A_12, %sub3A_428 : vector<256x2048xf32>
    %integer_pow3A_430 = arith.mulf %sub3A_429, %sub3A_429 : vector<256x2048xf32>
    %gt3A_431 = arith.constant 0.000000e+00 : f32
    %gt3A_432 = vector.broadcast %gt3A_431 : f32 to vector<1x2048xf32>
    %gt3A_433 = arith.cmpf ogt, %reshape3A_427, %gt3A_432 : vector<1x2048xf32>
    %jit3A_434 = arith.constant 1.000000e+10 : f32
    %broadcast_in_dim3A_435 = vector.shape_cast %gt3A_433 : vector<1x2048xi1> to vector<1x2048xi1>
    %broadcast_in_dim3A_436 = vector.broadcast %broadcast_in_dim3A_435 : vector<1x2048xi1> to vector<256x2048xi1>
    %broadcast_in_dim3A_437 = vector.broadcast %jit3A_434 : f32 to vector<256x2048xf32>
    %select_n3A_438 = arith.select %broadcast_in_dim3A_436, %integer_pow3A_430, %broadcast_in_dim3A_437 : vector<256x2048xi1>, vector<256x2048xf32>
    %reduce_min3A_439 = arith.constant dense<0x7F800000> : vector<256xf32>
    %reduce_min3A_440 = vector.multi_reduction <minimumf>, %select_n3A_438, %reduce_min3A_439 [1] : vector<256x2048xf32> to vector<256xf32>
    %broadcast_in_dim3A_441 = vector.shape_cast %reduce_min3A_440 : vector<256xf32> to vector<256x1xf32>
    %min3A_442 = arith.minimumf %min3A_397, %broadcast_in_dim3A_441 : vector<256x1xf32>
    %reduce_min3A_443 = arith.constant dense<0x7F800000> : vector<2048xf32>
    %reduce_min3A_444 = vector.multi_reduction <minimumf>, %integer_pow3A_430, %reduce_min3A_443 [0] : vector<256x2048xf32> to vector<2048xf32>
    %broadcast_in_dim3A_445 = vector.shape_cast %reduce_min3A_444 : vector<2048xf32> to vector<1x2048xf32>
    %mul3A_446 = arith.mulf %broadcast_in_dim3A_445, %reshape3A_427 : vector<1x2048xf32>
    %reduce_sum3A_447 = vector.shape_cast %mul3A_446 : vector<1x2048xf32> to vector<1x1x2048xf32>
    %reduce_sum3A_448 = arith.constant dense<0.000000e+00> : vector<1xf32>
    %reduce_sum3A_449 = vector.multi_reduction <add>, %reduce_sum3A_447, %reduce_sum3A_448 [1, 2] : vector<1x1x2048xf32> to vector<1xf32>
    %reduce_sum3A_450 = vector.shape_cast %reduce_sum3A_449 : vector<1xf32> to vector<1x1x1xf32>
    %reduce_sum3A_451 = vector.extract %reduce_sum3A_450[0, 0, 0] : f32 from vector<1x1x1xf32>
    %broadcast_in_dim3A_452 = vector.broadcast %reduce_sum3A_451 : f32 to vector<1x1xf32>
    %add3A_453 = arith.addf %add3A_408, %broadcast_in_dim3A_452 : vector<1x1xf32>
    %reduce_sum3A_454 = vector.shape_cast %reshape3A_427 : vector<1x2048xf32> to vector<1x1x2048xf32>
    %reduce_sum3A_455 = arith.constant dense<0.000000e+00> : vector<1xf32>
    %reduce_sum3A_456 = vector.multi_reduction <add>, %reduce_sum3A_454, %reduce_sum3A_455 [1, 2] : vector<1x1x2048xf32> to vector<1xf32>
    %reduce_sum3A_457 = vector.shape_cast %reduce_sum3A_456 : vector<1xf32> to vector<1x1x1xf32>
    %reduce_sum3A_458 = vector.extract %reduce_sum3A_457[0, 0, 0] : f32 from vector<1x1x1xf32>
    %broadcast_in_dim3A_459 = vector.broadcast %reduce_sum3A_458 : f32 to vector<1x1xf32>
    %add3A_460 = arith.addf %add3A_415, %broadcast_in_dim3A_459 : vector<1x1xf32>
    %reduce_sum3A_461 = vector.shape_cast %min3A_442 : vector<256x1xf32> to vector<1x256x1xf32>
    %reduce_sum3A_462 = arith.constant dense<0.000000e+00> : vector<1xf32>
    %reduce_sum3A_463 = vector.multi_reduction <add>, %reduce_sum3A_461, %reduce_sum3A_462 [1, 2] : vector<1x256x1xf32> to vector<1xf32>
    %reduce_sum3A_464 = vector.shape_cast %reduce_sum3A_463 : vector<1xf32> to vector<1x1x1xf32>
    %reduce_sum3A_465 = vector.extract %reduce_sum3A_464[0, 0, 0] : f32 from vector<1x1x1xf32>
    %broadcast_in_dim3A_466 = vector.broadcast %reduce_sum3A_465 : f32 to vector<1x1xf32>
    %div3A = arith.constant 2.560000e+02 : f32
    %div3A_467 = vector.broadcast %div3A : f32 to vector<1x1xf32>
    %div3A_468 = arith.divf %broadcast_in_dim3A_466, %div3A_467 : vector<1x1xf32>
    %max3A = arith.constant 1.000000e+00 : f32
    %max3A_469 = vector.broadcast %max3A : f32 to vector<1x1xf32>
    %max3A_470 = arith.maximumf %add3A_460, %max3A_469 : vector<1x1xf32>
    %div3A_471 = arith.divf %add3A_453, %max3A_470 : vector<1x1xf32>
    %eq3A = arith.constant 0 : i32
    %eq3A_472 = arith.cmpi eq, %arg0, %eq3A : i32
    %convert_element_type3A = arith.extui %eq3A_472 : i1 to i32
    %cond3A = arith.constant 0 : i32
    %cond3A_473 = arith.cmpi ne, %convert_element_type3A, %cond3A : i32
    scf.if %cond3A_473 {
      %swap3A_482 = arith.constant 0.000000e+00 : f32
      %swap3A_483 = arith.constant 0 : index
      %swap3A_484 = arith.constant 0 : index
      %swap3A_485 = memref.load %arg4[%swap3A_483, %swap3A_484] : memref<1x1xf32, #tpu.memory_space<smem>>
      memref.store %swap3A_482, %arg4[%swap3A_483, %swap3A_484] : memref<1x1xf32, #tpu.memory_space<smem>>
    } else {
    }
    %get3A_474 = arith.constant 0 : index
    %get3A_475 = arith.constant 0 : index
    %get3A_476 = memref.load %arg4[%get3A_474, %get3A_475] : memref<1x1xf32, #tpu.memory_space<smem>>
    %squeeze3A = vector.extract %div3A_468[0, 0] : f32 from vector<1x1xf32>
    %squeeze3A_477 = vector.extract %div3A_471[0, 0] : f32 from vector<1x1xf32>
    %add3A_478 = arith.addf %squeeze3A, %squeeze3A_477 : f32
    %add3A_479 = arith.addf %get3A_476, %add3A_478 : f32
    %swap3A = arith.constant 0 : index
    %swap3A_480 = arith.constant 0 : index
    %swap3A_481 = memref.load %arg4[%swap3A, %swap3A_480] : memref<1x1xf32, #tpu.memory_space<smem>>
    memref.store %add3A_479, %arg4[%swap3A, %swap3A_480] : memref<1x1xf32, #tpu.memory_space<smem>>
    return
  }
  func.func @transform_0(%arg0: i32) -> (i32, i32, i32) {
    %c0_i32 = arith.constant 0 : i32
    %c0_i32_0 = arith.constant 0 : i32
    %c0_i32_1 = arith.constant 0 : i32
    return %arg0, %c0_i32, %c0_i32_0 : i32, i32, i32
  }
  func.func @transform_1(%arg0: i32) -> (i32, i32, i32) {
    %c0_i32 = arith.constant 0 : i32
    %c0_i32_0 = arith.constant 0 : i32
    %c0_i32_1 = arith.constant 0 : i32
    return %arg0, %c0_i32, %c0_i32_0 : i32, i32, i32
  }
  func.func @transform_2(%arg0: i32) -> (i32, i32, i32) {
    %c0_i32 = arith.constant 0 : i32
    %c0_i32_0 = arith.constant 0 : i32
    %c0_i32_1 = arith.constant 0 : i32
    return %arg0, %c0_i32, %c0_i32_0 : i32, i32, i32
  }
  func.func @transform_3(%arg0: i32) -> (i32, i32) {
    %c0_i32 = arith.constant 0 : i32
    %c0_i32_0 = arith.constant 0 : i32
    %c0_i32_1 = arith.constant 0 : i32
    return %c0_i32, %c0_i32_0 : i32, i32
  }
}

module attributes {stable_mosaic.version = 14 : i64} {
  func.func @_combine_body(%arg0: memref<4x16xf32, #tpu.memory_space<vmem>>, %arg1: memref<1x1xf32, #tpu.memory_space<smem>>, %arg2: memref<1x1xf32, #tpu.memory_space<smem>>) attributes {dimension_semantics = [], scalar_prefetch = 0 : i64, scratch_operands = 0 : i64, tpu.core_type = #tpu.core_type<tc>} {
    %get3A = arith.constant 0 : index
    %get3A_0 = arith.constant 0 : index
    %get3A_1 = vector.load %arg0[%get3A, %get3A_0] : memref<4x16xf32, #tpu.memory_space<vmem>>, vector<4x16xf32>
    %reduce_sum3A = vector.shape_cast %get3A_1 : vector<4x16xf32> to vector<1x4x16xf32>
    %reduce_sum3A_2 = arith.constant dense<0.000000e+00> : vector<1xf32>
    %reduce_sum3A_3 = vector.multi_reduction <add>, %reduce_sum3A, %reduce_sum3A_2 [1, 2] : vector<1x4x16xf32> to vector<1xf32>
    %reduce_sum3A_4 = vector.shape_cast %reduce_sum3A_3 : vector<1xf32> to vector<1x1x1xf32>
    %reduce_sum3A_5 = vector.extract %reduce_sum3A_4[0, 0, 0] : f32 from vector<1x1x1xf32>
    %div3A = arith.constant 1.600000e+01 : f32
    %div3A_6 = arith.divf %reduce_sum3A_5, %div3A : f32
    %get3A_7 = arith.constant 0 : index
    %get3A_8 = arith.constant 0 : index
    %get3A_9 = memref.load %arg1[%get3A_7, %get3A_8] : memref<1x1xf32, #tpu.memory_space<smem>>
    %add3A = arith.addf %div3A_6, %get3A_9 : f32
    %div3A_10 = arith.constant 8.000000e+00 : f32
    %div3A_11 = arith.divf %add3A, %div3A_10 : f32
    %swap3A = arith.constant 0 : index
    %swap3A_12 = arith.constant 0 : index
    %swap3A_13 = memref.load %arg2[%swap3A, %swap3A_12] : memref<1x1xf32, #tpu.memory_space<smem>>
    memref.store %div3A_11, %arg2[%swap3A, %swap3A_12] : memref<1x1xf32, #tpu.memory_space<smem>>
    return
  }
}

</mosaic_0001>

<sc_bundles>
// kernel: kernel.6.cloned.1.call-start
scs
__scs_entry_jumppad:
0x0: {  	(pc) =	sbr.rel $0x88, $3  }
0x1: {  	(tag) =	ssettag $0x0;
	lr =	simm.s32 $0x1  }
0x2: {  	[smem:$0x3F9E] =	sst lr;
	_ =	strace $0xD0000000  }
0x3: {  	_ = 	snop  }
0x4: {  	_ = 	snop  }
0x5: {  	_ = 	snop  }
0x6: {  	_ = 	snop  }
0x7: {  	_ = 	snop  }
__scs_overlays_trampoline_lowered:
0x8: {  	[smem:$0x3FAD] =	sst s0  }
0x9: {  	[smem:$0x3FAE] =	sst s1  }
0xa: {  	[smem:$0x3FAF] =	sst s2  }
0xb: {  	[smem:$0x3FB0] =	sst s3  }
0xc: {  	[smem:$0x3FB1] =	sst s4  }
0xd: {  	[smem:$0x3FB2] =	sst s5  }
0xe: {  	[smem:$0x3FB3] =	sst s6  }
0xf: {  	[smem:$0x3FB4] =	sst s7  }
0x10: {  	[smem:$0x3FB5] =	sst s8  }
0x11: {  	[smem:$0x3FB6] =	sst s9;
	s0 =	simm.s32 @!p0 $0x0  }
0x12: {  	s1 =	sld [smem:$0x3F9C];
	s0 =	simm.s32 @p0 $0x1  }
0x13: {  	[smem:$0x3FB7] =	sst s0;
	s0 =	simm.s32 @!p1 $0x0  }
0x14: {  	s2 =	sld [smem:$0x3F9B];
	s0 =	simm.s32 @p1 $0x1  }
0x15: {  	[smem:$0x3FB8] =	sst s0;
	s0 =	simm.s32 @!p2 $0x0  }
0x16: {  	s3 =	sld [smem:$0x3FDB];
	s0 =	simm.s32 @p2 $0x1  }
0x17: {  	s4 =	simm.s32 $0x1BF5;
	[smem:$0x3FBA] =	sst s0  }
0x18: {  	s0 =	sld [smem:$0x3F9D];
	_ =	swait.ge [sflag:s4], $0x0  }
0x19: {  	s7 =	sld [smem:$0x3F9E]  }
0x1a: {  	s8 =	sadd.s32 $0xFFFFE003, lr  }
0x1b: {  	s9 =	sadd.s32 $0xFFFFFEF7, lr;
	s5 =	simm.s32 $0xFFFFFFFF;
	p2 =	slt.u32 s8, $0xFFFFF086  }
0x1c: {  	p1 =	slt.u32 s9, $0xF7A;
	s5 =	simm.s32 @!p2 $0x0  }
0x1d: {  	s5 =	simm.s32 @p1 $0x1;
	p0 =	seq.s32 s7, s2  }
0x1e: {  	s7 =	smul.u32 @!p0 $0xF7A, s2;
	p2 =	seq.s32 @!p0 s5, $0x0  }
0x1f: {  	s9 =	smul.u32 $0xF7A, s1;
	s8 =	simm.s32 @!p0 $0x1BF5;
	p2 =	por !p2, p0  }
0x20: {  	[sflag:s8] =	ssyncset.s32 @!p0 $0xFFFFF086;
	s6 =	sadd.s32 @!p0 s3, s7;
	s7 =	simm.s32 @!p0 $0x108  }
0x21: {  	s3 =	sadd.s32 s3, s9;
	s6 =	sadd.s32 @!p0 $0x88, s6;
	s7 =	simm.s32 @p2 $0x1082  }
0x22: {  	[simem:s7], [sflag:s8] =	dma.local @!p0 [hbm:s6], $0xF7A  }
0x23: {  	s9 =	sor.u32 $0xD0000000, s2;
	s6 =	simm.s32 $0x108;
	_ =	swait.ge @!p0 [sflag:s8], $0x0  }
0x24: {  	s3 =	sadd.s32 $0x88, s3;
	s6 =	simm.s32 @!p1 $0x1082;
	[sflag:s4] =	ssyncset.s32 $0xFFFFF086  }
0x25: {  	[simem:s6], [sflag:s4] =	dma.local [hbm:s3], $0xF7A  }
0x26: {  	[smem:$0x3F9E] =	sst s1;
	(tag) =	ssettag s2;
	_ =	strace s9  }
0x27: {  	s1 =	sld [smem:$0x3FAE]  }
0x28: {  	s2 =	sld [smem:$0x3FAF]  }
0x29: {  	s4 =	sld [smem:$0x3FB1]  }
0x2a: {  	p0 =	seq.s32 s5, $0x0;
	s5 =	sld [smem:$0x3FB2]  }
0x2b: {  	s6 =	sld [smem:$0x3FB3]  }
0x2c: {  	s7 =	sld [smem:$0x3FB4]  }
0x2d: {  	s3 =	simm.s32 $0x108;
	s8 =	sld [smem:$0x3FB5]  }
0x2e: {  	s3 =	simm.s32 @!p0 $0x1082;
	s9 =	sld [smem:$0x3FB6]  }
0x2f: {  	lr =	sadd.s32 s0, s3;
	s0 =	sld [smem:$0x3FAD]  }
0x30: {  	s3 =	sld [smem:$0x3FB0]  }
0x31: {  	[smem:$0x3FB9] =	sst s10  }
0x32: {  	s10 =	sld [smem:$0x3FB7];
	_ =	sdelay $0x3  }
0x33: {  	p0 =	seq.s32 s10, $0x1;
	s10 =	sld [smem:$0x3FB9];
	_ =	sdelay $0x3  }
0x34: {  	[smem:$0x3FB9] =	sst s10  }
0x35: {  	s10 =	sld [smem:$0x3FB8];
	_ =	sdelay $0x3  }
0x36: {  	p1 =	seq.s32 s10, $0x1;
	s10 =	sld [smem:$0x3FB9];
	_ =	sdelay $0x3  }
0x37: {  	[smem:$0x3FB9] =	sst s10  }
0x38: {  	s10 =	sld [smem:$0x3FBA]  }
0x39: {  	_ = 	snop;
	(pc) =	sbr.ind lr, $3  }
0x3a: {  	_ = 	snop  }
0x3b: {  	_ = 	snop  }
0x3c: {  	p2 =	seq.s32 s10, $0x1;
	s10 =	sld [smem:$0x3FB9]  }
0x3d: {  	_ =	shalt  }
0x3e: {  	_ =	shalt  }
0x3f: {  	_ =	shalt  }
0x40: {  	_ =	shalt  }
0x41: {  	_ =	shalt  }
0x42: {  	_ =	shalt  }
0x43: {  	_ =	shalt  }
0x44: {  	_ =	shalt  }
0x45: {  	_ =	shalt  }
0x46: {  	_ =	shalt  }
0x47: {  	_ =	shalt  }
0x48: {  	_ =	shalt  }
0x49: {  	_ =	shalt  }
0x4a: {  	_ =	shalt  }
0x4b: {  	_ =	shalt  }
0x4c: {  	_ =	shalt  }
0x4d: {  	_ =	shalt  }
0x4e: {  	_ =	shalt  }
0x4f: {  	_ =	shalt  }
0x50: {  	_ =	shalt  }
0x51: {  	_ =	shalt  }
0x52: {  	_ =	shalt  }
0x53: {  	_ =	shalt  }
0x54: {  	_ =	shalt  }
0x55: {  	_ =	shalt  }
0x56: {  	_ =	shalt  }
0x57: {  	_ =	shalt  }
0x58: {  	_ =	shalt  }
0x59: {  	_ =	shalt  }
0x5a: {  	_ =	shalt  }
0x5b: {  	_ =	shalt  }
0x5c: {  	_ =	shalt  }
0x5d: {  	_ =	shalt  }
0x5e: {  	_ =	shalt  }
0x5f: {  	_ =	shalt  }
0x60: {  	_ =	shalt  }
0x61: {  	_ =	shalt  }
0x62: {  	_ =	shalt  }
0x63: {  	_ =	shalt  }
0x64: {  	_ =	shalt  }
0x65: {  	_ =	shalt  }
0x66: {  	_ =	shalt  }
0x67: {  	_ =	shalt  }
0x68: {  	_ =	shalt  }
0x69: {  	_ =	shalt  }
0x6a: {  	_ =	shalt  }
0x6b: {  	_ =	shalt  }
0x6c: {  	_ =	shalt  }
0x6d: {  	_ =	shalt  }
0x6e: {  	_ =	shalt  }
0x6f: {  	_ =	shalt  }
0x70: {  	_ =	shalt  }
0x71: {  	_ =	shalt  }
0x72: {  	_ =	shalt  }
0x73: {  	_ =	shalt  }
0x74: {  	_ =	shalt  }
0x75: {  	_ =	shalt  }
0x76: {  	_ =	shalt  }
0x77: {  	_ =	shalt  }
0x78: {  	_ =	shalt  }
0x79: {  	_ =	shalt  }
0x7a: {  	_ =	shalt  }
0x7b: {  	_ =	shalt  }
0x7c: {  	_ =	shalt  }
0x7d: {  	_ =	shalt  }
0x7e: {  	_ =	shalt  }
0x7f: {  	_ =	shalt  }
0x80: {  	_ =	shalt  }
0x81: {  	_ =	shalt  }
0x82: {  	_ =	shalt  }
0x83: {  	_ =	shalt  }
0x84: {  	_ =	shalt  }
0x85: {  	_ =	shalt  }
0x86: {  	_ =	shalt  }
0x87: {  	_ =	shalt  }
.Lfunc_end0:
.L_simem_size_0:
called_computation_lowered:
.L_overlay_start_0:
0x88: {  	s2 =	sld [smem:$0x3FD9]  }
0x89: {  	s3 =	sld [smem:$0x3FFE];
	_ =	sdelay $0x1  }
0x8a: {  	s1 =	srdreg.scid  }
0x8b: {  	s0 =	sand.u32 $0x1, s1  }
0x8c: {  	s17 =	sshll.u32 s0, $0xA;
	s2 =	sadd.s32 s3, s2  }
0x8d: {  	s2 =	sadd.s32 s2, s17  }
0x8e: {  	[smem:$0x3FC5] =	sst s2  }
0x8f: {  	_ = 	snop  }
0x90: {  	s2 =	sld [smem:$0x3FD0];
	(tm) =	ssettm $0x1  }
0x91: {  	s18 =	sld [smem:$0x3FFB];
	_ =	sdelay $0x3  }
0x92: {  	_ =	strace s18  }
0x93: {  	s3 =	sld [smem:$0x3FFC];
	_ =	sdelay $0x3  }
0x94: {  	_ =	strace s3  }
0x95: {  	s3 =	sld [smem:$0x3FFD];
	_ =	sdelay $0x3  }
0x96: {  	_ =	strace s3  }
0x97: {  	_ =	strace $0x8FFFFFFF  }
0x98: {  	s19 =	sld [smem:$0x3FDB];
	_ =	sdelay $0x1  }
0x99: {  	s4 =	simm.s32 $_scs_section_size  }
0x9a: {  	s5 =	simm.s32 $_size__tile_overlayer_lowered;
	s6 =	simm.s32 $_tile_overlayer_lowered  }
0x9b: {  	s22 =	simm.s32 $0x1BFF;
	s21 =	sshll.u32 s6, $0x1;
	s3 =	sadd.s32 s4, s19  }
0x9c: {  	s7 =	simm.s32 $0x0;
	s20 =	sshll.u32 s5, $0x1;
	s5 =	sadd.s32 s21, s3  }
0x9d: {  	[timem:s7], [sflag:s22] =	dma.local [hbm:s5], s20  }
0x9e: {  	_ =	swait.ge [sflag:s22], s20  }
0x9f: {  	s4 =	ssub.s32 $0x0, s20;
	[sflag:s22] =	ssyncset.done $0x0  }
0xa0: {  	[sflag:s22] =	ssyncadd.s32 s4;
	_ =	sdelay $0x1  }
0xa1: {  	s23 =	simm.s32 $0x1B8B  }
0xa2: {  	_ =	swait.ge [sflag:s23], $0x1  }
0xa3: {  	[sflag:s23] =	ssyncset.done $0x0  }
0xa4: {  	s25 =	simm.s32 $0x1B8E;
	s24 =	sld [smem:$0x3FFE];
	[sflag:s23] =	ssyncadd.s32 $0xFFFFFFFF  }
0xa5: {  	s26 =	simm.s32 $execute0_lowered;
	[smem:$0x3FD2] =	sst s25  }
0xa6: {  	s5 =	sshll.u32 s26, $0x1;
	_ =	strace $0x80000046;
	[dreg:$0x1] =	wrdreg $0xFFFFFFFF  }
0xa7: {  	s28 =	simm.s32 $_size_execute0_lowered;
	s3 =	sadd.s32 s3, s5;
	[dreg:$0x0] =	wrdreg $0x0  }
0xa8: {  	s5 =	sshll.u32 s28, $0x1;
	[dreg:$0x2] =	wrdreg s3  }
0xa9: {  	[dreg:$0x3] =	wrdreg s5  }
0xaa: {  	[dreg:$0x4] =	wrdreg $0xC0  }
0xab: {  	_ =	task [dreg:s7], $0x5FFFF  }
0xac: {  	[dreg:$0x1] =	wrdreg $0xFFFFFFFF  }
0xad: {  	[dreg:$0x0] =	wrdreg $0x60  }
0xae: {  	[dreg:$0x2] =	wrdreg s24  }
0xaf: {  	[dreg:$0x3] =	wrdreg s2  }
0xb0: {  	[dreg:$0x4] =	wrdreg $0x52700  }
0xb1: {  	[dreg:$0x5] =	wrdreg $0x9  }
0xb2: {  	_ =	task.clear_ibuf [dreg:s7], $0x6FFFF;
	_ =	strace $0x90000046  }
0xb3: {  	s29 =	simm.s32 $0x9;
	_ =	strace $0x80000048  }
0xb4: {  	_ =	swait.ge [sflag:s29], $0x1  }
0xb5: {  	[sflag:s29] =	ssyncadd.s32 $0xFFFFFFFF  }
0xb6: {  	_ =	strace $0x90000048  }
0xb7: {  	_ =	sfence  }
0xb8: {  	s30 =	sld [smem:$0x0];
	_ =	sdelay $0x2  }
0xb9: {  	s31 =	sshll.u32 s1, $0xD;
	s1 =	sshrl.u32 s1, $0x2  }
0xba: {  	s3 =	sand.u32 $0x4000, s31;
	s1 =	sadd.s32 s1, s30  }
0xbb: {  	s0 =	sor.u32 s3, s0;
	s1 =	sshll.u32 s1, $0x11  }
0xbc: {  	s0 =	sor.u32 s1, s0  }
0xbd: {  	s0 =	sadd.s32 $0x8F2B, s0  }
0xbe: {  	[sflag:s0] =	ssyncadd.remote.s32 $0x1  }
0xbf: {  	_ =	sfence.sel $0xFFFF  }
0xc0: {  	[dreg:$0x0] =	wrdreg $0xFFFFFFFF;
	(pc) =	sbr.abs _section_cstart, $3  }
0xc1: {  	[dreg:$0x1] =	wrdreg $0xFFFFFFFF  }
0xc2: {  	_ =	task.clear_ibuf [dreg:s7], $0x2FFFF;
	_ =	strace $0x9FFFFFFF  }
0xc3: {  	(tm) =	ssettm $0x7FFFFFFF  }
tec
execute0_lowered:
.L_overlay_start_1:
0x0: {  	(tag) =	ssettag $0x1  }
0x1: {  	s0 =	rddreg [dreg:$0x0]  }
0x2: {  	s4 =	rddreg [dreg:$0x1]  }
0x3: {  	s1 =	rddreg [dreg:$0x2]  }
0x4: {  	s3 =	srdreg.scid;
	s2 =	simm.s32 $0x0;
	s13 =	simm.s32 $0x1  }
0x5: {  	s18 =	simm.s32 $0x1600;
	s19 =	simm.s32 $0x1710;
	s20 =	simm.s32 $0x1820  }
0x6: {  	s23 =	simm.s32 $0x0;
	s5 =	sand.u32 $0x1, s3;
	[smem:$0x7FF] =	sst s2  }
0x7: {  	s7 =	sadd.s32 $0x1800, s0;
	s3 =	sshll.u32 s5, $0x6;
	_ =	strace $0x80000047  }
0x8: {  	s25 =	smul.u32 $0xA000, s5;
	s6 =	sadd.s32 s3, s0;
	s3 =	stileid.u32  }
0x9: {  	s8 =	ssub.s32 $0x2, s5;
	s5 =	sshll.u32 s5, $0x2;
	s9 =	smul.u32 $0x9000, s3  }
0xa: {  	s0 =	sadd.s32 $0x4000, s0;
	s10 =	sshrl.u32 s8, $0x1;
	s11 =	smul.u32 $0x500, s3  }
0xb: {  	s8 =	ssub.s32 s8, s10;
	s6 =	sadd.s32 $0x1600, s6;
	s28 =	sshll.u32 s3, $0x1  }
0xc: {  	p0 =	sgt.u32 s3, $0x1;
	[dreg:$0x4] =	wrdreg s6;
	s4 =	sadd.s32 s4, s28  }
.Ltmp0:
0xd: {  	s6 =	sshll.u32 s3, $0x8;
	s8 =	smax.u32 s8, $0x1;
	(pc) =	sbr.rel .LBB2_1-.Ltmp0, $4  }
0xe: {  	v0 =	vlaneseq.u32;
	s9 =	sshrl.u32 s9, $0x2;
	s29 =	sadd.s32 s11, s25;
	s4 =	sadd.s32 s5, s4  }
0xf: {  	v5 =	vmul.u32 $0xFFFFFFFF, v0;
	s26 =	sadd.s32 s9, s1;
	[dreg:$0x6] =	wrdreg s4;
	s30 =	sshrl.u32 s29, $0x3  }
0x10: {  	v1 =	vimm.f32 $-1.000000000e+10;
	v2 =	vimm.f32 $1.000000000e+10;
	[dreg:$0x5] =	wrdreg s26;
	s9 =	sadd.s32 s7, s30;
	s31 =	sadd.s32 $0xA00, s30  }
0x11: {  	v3 =	vimm.s32 $0x0;
	v4 =	vimm.s32 $0x1;
	v5 =	vadd.s32 $0xF, v5;
	s10 =	sadd.s32 s0, s30;
	s11 =	sadd.s32 s7, s31;
	s12 =	sadd.s32 s0, s31  }
.LBB2_17:
0x12: {  	s23 =	sadd.s32 $0x1, s23  }
0x13: {  	p1 =	sne.s32 s23, s8  }
.Ltmp1:
0x14: {  	_ = 	snop;
	(pc) =	sbr.rel @!p1 .LBB2_18-.Ltmp1, $1  }
0x15: {  	_ =	sdelay $0x3  }
.LBB2_1:
0x16: {  	s0 =	rddreg [dreg:$0x4]  }
0x17: {  	[tilespmem:s2], [sflag:$0x1] =	stream.linear.gather [hbm4b:s0+s2], $0x200, $0x38;
	[tilespmem:$0x56F0] =	vst v63  }
0x18: {  	_ =	swait.ge [sflag:s13], $0x200  }
0x19: {  	[sflag:s13] =	ssyncset.done $0x0  }
0x1a: {  	s28 =	simm.s32 $0x200;
	[sflag:s13] =	ssyncadd.s32 $0xFFFFFE00  }
0x1b: {  	[tilespmem:s28], [sflag:$0x1] =	stream.linear.gather [hbm4b:s9+s2], $0x500, $0x38;
	[tilespmem:$0x56F0] =	vst v63  }
0x1c: {  	_ =	swait.ge [sflag:s13], $0x500  }
0x1d: {  	[sflag:s13] =	ssyncset.done $0x0  }
0x1e: {  	s29 =	simm.s32 $0xC00;
	[sflag:s13] =	ssyncadd.s32 $0xFFFFFB00  }
0x1f: {  	[tilespmem:s29], [sflag:$0x1] =	stream.linear.gather [hbm4b:s10+s2], $0x500, $0x38;
	[tilespmem:$0x56F0] =	vst v63  }
0x20: {  	_ =	swait.ge [sflag:s13], $0x500  }
0x21: {  	[sflag:s13] =	ssyncset.done $0x0  }
0x22: {  	s30 =	simm.s32 $0x700;
	[sflag:s13] =	ssyncadd.s32 $0xFFFFFB00  }
0x23: {  	[tilespmem:s30], [sflag:$0x1] =	stream.linear.gather [hbm4b:s11+s2], $0x500, $0x38;
	[tilespmem:$0x56F0] =	vst v63  }
0x24: {  	_ =	swait.ge [sflag:s13], $0x500  }
0x25: {  	[sflag:s13] =	ssyncset.done $0x0  }
0x26: {  	s31 =	simm.s32 $0x1100;
	[sflag:s13] =	ssyncadd.s32 $0xFFFFFB00  }
0x27: {  	[tilespmem:s31], [sflag:$0x1] =	stream.linear.gather [hbm4b:s12+s2], $0x500, $0x38;
	[tilespmem:$0x56F0] =	vst v63  }
0x28: {  	_ =	swait.ge [sflag:s13], $0x500  }
0x29: {  	[sflag:s13] =	ssyncset.done $0x0  }
0x2a: {  	p2 =	por $0x1, $0x1;
	s24 =	simm.s32 $0x0;
	[sflag:s13] =	ssyncadd.s32 $0xFFFFFB00  }
.LBB2_2:
0x2b: {  	[tilespmem:$0x1600] =	vst v1  }
0x2c: {  	[tilespmem:$0x1710] =	vst v2  }
0x2d: {  	[tilespmem:$0x1610] =	vst v1  }
0x2e: {  	[tilespmem:$0x1720] =	vst v2  }
0x2f: {  	[tilespmem:$0x1620] =	vst v1  }
0x30: {  	[tilespmem:$0x1730] =	vst v2  }
0x31: {  	[tilespmem:$0x1630] =	vst v1  }
0x32: {  	[tilespmem:$0x1740] =	vst v2  }
0x33: {  	[tilespmem:$0x1640] =	vst v1  }
0x34: {  	[tilespmem:$0x1750] =	vst v2  }
0x35: {  	[tilespmem:$0x1650] =	vst v1  }
0x36: {  	[tilespmem:$0x1760] =	vst v2  }
0x37: {  	[tilespmem:$0x1660] =	vst v1  }
0x38: {  	[tilespmem:$0x1770] =	vst v2  }
0x39: {  	[tilespmem:$0x1670] =	vst v1  }
0x3a: {  	[tilespmem:$0x1780] =	vst v2  }
0x3b: {  	[tilespmem:$0x1680] =	vst v1  }
0x3c: {  	[tilespmem:$0x1790] =	vst v2  }
0x3d: {  	[tilespmem:$0x1690] =	vst v1  }
0x3e: {  	[tilespmem:$0x17A0] =	vst v2  }
0x3f: {  	[tilespmem:$0x16A0] =	vst v1  }
0x40: {  	[tilespmem:$0x17B0] =	vst v2  }
0x41: {  	[tilespmem:$0x16B0] =	vst v1  }
0x42: {  	[tilespmem:$0x17C0] =	vst v2  }
0x43: {  	[tilespmem:$0x16C0] =	vst v1  }
0x44: {  	s0 =	sshll.u32 s24, $0x8;
	[tilespmem:$0x17D0] =	vst v2  }
0x45: {  	[tilespmem:$0x16D0] =	vst v1;
	s4 =	sor.u32 $0x78, s0  }
0x46: {  	[tilespmem:$0x17E0] =	vst v2;
	v6 =	vmov s4  }
0x47: {  	[tilespmem:$0x16E0] =	vst v1;
	v6 =	vor.u32 $0x7, v6  }
0x48: {  	[tilespmem:$0x17F0] =	vst v2;
	v11 =	vbroadcast v6, $0x0  }
0x49: {  	[tilespmem:$0x16F0] =	vst v1;
	s16 =	smul.u32 $0x1400, s24  }
0x4a: {  	[tilespmem:$0x1800] =	vst v2  }
0x4b: {  	[tilespmem:$0x1700] =	vst v1;
	s5 =	sshra.s32 s16, $0x2  }
0x4c: {  	[tilespmem:$0x1810] =	vst v2;
	s4 =	sadd.s32 $0x220, s5  }
0x4d: {  	v20 =	vld [tilespmem:s4+$0x10]  }
0x4e: {  	v6 =	vld.idx.msk [tilespmem:v11+s2+$0x0], $0xffff;
	_ =	sdelay $0x4  }
0x4f: {  	s7 =	sor.u32 $0x3F, s0;
	vm0 =	vlt.f32 v6, v20  }
0x50: {  	v12 =	vmov s7;
	v7 =	vsel vm0, $0x80, v3  }
0x51: {  	v8 =	vor.u32 v12, v7;
	_ =	sdelay $0x2  }
0x52: {  	v24 =	vld [tilespmem:s4+$0xFFFFFFF0];
	_ =	sdelay $0x1  }
0x53: {  	v8 =	vld.idx.msk [tilespmem:v8+s2+$0x0], $0xffff;
	_ =	sdelay $0x1  }
0x54: {  	v26 =	vld [tilespmem:s4+$0xFFFFFFE0]  }
0x55: {  	v25 =	vld [tilespmem:s4+$0x0];
	vm0 =	vlt.f32 v6, v24  }
0x56: {  	v9 =	vsel vm0, $0x80, v3  }
0x57: {  	s17 =	sor.u32 $0x1F, s0;
	v14 =	vor.u32 $0x40, v7;
	v10 =	vor.u32 v12, v9;
	vm0 =	vlt.f32 v8, v20  }
0x58: {  	v13 =	vmov s17;
	v7 =	vsel vm0, v14, v7  }
0x59: {  	vm0 =	vlt.f32 v6, v26;
	v8 =	vor.u32 v13, v7  }
0x5a: {  	vm1 =	vlt.f32 v6, v25;
	v6 =	vsel vm0, $0x80, v3  }
0x5b: {  	v15 =	vsel vm1, $0x80, v3;
	v14 =	vor.u32 v12, v6  }
0x5c: {  	v16 =	vor.u32 v12, v15;
	v10 =	vld.idx.msk [tilespmem:v10+s2+$0x0], $0xffff;
	_ =	sdelay $0x1  }
0x5d: {  	v8 =	vld.idx.msk [tilespmem:v8+s2+$0x0], $0xffff;
	_ =	sdelay $0x1  }
0x5e: {  	v17 =	vld.idx.msk [tilespmem:v14+s2+$0x0], $0xffff  }
0x5f: {  	v16 =	vld.idx.msk [tilespmem:v16+s2+$0x0], $0xffff;
	vm0 =	vlt.f32 v10, v24;
	v14 =	vor.u32 $0x40, v9  }
0x60: {  	v9 =	vsel vm0, v14, v9  }
0x61: {  	s21 =	sor.u32 $0xF, s0;
	v10 =	vor.u32 v13, v9;
	vm0 =	vlt.f32 v8, v20;
	v8 =	vor.u32 $0x20, v7  }
0x62: {  	v14 =	vmov s21;
	v7 =	vsel vm0, v8, v7  }
0x63: {  	vm0 =	vlt.f32 v17, v26;
	v8 =	vor.u32 $0x40, v6;
	v17 =	vor.u32 v14, v7  }
0x64: {  	v18 =	vor.u32 $0x40, v15;
	vm1 =	vlt.f32 v16, v25;
	v6 =	vsel vm0, v8, v6  }
0x65: {  	v8 =	vsel vm1, v18, v15;
	v15 =	vor.u32 v13, v6  }
0x66: {  	v16 =	vor.u32 v13, v8;
	v10 =	vld.idx.msk [tilespmem:v10+s2+$0x0], $0xffff;
	_ =	sdelay $0x1  }
0x67: {  	v17 =	vld.idx.msk [tilespmem:v17+s2+$0x0], $0xffff;
	_ =	sdelay $0x1  }
0x68: {  	v18 =	vld.idx.msk [tilespmem:v15+s2+$0x0], $0xffff  }
0x69: {  	v16 =	vld.idx.msk [tilespmem:v16+s2+$0x0], $0xffff;
	vm0 =	vlt.f32 v10, v24;
	v10 =	vor.u32 $0x20, v9  }
0x6a: {  	v9 =	vsel vm0, v10, v9  }
0x6b: {  	s22 =	sor.u32 $0x7, s0;
	v10 =	vor.u32 v14, v9;
	vm0 =	vlt.f32 v17, v20;
	v17 =	vor.u32 $0x10, v7  }
0x6c: {  	v15 =	vmov s22;
	v7 =	vsel vm0, v17, v7  }
0x6d: {  	v17 =	vor.u32 $0x20, v6;
	vm0 =	vlt.f32 v18, v26;
	v18 =	vadd.s32 v15, v7  }
0x6e: {  	v19 =	vor.u32 $0x20, v8;
	vm1 =	vlt.f32 v16, v25;
	v6 =	vsel vm0, v17, v6  }
0x6f: {  	v8 =	vsel vm1, v19, v8;
	v16 =	vor.u32 v14, v6  }
0x70: {  	v17 =	vor.u32 v14, v8;
	v10 =	vld.idx.msk [tilespmem:v10+s2+$0x0], $0xffff;
	_ =	sdelay $0x1  }
0x71: {  	v18 =	vld.idx.msk [tilespmem:v18+s2+$0x0], $0xffff;
	_ =	sdelay $0x1  }
0x72: {  	v16 =	vld.idx.msk [tilespmem:v16+s2+$0x0], $0xffff  }
0x73: {  	v19 =	vld.idx.msk [tilespmem:v17+s2+$0x0], $0xffff;
	vm0 =	vlt.f32 v10, v24;
	v10 =	vor.u32 $0x10, v9  }
0x74: {  	v9 =	vsel vm0, v10, v9  }
0x75: {  	s25 =	sor.u32 $0x3, s0;
	v10 =	vadd.s32 v15, v9;
	vm0 =	vlt.f32 v18, v20;
	v18 =	vadd.s32 $0x8, v7  }
0x76: {  	v17 =	vmov s25;
	v7 =	vsel vm0, v18, v7  }
0x77: {  	v18 =	vor.u32 $0x10, v6;
	vm0 =	vlt.f32 v16, v26;
	v16 =	vadd.s32 v17, v7  }
0x78: {  	v21 =	vor.u32 $0x10, v8;
	v6 =	vsel vm0, v18, v6;
	vm0 =	vlt.f32 v19, v25  }
0x79: {  	v8 =	vsel vm0, v21, v8;
	v18 =	vadd.s32 v15, v6  }
0x7a: {  	v10 =	vld.idx.msk [tilespmem:v10+s2+$0x0], $0xffff;
	v19 =	vadd.s32 v15, v8;
	_ =	sdelay $0x1  }
0x7b: {  	v16 =	vld.idx.msk [tilespmem:v16+s2+$0x0], $0xffff;
	_ =	sdelay $0x1  }
0x7c: {  	v21 =	vld.idx.msk [tilespmem:v18+s2+$0x0], $0xffff  }
0x7d: {  	vm0 =	vlt.f32 v10, v24;
	v10 =	vadd.s32 $0x8, v9;
	v19 =	vld.idx.msk [tilespmem:v19+s2+$0x0], $0xffff  }
0x7e: {  	v9 =	vsel vm0, v10, v9  }
0x7f: {  	s26 =	sor.u32 $0x1, s0;
	v10 =	vadd.s32 v17, v9;
	vm0 =	vlt.f32 v16, v20;
	v16 =	vadd.s32 $0x4, v7  }
0x80: {  	v18 =	vmov s26;
	v7 =	vsel vm0, v16, v7  }
0x81: {  	s5 =	sadd.s32 $0xC20, s5;
	v16 =	vadd.s32 $0x8, v6;
	vm0 =	vlt.f32 v21, v26;
	v21 =	vadd.s32 v18, v7  }
0x82: {  	v23 =	vld [tilespmem:s5+$0xFFFFFFE0];
	v22 =	vadd.s32 $0x8, v8;
	vm1 =	vlt.f32 v19, v25;
	v16 =	vsel vm0, v16, v6  }
0x83: {  	v28 =	vld [tilespmem:s5+$0xFFFFFFF0];
	v19 =	vsel vm1, v22, v8;
	v6 =	vadd.s32 v17, v16  }
0x84: {  	v10 =	vld.idx.msk [tilespmem:v10+s2+$0x0], $0xffff;
	v8 =	vadd.s32 v17, v19  }
0x85: {  	v29 =	vld [tilespmem:s5+$0x0]  }
0x86: {  	v21 =	vld.idx.msk [tilespmem:v21+s2+$0x0], $0xffff  }
0x87: {  	v33 =	vld.idx.msk [tilespmem:v11+s2+$0x0], $0xffff  }
0x88: {  	v27 =	vimm.f32 $0.0e+00;
	v6 =	vld.idx.msk [tilespmem:v6+s2+$0x0], $0xffff  }
0x89: {  	s31 =	sadd.s32 $0x40, s4;
	v31 =	vadd.f32 v23, v27;
	vm0 =	vlt.f32 v10, v24;
	v22 =	vld.idx.msk [tilespmem:v8+s2+$0x0], $0xffff;
	v8 =	vadd.s32 $0x4, v9  }
0x8a: {  	v32 =	vsel vm0, v8, v9;
	v9 =	vld [tilespmem:s31+$0x10]  }
0x8b: {  	v31 =	vadd.f32 v28, v31;
	v8 =	vld [tilespmem:s31+$0xFFFFFFE0];
	vm0 =	vlt.f32 v21, v20;
	v21 =	vadd.s32 $0x2, v7  }
0x8c: {  	v30 =	vld [tilespmem:s5+$0x10];
	v10 =	vmov s0;
	v34 =	vadd.s32 v18, v32;
	v21 =	vsel vm0, v21, v7  }
0x8d: {  	v35 =	vadd.s32 $0x4, v16;
	vm0 =	vlt.f32 v6, v26;
	v6 =	vld [tilespmem:s31+$0xFFFFFFF0];
	v36 =	vadd.s32 v10, v21  }
0x8e: {  	v37 =	vadd.s32 $0x4, v19;
	v7 =	vld [tilespmem:s31+$0x0];
	v35 =	vsel vm0, v35, v16  }
0x8f: {  	v16 =	vadd.f32 v29, v31;
	vm0 =	vlt.f32 v22, v25;
	v31 =	vadd.s32 v18, v35  }
0x90: {  	v37 =	vsel vm0, v37, v19;
	vm0 =	vlt.f32 v33, v9;
	vm1 =	vlt.f32 v33, v8  }
0x91: {  	v22 =	vld.idx.msk [tilespmem:v34+s2+$0x0], $0xffff;
	v49 =	vadd.f32 v30, v16;
	v38 =	vadd.s32 v18, v37;
	v39 =	vsel vm0, $0x80, v3  }
0x92: {  	s0 =	sadd.s32 $0x40, s5;
	v42 =	vsel vm1, $0x80, v3;
	v50 =	vor.u32 v12, v39;
	vm2 =	vlt.f32 v33, v6;
	v36 =	vld.idx.msk [tilespmem:v36+s2+$0x0], $0xffff  }
0x93: {  	v16 =	vld [tilespmem:s0+$0xFFFFFFE0];
	v53 =	vadd.s32 $0x2, v37;
	vm0 =	vlt.f32 v33, v7;
	v40 =	vsel vm2, $0x80, v3  }
0x94: {  	v45 =	vor.u32 v12, v42;
	v41 =	vsel vm0, $0x80, v3;
	v31 =	vld.idx.msk [tilespmem:v31+s2+$0x0], $0xffff;
	v43 =	vor.u32 v12, v40  }
0x95: {  	v19 =	vld [tilespmem:s0+$0xFFFFFFF0];
	v59 =	vor.u32 $0x40, v39;
	v63 =	vor.u32 $0x40, v42;
	v44 =	vor.u32 v12, v41  }
0x96: {  	vm2 =	vgt.f32 v23, $0.0e+00;
	vm0 =	vlt.f32 v22, v24;
	v22 =	vadd.s32 $0x2, v32;
	v38 =	vld.idx.msk [tilespmem:v38+s2+$0x0], $0xffff  }
0x97: {  	v60 =	vor.u32 $0x40, v40;
	v32 =	vsel vm0, v22, v32;
	v33 =	vld.idx.msk [tilespmem:v50+s2+$0x0], $0xffff;
	vm0 =	vlt.f32 v36, v20  }
0x98: {  	v34 =	vadd.f32 v16, v49;
	v46 =	vadd.s32 v10, v32;
	v51 =	vsel vm0, $0x1, v3  }
0x99: {  	vm0 =	vlt.f32 v31, v26;
	v31 =	vadd.s32 $0x2, v35;
	v23 =	vld.idx.msk [tilespmem:v43+s2+$0x0], $0xffff;
	v21 =	vadd.s32 v51, v21  }
0x9a: {  	v22 =	vadd.f32 v19, v34;
	v52 =	vld.idx.msk [tilespmem:v44+s2+$0x0], $0xffff;
	v31 =	vsel vm0, v31, v35;
	v54 =	vadd.s32 v10, v21  }
0x9b: {  	v56 =	vld.idx.msk [tilespmem:v45+s2+$0x0], $0xffff;
	vm1 =	vlt.f32 v38, v25;
	vm0 =	vgt.f32 v29, $0.0e+00;
	v55 =	vadd.s32 v10, v31  }
0x9c: {  	v57 =	vmin.u32 v21, $0xFE;
	v35 =	vsel vm1, v53, v37;
	vm3 =	vlt.f32 v33, v9  }
0x9d: {  	v58 =	vmax.u32 v21, $0x1;
	vm1 =	vgt.f32 v28, $0.0e+00;
	v29 =	vld.idx.msk [tilespmem:v46+s2+$0x0], $0xffff;
	v37 =	vsel vm3, v59, v39  }
0x9e: {  	v28 =	vadd.s32 v10, v35;
	v61 =	vsub.s32 v58, v4;
	v62 =	vor.u32 v13, v37  }
0x9f: {  	vm4 =	vlt.f32 v23, v6;
	v23 =	vor.u32 $0x40, v41;
	vm3 =	vlt.f32 v52, v7;
	v36 =	vld.idx.msk [tilespmem:v54+s2+$0x0], $0xffff  }
0xa0: {  	v39 =	vsel vm4, v60, v40;
	vm4 =	vlt.f32 v56, v8;
	v23 =	vsel vm3, v23, v41  }
0xa1: {  	vm3 =	vgt.f32 v30, $0.0e+00;
	v30 =	vadd.s32 $0x1, v57;
	v60 =	vor.u32 $0x20, v37;
	v43 =	vld.idx.msk [tilespmem:v55+s2+$0x0], $0xffff  }
0xa2: {  	v48 =	vor.u32 v13, v39;
	vm5 =	vlt.f32 v29, v24;
	v29 =	vsel vm4, v63, v42  }
0xa3: {  	v51 =	vor.u32 v13, v23;
	v28 =	vld.idx.msk [tilespmem:v28+s2+$0x0], $0xffff;
	v49 =	vsel vm5, $0x1, v3;
	v50 =	vor.u32 v13, v29  }
0xa4: {  	v63 =	vor.u32 $0x20, v29;
	v32 =	vadd.s32 v49, v32;
	vm4 =	vlt.f32 v36, v20  }
0xa5: {  	v52 =	vadd.s32 v10, v32;
	v40 =	vmin.u32 v32, $0xFE;
	v53 =	vsel vm4, $0x1, v3  }
0xa6: {  	v34 =	vld.idx.msk [tilespmem:v62+s2+$0x0], $0xffff;
	v54 =	vmax.u32 v32, $0x1;
	vm5 =	vlt.f32 v43, v26;
	v21 =	vadd.s32 v53, v21  }
0xa7: {  	v36 =	vsub.f32 v20, v36;
	v30 =	vsel vm4, v30, v61;
	v21 =	vxor.u32 $0x80000000, v21  }
0xa8: {  	v56 =	vld.idx.msk [tilespmem:v48+s2+$0x0], $0xffff;
	v55 =	vsel vm5, $0x1, v3;
	vm4 =	vlt.f32 v28, v25;
	v21 =	vnsel vm3, $0x80000101, v21  }
0xa9: {  	v40 =	vadd.s32 $0x1, v40;
	v28 =	vadd.s32 v55, v31;
	v31 =	vld.idx.msk [tilespmem:v50+s2+$0x0], $0xffff;
	v57 =	vsel vm4, $0x1, v3;
	(xrf1) =	vsort.ascd.msk.u32 $0xffff, v21, v20  }
0xaa: {  	v61 =	vor.u32 $0x20, v23;
	v30 =	vadd.s32 v10, v30;
	v33 =	vadd.s32 v57, v35;
	v21 =	vld.idx.msk [tilespmem:v51+s2+$0x0], $0xffff  }
0xab: {  	vm4 =	vlt.f32 v34, v9;
	v50 =	vor.u32 $0x20, v39;
	v35 =	vadd.s32 v10, v33;
	v38 =	vld.idx.msk [tilespmem:v52+s2+$0x0], $0xffff  }
0xac: {  	v53 =	vsub.s32 v54, v4;
	v36 =	vmul.f32 v36, v36;
	v58 =	vmin.u32 v28, $0xFE  }
0xad: {  	v59 =	vmax.u32 v28, $0x1;
	v34 =	vsel vm4, v60, v37;
	v48 =	vadd.s32 v10, v28  }
0xae: {  	v62 =	vmin.u32 v33, $0xFE;
	v47 =	vor.u32 v14, v34;
	vm4 =	vlt.f32 v56, v6  }
0xaf: {  	vm5 =	vlt.f32 v31, v8;
	v31 =	vsel vm4, v50, v39;
	vm4 =	vlt.f32 v21, v7  }
0xb0: {  	v42 =	vsub.s32 v59, v4;
	v35 =	vld.idx.msk [tilespmem:v35+s2+$0x0], $0xffff;
	v23 =	vsel vm4, v61, v23;
	vm4 =	vlt.f32 v38, v24  }
0xb1: {  	v41 =	vadd.s32 $0x1, v58;
	v56 =	vmax.u32 v33, $0x1;
	v55 =	vsel vm4, $0x1, v3  }
0xb2: {  	v30 =	vld.idx.msk [tilespmem:v30+s2+$0x0], $0xffff;
	v21 =	vsel vm5, v63, v29;
	v29 =	vor.u32 v14, v31;
	v32 =	vadd.s32 v55, v32  }
0xb3: {  	v37 =	vadd.s32 $0x1, v62;
	v54 =	vld.idx.msk [tilespmem:v47+s2+$0x0], $0xffff;
	v51 =	vor.u32 v14, v21;
	v32 =	vxor.u32 $0x80000000, v32  }
0xb4: {  	v62 =	vor.u32 $0x10, v34;
	v52 =	vor.u32 v14, v23;
	v32 =	vnsel vm1, $0x80000101, v32  }
0xb5: {  	v57 =	vld.idx.msk [tilespmem:v48+s2+$0x0], $0xffff;
	v40 =	vsel vm4, v40, v53;
	vm4 =	vlt.f32 v35, v25;
	(xrf1) =	vsort.ascd.msk.u32 $0xffff, v32, v24  }
0xb6: {  	v44 =	vsub.s32 v56, v4;
	v38 =	vsub.f32 v24, v38;
	v58 =	vsel vm4, $0x1, v3  }
0xb7: {  	v50 =	vor.u32 $0x10, v21;
	v20 =	vsub.f32 v20, v30;
	v29 =	vld.idx.msk [tilespmem:v29+s2+$0x0], $0xffff;
	v32 =	vadd.s32 v58, v33;
	v61, v60, _ =	vpop (xrf1)  }
0xb8: {  	vm5 =	vlt.f32 v54, v9;
	v39 =	vld.idx.msk [tilespmem:v51+s2+$0x0], $0xffff;
	v32 =	vxor.u32 $0x80000000, v32;
	v49 =	vxor.u32 $0x80000000, v61  }
0xb9: {  	v37 =	vsel vm4, v37, v44;
	v34 =	vsel vm5, v62, v34;
	v43 =	vld.idx.msk [tilespmem:v52+s2+$0x0], $0xffff;
	v32 =	vnsel vm0, $0x80000101, v32;
	(xrf1) =	vunique.msk.u32 $0xffff, v49  }
0xba: {  	v59 =	vor.u32 $0x10, v23;
	vm4 =	vlt.f32 v57, v26;
	v63 =	vadd.s32 v15, v34;
	(xrf1) =	vsort.ascd.msk.u32 $0xffff, v32, v25  }
0xbb: {  	v40 =	vadd.s32 v10, v40;
	v54 =	vsel vm4, v41, v42;
	v37 =	vadd.s32 v10, v37  }
0xbc: {  	v30 =	vadd.s32 v10, v54;
	v52 =	vsub.f32 $0.0e+00, v60;
	vm5 =	veq.s32 v61, $0x80000101  }
0xbd: {  	vm7 =	vlt.f32 v29, v6;
	v29 =	vor.u32 $0x10, v31;
	vm6 =	vlt.f32 v39, v8  }
0xbe: {  	v31 =	vsel vm7, v29, v31;
	v29 =	vsel vm5, $0xD01502F9, v52;
	vm5 =	vlt.f32 v43, v7  }
0xbf: {  	v41 =	vsel vm5, v59, v23;
	v23 =	vld.idx.msk [tilespmem:v63+s2+$0x0], $0xffff;
	v42 =	vperm.xlane v29, v5;
	v29 =	vsel vm4, $0x1, v3  }
0xc0: {  	v38 =	vmul.f32 v38, v38;
	v32 =	vsel vm6, v50, v21;
	v21 =	vld [tilespmem:s0+$0x0];
	v28 =	vadd.s32 v29, v28  }
0xc1: {  	v20 =	vmul.f32 v20, v20;
	v40 =	vld.idx.msk [tilespmem:v40+s2+$0x0], $0xffff;
	v53 =	vadd.s32 v15, v31;
	v28 =	vxor.u32 $0x80000000, v28  }
0xc2: {  	v57 =	vsub.f32 v26, v57;
	(xrf0) =	vmax.scan.msk.f32 $0xffff, v60;
	v55 =	vadd.s32 v15, v32;
	v28 =	vnsel vm2, $0x80000101, v28  }
0xc3: {  	v30 =	vld.idx.msk [tilespmem:v30+s2+$0x0], $0xffff;
	v56 =	vadd.s32 v15, v41;
	v59, v46, _ =	vpop (xrf1);
	(xrf1) =	vsort.ascd.msk.u32 $0xffff, v28, v26;
	v28 =	vmin.f32 v36, v20  }
0xc4: {  	v37 =	vld.idx.msk [tilespmem:v37+s2+$0x0], $0xffff;
	vm4 =	vlt.f32 v23, v9;
	v23 =	vadd.s32 $0x8, v34;
	v47 =	vxor.u32 $0x80000000, v59  }
0xc5: {  	v58 =	vadd.f32 v21, v22;
	v22 =	vld [tilespmem:s0+$0x10];
	v34 =	vsel vm4, v23, v34;
	v23 =	vsub.f32 $0.0e+00, v46;
	(xrf1) =	vunique.msk.u32 $0xffff, v47  }
0xc6: {  	v54 =	vsub.f32 v24, v40;
	v29 =	vsub.f32 v25, v35;
	v33 =	vld.idx.msk [tilespmem:v53+s2+$0x0], $0xffff;
	vm4 =	veq.s32 v59, $0x80000101  }
0xc7: {  	v43 =	vld.idx.msk [tilespmem:v55+s2+$0x0], $0xffff;
	v60 =	vadd.s32 v17, v34;
	v62 =	vsel vm4, $0xD01502F9, v23;
	v23 =	vnsel vm3, $0x0, v28;
	_, v28, vm4 =	vpop (xrf1)  }
0xc8: {  	v35 =	vmul.f32 v57, v57;
	v57 =	vadd.s32 $0x8, v31;
	v30 =	vsub.f32 v26, v30;
	v44 =	vld.idx.msk [tilespmem:v56+s2+$0x0], $0xffff;
	v56, v51, _ =	vpop (xrf1)  }
0xc9: {  	v61, _, _ =	vpop (xrf0);
	(xrf0) =	vmax.scan.msk.f32 $0xffff, v42;
	v25 =	vsub.f32 v25, v37;
	vm3 =	veq.s32 v28, $0x1;
	v28 =	vxor.u32 $0x80000000, v56  }
0xca: {  	v30 =	vmul.f32 v30, v30;
	v26 =	vadd.s32 $0x8, v32;
	v20 =	vadd.f32 v22, v58;
	(xrf1) =	vunique.msk.u32 $0xffff, v28  }
0xcb: {  	v63 =	vnsel vm4, $0x104, v49;
	v52 =	vnsel vm4, $0xD01502F9, v61;
	vm4 =	vlt.f32 v33, v6  }
0xcc: {  	v39 =	vperm.xlane v62, v5;
	v58 =	vld.idx.msk [tilespmem:v60+s2+$0x0], $0xffff;
	v33 =	vsel vm4, v57, v31;
	v31 =	vsub.f32 $0.0e+00, v51  }
0xcd: {  	vm6 =	vlt.f32 v43, v8;
	vm5 =	veq.s32 v56, $0x80000101;
	v59 =	vadd.s32 v17, v33  }
0xce: {  	v60 =	vadd.s32 $0x8, v41;
	(xrf0) =	vmax.scan.msk.f32 $0xffff, v39;
	vm4 =	vlt.f32 v44, v7;
	v31 =	vsel vm5, $0xD01502F9, v31  }
0xcf: {  	v30 =	vmin.f32 v35, v30;
	v32 =	vsel vm6, v26, v32;
	v43 =	vsel vm4, v60, v41  }
0xd0: {  	v26 =	vmul.f32 v25, v25;
	v25, _, _ =	vpop (xrf0);
	v53 =	vadd.s32 v17, v32;
	(xrf0) =	vmax.scan.msk.f32 $0xffff, v46;
	v61 =	vadd.s32 v17, v43  }
0xd1: {  	s25 =	simm.s32 $0x1860;
	v46 =	vperm.xlane v25, v5;
	v25 =	vadd.s32 $0x4, v34;
	vm4 =	vlt.f32 v58, v9  }
0xd2: {  	v30 =	vnsel vm2, $0x0, v30;
	[tilespmem:s25+$0x10] =	vst v63;
	v62 =	vperm.xlane v31, v5;
	v36 =	vsel vm4, v25, v34;
	v63 =	vld.idx.msk [tilespmem:v59+s2+$0x0], $0xffff;
	v24, v31, _ =	vpop (xrf1)  }
0xd3: {  	(xrf0) =	vmax.scan.msk.f32 $0xffff, v51;
	v56 =	vadd.s32 v18, v36;
	v25 =	vxor.u32 $0x80000000, v24;
	vm2 =	veq.s32 v24, $0x80000101;
	_, v58, vm4 =	vpop (xrf1)  }
0xd4: {  	v55, _, _ =	vpop (xrf0);
	(xrf0) =	vmax.scan.msk.f32 $0xffff, v62;
	v57 =	vsub.f32 $0.0e+00, v31;
	v24 =	vadd.f32 v30, v27;
	v30 =	vnsel vm4, $0x104, v47  }
0xd5: {  	s26 =	simm.s32 $0x1D60;
	v42 =	vnsel vm3, $0x105, v49;
	v44 =	vadd.s32 $0x4, v43;
	v39 =	vsub.f32 $0.0e+00, v46;
	v59 =	vld.idx.msk [tilespmem:v61+s2+$0x0], $0xffff;
	(xrf1) =	vunique.msk.u32 $0xffff, v25  }
0xd6: {  	s28 =	simm.s32 $0x2260;
	[tilespmem:s26+$0x10] =	vst v52;
	v62 =	vadd.s32 $0x4, v33;
	v60, _, _ =	vpop (xrf0);
	v27 =	vmul.f32 v54, v54;
	v35 =	vsel vm2, $0xD01502F9, v57  }
0xd7: {  	[tilespmem:s28+$0x10] =	vst v42;
	v61 =	vnsel vm4, $0xD01502F9, v60;
	vm4 =	vlt.f32 v63, v6;
	v35 =	vperm.xlane v35, v5  }
0xd8: {  	s29 =	simm.s32 $0xFFFFFFFC;
	s30 =	simm.s32 $0x2760;
	s14 =	simm.s32 $0x1DA0;
	v40 =	vld.idx.msk [tilespmem:v53+s2+$0x0], $0xffff;
	v37 =	vperm.xlane v55, v5;
	vm2 =	veq.s32 v58, $0x1;
	[tilespmem:s25+$0xFFFFFFF0] =	vst v30;
	v34 =	vsel vm4, v62, v33;
	_, v30, vm5 =	vpop (xrf1)  }
0xd9: {  	s15 =	simm.s32 $0x1860;
	p1 =	por p2, p2;
	s16 =	simm.s32 $0x2760;
	v27 =	vmin.f32 v38, v27;
	v42 =	vld.idx.msk [tilespmem:v56+s2+$0x0], $0xffff;
	v41 =	vadd.s32 v18, v34;
	vm4 =	veq.s32 v30, $0x1;
	v30, _, _ =	vpop (xrf0);
	(xrf0) =	vmax.scan.msk.f32 $0xffff, v35  }
0xda: {  	s7 =	simm.s32 $0x1860;
	s17 =	simm.s32 $0x2260;
	s4 =	simm.s32 $0x4;
	v63 =	vnsel vm2, $0x105, v47;
	v27 =	vnsel vm1, $0x0, v27;
	[tilespmem:s26+$0xFFFFFFF0] =	vst v61;
	vm6 =	vlt.f32 v59, v7  }
0xdb: {  	s21 =	simm.s32 $0x22A0;
	s22 =	simm.s32 $0x27A0;
	s5 =	simm.s32 $0x1D60;
	[tilespmem:s28+$0xFFFFFFF0] =	vst v63;
	v33 =	vsel vm6, v44, v43;
	v35 =	vmul.f32 v29, v29;
	v38, _, _ =	vpop (xrf0);
	v29 =	vnsel vm4, $0x105, v28  }
.LBB2_3:
0xdc: {  	v43 =	vld.idx.msk [tilespmem:v11+s2+$0x0], $0xffff;
	s4 =	sadd.s32 $0x4, s4;
	v44 =	vadd.s32 v18, v33;
	s31 =	sadd.s32 $0x40, s31;
	v45 =	vnsel vm5, $0xD01502F9, v30;
	v39 =	vnsel vm3, $0x501502F9, v39;
	s15 =	sadd.s32 $0x40, s15  }
0xdd: {  	v37 =	vsub.f32 $0.0e+00, v37;
	v38 =	vperm.xlane v38, v5;
	v30 =	vld [tilespmem:s31+$0x10];
	p2 =	slt.u32 s4, $0x4C;
	v35 =	vmin.f32 v35, v26;
	[tilespmem:s16+$0x10] =	vst v39  }
0xde: {  	vm1 =	vlt.f32 v40, v8;
	v40 =	vadd.s32 $0x2, v36;
	vm3 =	vlt.f32 v42, v9;
	v39 =	vld.idx.msk [tilespmem:v41+s2+$0x0], $0xffff  }
0xdf: {  	v41 =	vadd.s32 $0x4, v32;
	v36 =	vsel vm3, v40, v36;
	v40 =	vadd.f32 v27, v24;
	v26 =	vld [tilespmem:s31+$0xFFFFFFE0];
	(xrf0) =	vmax.scan.msk.f32 $0xffff, v31;
	v24, _, _ =	vpop (xrf0)  }
0xe0: {  	v35 =	vnsel vm0, $0x0, v35;
	v31 =	vadd.s32 v10, v36;
	v27 =	vld [tilespmem:s31+$0x0];
	v42 =	vperm.xlane v24, v5  }
0xe1: {  	v46 =	vsub.f32 $0.0e+00, v38;
	v32 =	vsel vm1, v41, v32;
	v35 =	vadd.f32 v35, v40;
	v24 =	vld [tilespmem:s31+$0xFFFFFFF0]  }
0xe2: {  	v28 =	vnsel vm5, $0x104, v28;
	v37 =	vnsel vm2, $0x501502F9, v37;
	v40 =	vadd.s32 v18, v32  }
0xe3: {  	s0 =	sadd.s32 $0x40, s0;
	vm0 =	vlt.f32 v43, v30;
	v41 =	vsub.f32 $0.0e+00, v42;
	[tilespmem:s7+$0x0] =	vst v28;
	v28 =	vnsel vm4, $0x501502F9, v46;
	_, v38, vm1 =	vpop (xrf1)  }
0xe4: {  	v46 =	vsel vm0, $0x80, v3;
	v42 =	vld [tilespmem:s0+$0xFFFFFFE0];
	vm2 =	vlt.f32 v43, v26;
	v47 =	vnsel vm1, $0x104, v25;
	[tilespmem:s5+$0x0] =	vst v45  }
0xe5: {  	v45 =	vor.u32 v12, v46;
	vm3 =	veq.s32 v38, $0x1;
	vm0 =	vlt.f32 v43, v27;
	v31 =	vld.idx.msk [tilespmem:v31+s2+$0x0], $0xffff;
	[tilespmem:s17+$0x0] =	vst v29;
	v29, _, _ =	vpop (xrf0)  }
0xe6: {  	v38 =	vsel vm2, $0x80, v3;
	v48 =	vld [tilespmem:s0+$0xFFFFFFF0];
	vm2 =	vlt.f32 v43, v24;
	[tilespmem:s7+$0xFFFFFFE0] =	vst v47;
	v29 =	vnsel vm1, $0xD01502F9, v29;
	s7 =	smov.u32 s15  }
0xe7: {  	v41 =	vnsel vm3, $0x501502F9, v41;
	v47 =	vsel vm0, $0x80, v3;
	v43 =	vsel vm2, $0x80, v3;
	v40 =	vld.idx.msk [tilespmem:v40+s2+$0x0], $0xffff;
	[tilespmem:s5+$0xFFFFFFE0] =	vst v29;
	s5 =	smov.u32 s14  }
0xe8: {  	vm0 =	vlt.f32 v39, v6;
	v50 =	vor.u32 v12, v47;
	v49 =	vor.u32 v12, v43;
	[tilespmem:s16+$0x0] =	vst v28  }
0xe9: {  	v25 =	vnsel vm3, $0x105, v25;
	v29 =	vadd.s32 $0x2, v34;
	v28 =	vor.u32 v12, v38;
	v39 =	vld.idx.msk [tilespmem:v44+s2+$0x0], $0xffff;
	[tilespmem:s16+$0xFFFFFFF0] =	vst v37  }
0xea: {  	v34 =	vsel vm0, v29, v34;
	v29 =	vadd.f32 v23, v35;
	v20 =	vadd.f32 v42, v20;
	[tilespmem:s17+$0xFFFFFFE0] =	vst v25;
	s17 =	smov.u32 s21  }
0xeb: {  	v25 =	vadd.s32 v10, v34;
	vm0 =	vlt.f32 v31, v9;
	v23 =	vld.idx.msk [tilespmem:v45+s2+$0x0], $0xffff;
	[tilespmem:s16+$0xFFFFFFE0] =	vst v41;
	s16 =	smov.u32 s22  }
0xec: {  	vm2 =	vgt.f32 v16, $0.0e+00;
	v16 =	vmovc v42;
	v20 =	vadd.f32 v48, v20;
	v31 =	vsel vm0, $0x1, v3  }
0xed: {  	v37 =	vadd.s32 $0x2, v32;
	vm0 =	vlt.f32 v40, v8;
	v31 =	vadd.s32 v31, v36;
	v35 =	vld.idx.msk [tilespmem:v49+s2+$0x0], $0xffff  }
0xee: {  	v32 =	vsel vm0, v37, v32;
	v37 =	vadd.s32 $0x2, v33;
	v40 =	vadd.s32 v10, v31;
	v36 =	vld.idx.msk [tilespmem:v50+s2+$0x0], $0xffff  }
0xef: {  	v41 =	vadd.s32 v10, v32;
	vm1 =	vlt.f32 v39, v7;
	v39 =	vmin.u32 v31, $0xFE;
	v28 =	vld.idx.msk [tilespmem:v28+s2+$0x0], $0xffff  }
0xf0: {  	vm0 =	vgt.f32 v21, $0.0e+00;
	v21 =	vsel vm1, v37, v33;
	v33 =	vmax.u32 v31, $0x1;
	v25 =	vld.idx.msk [tilespmem:v25+s2+$0x0], $0xffff  }
0xf1: {  	v37 =	vor.u32 $0x40, v46;
	vm1 =	vgt.f32 v19, $0.0e+00;
	v19 =	vmovc v48;
	v42 =	vadd.s32 v10, v21  }
0xf2: {  	v44 =	vor.u32 $0x40, v43;
	vm3 =	vlt.f32 v23, v30;
	v23 =	vsub.s32 v33, v4  }
0xf3: {  	v33 =	vor.u32 $0x40, v47;
	vm4 =	vlt.f32 v35, v24;
	v35 =	vsel vm3, v37, v46;
	v37 =	vld.idx.msk [tilespmem:v40+s2+$0x0], $0xffff  }
0xf4: {  	v40 =	vsel vm4, v44, v43;
	vm3 =	vlt.f32 v36, v27;
	v36 =	vor.u32 v13, v35  }
0xf5: {  	vm4 =	vlt.f32 v28, v26;
	v28 =	vor.u32 $0x40, v38;
	v43 =	vor.u32 v13, v40;
	v41 =	vld.idx.msk [tilespmem:v41+s2+$0x0], $0xffff  }
0xf6: {  	v33 =	vsel vm3, v33, v47;
	v28 =	vsel vm4, v28, v38;
	vm3 =	vlt.f32 v25, v6;
	v25 =	vld.idx.msk [tilespmem:v42+s2+$0x0], $0xffff  }
0xf7: {  	v38 =	vor.u32 v13, v28;
	v42 =	vor.u32 v13, v33;
	v44 =	vsel vm3, $0x1, v3  }
0xf8: {  	vm3 =	vgt.f32 v22, $0.0e+00;
	v22 =	vadd.s32 $0x1, v39;
	v34 =	vadd.s32 v44, v34  }
0xf9: {  	v39 =	vadd.s32 v10, v34;
	v44 =	vmin.u32 v34, $0xFE;
	vm4 =	vlt.f32 v37, v9;
	v36 =	vld.idx.msk [tilespmem:v36+s2+$0x0], $0xffff  }
0xfa: {  	v45 =	vmax.u32 v34, $0x1;
	v46 =	vsel vm4, $0x1, v3;
	v22 =	vsel vm4, v22, v23;
	v43 =	vld.idx.msk [tilespmem:v43+s2+$0x0], $0xffff  }
0xfb: {  	vm4 =	vlt.f32 v41, v8;
	v23 =	vadd.s32 v46, v31;
	v22 =	vadd.s32 v10, v22  }
0xfc: {  	v41 =	vsel vm4, $0x1, v3;
	vm4 =	vlt.f32 v25, v7;
	v23 =	vxor.u32 $0x80000000, v23;
	v31 =	vld.idx.msk [tilespmem:v42+s2+$0x0], $0xffff  }
0xfd: {  	v32 =	vadd.s32 v41, v32;
	v23 =	vnsel vm3, $0x80000101, v23;
	v25 =	vld.idx.msk [tilespmem:v38+s2+$0x0], $0xffff;
	v38 =	vsel vm4, $0x1, v3  }
0xfe: {  	v41 =	vmin.u32 v32, $0xFE;
	v42 =	vmax.u32 v32, $0x1;
	v21 =	vadd.s32 v38, v21;
	(xrf1) =	vsort.ascd.msk.u32 $0xffff, v23, v9  }
0xff: {  	vm4 =	vlt.f32 v36, v30;
	v23 =	vor.u32 $0x20, v35;
	v36 =	vld.idx.msk [tilespmem:v39+s2+$0x0], $0xffff;
	v38 =	vadd.s32 v10, v21  }
0x100: {  	v39 =	vor.u32 $0x20, v33;
	v23 =	vsel vm4, v23, v35;
	v35 =	vmin.u32 v21, $0xFE  }
0x101: {  	v46 =	vor.u32 $0x20, v28;
	v48 =	vadd.s32 v10, v32;
	v47 =	vor.u32 v14, v23  }
0x102: {  	v44 =	vadd.s32 $0x1, v44;
	vm4 =	vlt.f32 v43, v24;
	v43 =	vor.u32 $0x20, v40  }
0x103: {  	v40 =	vsel vm4, v43, v40;
	vm4 =	vlt.f32 v31, v27;
	vm5 =	vlt.f32 v25, v26  }
0x104: {  	v25 =	vor.u32 v14, v40;
	v31 =	vsel vm4, v39, v33;
	v28 =	vsel vm5, v46, v28;
	v33 =	vld.idx.msk [tilespmem:v38+s2+$0x0], $0xffff  }
0x105: {  	v39 =	vor.u32 v14, v31;
	v38 =	vor.u32 v14, v28;
	vm4 =	vlt.f32 v36, v6  }
0x106: {  	v45 =	vsub.s32 v45, v4;
	v36 =	vsub.f32 v6, v36;
	v46 =	vsel vm4, $0x1, v3;
	v43 =	vld.idx.msk [tilespmem:v47+s2+$0x0], $0xffff  }
0x107: {  	v37 =	vsub.f32 v9, v37;
	v44 =	vsel vm4, v44, v45;
	v34 =	vadd.s32 v46, v34  }
0x108: {  	v44 =	vadd.s32 v10, v44;
	v46 =	vmax.u32 v21, $0x1;
	v34 =	vxor.u32 $0x80000000, v34;
	v45 =	vld.idx.msk [tilespmem:v48+s2+$0x0], $0xffff  }
0x109: {  	v42 =	vsub.s32 v42, v4;
	v47 =	vld.idx.msk [tilespmem:v25+s2+$0x0], $0xffff;
	v25 =	vnsel vm1, $0x80000101, v34;
	v34 =	vsub.s32 v46, v4  }
0x10a: {  	v41 =	vadd.s32 $0x1, v41;
	v35 =	vadd.s32 $0x1, v35;
	vm4 =	vlt.f32 v33, v7;
	v38 =	vld.idx.msk [tilespmem:v38+s2+$0x0], $0xffff;
	(xrf1) =	vsort.ascd.msk.u32 $0xffff, v25, v6  }
0x10b: {  	v46 =	vor.u32 $0x10, v31;
	v25 =	vsel vm4, $0x1, v3;
	v34 =	vsel vm4, v35, v34;
	v39 =	vld.idx.msk [tilespmem:v39+s2+$0x0], $0xffff  }
0x10c: {  	v35 =	vor.u32 $0x10, v23;
	vm4 =	vlt.f32 v43, v30;
	v21 =	vadd.s32 v25, v21;
	v43, v48, _ =	vpop (xrf1)  }
0x10d: {  	v23 =	vsel vm4, v35, v23;
	v21 =	vxor.u32 $0x80000000, v21;
	v49 =	vxor.u32 $0x80000000, v43  }
0x10e: {  	v35 =	vadd.s32 v15, v23;
	v21 =	vnsel vm0, $0x80000101, v21;
	v25 =	vld.idx.msk [tilespmem:v44+s2+$0x0], $0xffff;
	v44 =	vsub.f32 $0.0e+00, v48;
	(xrf1) =	vunique.msk.u32 $0xffff, v49  }
0x10f: {  	v50 =	vor.u32 $0x10, v28;
	vm4 =	vlt.f32 v45, v8;
	vm5 =	veq.s32 v43, $0x80000101;
	v22 =	vld.idx.msk [tilespmem:v22+s2+$0x0], $0xffff;
	(xrf1) =	vsort.ascd.msk.u32 $0xffff, v21, v7  }
0x110: {  	vm7 =	vlt.f32 v47, v24;
	vm6 =	vlt.f32 v38, v26;
	v21 =	vor.u32 $0x10, v40  }
0x111: {  	v38 =	vsel vm6, v50, v28;
	v40 =	vsel vm7, v21, v40;
	v28 =	vsel vm5, $0xD01502F9, v44  }
0x112: {  	vm5 =	vlt.f32 v39, v27;
	v39 =	vsel vm4, v41, v42;
	v43 =	vadd.s32 v15, v40;
	v21 =	vld [tilespmem:s0+$0x0]  }
0x113: {  	v34 =	vadd.s32 v10, v34;
	v31 =	vsel vm5, v46, v31;
	v42 =	vperm.xlane v28, v5;
	v41 =	vld.idx.msk [tilespmem:v35+s2+$0x0], $0xffff  }
0x114: {  	v28 =	vadd.s32 v15, v38;
	v44 =	vadd.s32 v15, v31;
	v35 =	vsel vm4, $0x1, v3  }
0x115: {  	v32 =	vadd.s32 v35, v32;
	v35 =	vsub.f32 v7, v33;
	v33 =	vsub.f32 v9, v22;
	(xrf0) =	vmax.scan.msk.f32 $0xffff, v48  }
0x116: {  	v45 =	vsub.f32 v8, v45;
	v39 =	vadd.s32 v10, v39;
	v9 =	vmovc v30;
	v32 =	vxor.u32 $0x80000000, v32  }
0x117: {  	v30 =	vnsel vm2, $0x80000101, v32;
	v32 =	vmul.f32 v33, v33;
	v20 =	vadd.f32 v21, v20;
	v22 =	vld [tilespmem:s0+$0x10]  }
0x118: {  	v48 =	vmul.f32 v37, v37;
	v33 =	vmul.f32 v36, v36;
	v34 =	vld.idx.msk [tilespmem:v34+s2+$0x0], $0xffff;
	v37, v46, _ =	vpop (xrf1)  }
0x119: {  	vm4 =	vlt.f32 v41, v9;
	v41 =	vadd.s32 $0x8, v23;
	v43 =	vld.idx.msk [tilespmem:v43+s2+$0x0], $0xffff;
	(xrf1) =	vsort.ascd.msk.u32 $0xffff, v30, v8  }
0x11a: {  	v30 =	vsel vm4, v41, v23;
	v41 =	vxor.u32 $0x80000000, v37;
	v23 =	vsub.f32 $0.0e+00, v46  }
0x11b: {  	v48 =	vmin.f32 v48, v32;
	vm4 =	veq.s32 v37, $0x80000101;
	v47 =	vadd.s32 v17, v30;
	v39 =	vld.idx.msk [tilespmem:v39+s2+$0x0], $0xffff;
	(xrf1) =	vunique.msk.u32 $0xffff, v41;
	v36, _, _ =	vpop (xrf0)  }
0x11c: {  	v37 =	vld.idx.msk [tilespmem:v44+s2+$0x0], $0xffff;
	v20 =	vadd.f32 v22, v20;
	v44 =	vsel vm4, $0xD01502F9, v23;
	v23 =	vnsel vm3, $0x0, v48;
	_, v32, vm4 =	vpop (xrf1)  }
0x11d: {  	v48 =	vld.idx.msk [tilespmem:v28+s2+$0x0], $0xffff;
	v44 =	vperm.xlane v44, v5;
	vm3 =	veq.s32 v32, $0x1;
	v32 =	vnsel vm4, $0x104, v49;
	v50, v51, _ =	vpop (xrf1)  }
0x11e: {  	v45 =	vmul.f32 v45, v45;
	v36 =	vnsel vm4, $0xD01502F9, v36;
	v28 =	vxor.u32 $0x80000000, v50;
	(xrf0) =	vmax.scan.msk.f32 $0xffff, v42  }
0x11f: {  	vm4 =	vlt.f32 v43, v24;
	v42 =	vadd.s32 $0x8, v40;
	vm5 =	veq.s32 v50, $0x80000101;
	(xrf1) =	vunique.msk.u32 $0xffff, v28  }
0x120: {  	v43 =	vsub.f32 $0.0e+00, v51;
	v42 =	vsel vm4, v42, v40;
	v40 =	vld.idx.msk [tilespmem:v47+s2+$0x0], $0xffff;
	v47 =	vnsel vm3, $0x105, v49;
	(xrf0) =	vmax.scan.msk.f32 $0xffff, v44  }
0x121: {  	v44 =	vadd.s32 v17, v42;
	v49 =	vadd.s32 $0x8, v31;
	v39 =	vsub.f32 v8, v39;
	v8 =	vmovc v26;
	[tilespmem:s15+$0x10] =	vst v32  }
0x122: {  	v34 =	vsub.f32 v7, v34;
	v7 =	vmovc v27;
	v26 =	vadd.s32 $0x8, v38;
	vm4 =	vlt.f32 v37, v27;
	[tilespmem:s14+$0x10] =	vst v36  }
0x123: {  	v27 =	vsel vm5, $0xD01502F9, v43;
	vm6 =	vlt.f32 v48, v8;
	v48 =	vsel vm4, v49, v31  }
0x124: {  	v32 =	vsel vm6, v26, v38;
	v37 =	vadd.s32 v17, v48;
	v26 =	vmul.f32 v34, v34;
	(xrf0) =	vmax.scan.msk.f32 $0xffff, v46;
	v31, _, _ =	vpop (xrf0)  }
0x125: {  	v27 =	vperm.xlane v27, v5;
	v43 =	vadd.s32 $0x4, v48;
	v38 =	vperm.xlane v31, v5;
	[tilespmem:s21+$0x10] =	vst v47  }
0x126: {  	v52 =	vmul.f32 v39, v39;
	vm4 =	vlt.f32 v40, v9;
	v47 =	vadd.s32 $0x4, v30;
	v34 =	vld.idx.msk [tilespmem:v44+s2+$0x0], $0xffff;
	v44, _, _ =	vpop (xrf0);
	(xrf0) =	vmax.scan.msk.f32 $0xffff, v51  }
0x127: {  	v50 =	vsub.f32 v6, v25;
	v40 =	vadd.s32 v17, v32;
	v36 =	vsel vm4, v47, v30;
	v46, v31, _ =	vpop (xrf1)  }
0x128: {  	v6 =	vmovc v24;
	v49 =	vmin.f32 v45, v52;
	v47 =	vadd.s32 v18, v36;
	v25 =	vxor.u32 $0x80000000, v46  }
0x129: {  	v24 =	vnsel vm2, $0x0, v49;
	vm2 =	veq.s32 v46, $0x80000101;
	v45 =	vld.idx.msk [tilespmem:v37+s2+$0x0], $0xffff;
	v37 =	vsub.f32 $0.0e+00, v31;
	_, v39, vm4 =	vpop (xrf1);
	(xrf0) =	vmax.scan.msk.f32 $0xffff, v27  }
0x12a: {  	v24 =	vadd.f32 v24, v29;
	v27 =	vmul.f32 v50, v50;
	v29 =	vnsel vm4, $0x104, v41;
	(xrf1) =	vunique.msk.u32 $0xffff, v25;
	v30, _, _ =	vpop (xrf0)  }
0x12b: {  	v37 =	vsel vm2, $0xD01502F9, v37;
	vm2 =	veq.s32 v39, $0x1;
	[tilespmem:s15+$0xFFFFFFF0] =	vst v29;
	v29 =	vnsel vm4, $0xD01502F9, v30  }
.Ltmp2:
0x12c: {  	vm4 =	vlt.f32 v34, v6;
	v34 =	vadd.s32 $0x4, v42;
	v40 =	vld.idx.msk [tilespmem:v40+s2+$0x0], $0xffff;
	v39 =	vperm.xlane v37, v5;
	[tilespmem:s14+$0xFFFFFFF0] =	vst v29;
	v30, _, _ =	vpop (xrf0);
	(pc) =	sbr.rel @p2 .LBB2_3-.Ltmp2, $4  }
0x12d: {  	v27 =	vmin.f32 v33, v27;
	v34 =	vsel vm4, v34, v42;
	v29 =	vnsel vm2, $0x105, v41;
	v42 =	vld.idx.msk [tilespmem:v47+s2+$0x0], $0xffff;
	_, v33, vm5 =	vpop (xrf1)  }
0x12e: {  	v37 =	vperm.xlane v44, v5;
	v41 =	vadd.s32 v18, v34;
	vm4 =	veq.s32 v33, $0x1;
	(xrf0) =	vmax.scan.msk.f32 $0xffff, v39  }
0x12f: {  	v27 =	vnsel vm1, $0x0, v27;
	vm6 =	vlt.f32 v45, v7;
	v39 =	vsub.f32 $0.0e+00, v38;
	[tilespmem:s21+$0xFFFFFFF0] =	vst v29;
	v38, _, _ =	vpop (xrf0)  }
0x130: {  	s22 =	sadd.s32 $0x40, s22;
	v35 =	vmul.f32 v35, v35;
	s14 =	sadd.s32 $0x40, s14;
	v33 =	vsel vm6, v43, v48;
	v29 =	vnsel vm4, $0x105, v28;
	s21 =	sadd.s32 $0x40, s21  }
0x131: {  	_ = 	snop  }
0x132: {  	v11 =	vadd.s32 $0x2, v36;
	vm1 =	vlt.f32 v42, v9  }
0x133: {  	v11 =	vsel vm1, v11, v36  }
0x134: {  	v12 =	vadd.s32 v10, v11;
	_ =	sdelay $0x3  }
0x135: {  	v13 =	vld.idx.msk [tilespmem:v41+s2+$0x0], $0xffff  }
0x136: {  	v14 =	vadd.s32 v18, v33;
	v12 =	vld.idx.msk [tilespmem:v12+s2+$0x0], $0xffff  }
0x137: {  	vm8 =	vlt.f32 v40, v8;
	v15 =	vadd.s32 $0x4, v32  }
0x138: {  	v15 =	vsel vm8, v15, v32  }
0x139: {  	v17 =	vadd.s32 v18, v15;
	_ =	sdelay $0x1  }
0x13a: {  	v50 =	vadd.s32 $0x2, v34;
	vm9 =	vlt.f32 v13, v6;
	v14 =	vld.idx.msk [tilespmem:v14+s2+$0x0], $0xffff;
	vm6 =	vlt.f32 v12, v9  }
0x13b: {  	v51 =	vsel vm9, v50, v34;
	v52 =	vsel vm6, $0x1, v3  }
0x13c: {  	v18 =	vadd.s32 v10, v51;
	v11 =	vadd.s32 v52, v11  }
0x13d: {  	v53 =	vld.idx.msk [tilespmem:v17+s2+$0x0], $0xffff;
	v54 =	vadd.s32 v10, v11;
	_ =	sdelay $0x1  }
0x13e: {  	v55 =	vadd.s32 $0x2, v33;
	vm10 =	vlt.f32 v14, v7  }
0x13f: {  	v14 =	vsel vm10, v55, v33  }
0x140: {  	v18 =	vld.idx.msk [tilespmem:v18+s2+$0x0], $0xffff;
	v32 =	vadd.s32 v10, v14  }
0x141: {  	v56 =	vadd.s32 $0x2, v15;
	vm11 =	vlt.f32 v53, v8;
	v17 =	vld.idx.msk [tilespmem:v54+s2+$0x0], $0xffff  }
0x142: {  	v13 =	vsel vm11, v56, v15  }
0x143: {  	v15 =	vadd.s32 v10, v13;
	_ =	sdelay $0x1  }
0x144: {  	vm12 =	vlt.f32 v18, v6;
	v18 =	vld.idx.msk [tilespmem:v32+s2+$0x0], $0xffff  }
0x145: {  	vm7 =	vlt.f32 v17, v9  }
0x146: {  	v57 =	vsel vm12, $0x1, v3;
	v58 =	vsel vm7, $0x1, v3  }
0x147: {  	v12 =	vadd.s32 v57, v51;
	v15 =	vld.idx.msk [tilespmem:v15+s2+$0x0], $0xffff;
	v32 =	vadd.s32 v58, v11  }
0x148: {  	vm1 =	vgt.f32 v22, $0.0e+00;
	v59 =	vadd.s32 v10, v12;
	v22 =	vxor.u32 $0x80000000, v32  }
0x149: {  	vm13 =	vlt.f32 v18, v7;
	v18 =	vnsel vm1, $0x80000101, v22  }
0x14a: {  	v22 =	vsel vm13, $0x1, v3;
	(xrf1) =	vsort.ascd.msk.u32 $0xffff, v18, v9  }
0x14b: {  	v14 =	vadd.s32 v22, v14  }
0x14c: {  	vm14 =	vlt.f32 v15, v8;
	v18 =	vadd.s32 v10, v14  }
0x14d: {  	v15 =	vld.idx.msk [tilespmem:v59+s2+$0x0], $0xffff;
	v22 =	vsel vm14, $0x1, v3  }
0x14e: {  	v13 =	vadd.s32 v22, v13  }
0x14f: {  	v22 =	vadd.s32 v10, v13;
	_ =	sdelay $0x1  }
0x150: {  	v18 =	vld.idx.msk [tilespmem:v18+s2+$0x0], $0xffff  }
0x151: {  	vm8 =	vlt.f32 v15, v6  }
0x152: {  	v62 =	vsub.f32 $0.0e+00, v37;
	vm6 =	vgt.f32 v19, $0.0e+00;
	v60 =	vsel vm8, $0x1, v3  }
0x153: {  	v47 =	vmin.u32 v11, $0xFE;
	v11 =	vmax.u32 v11, $0x1;
	v32 =	vadd.s32 v60, v12;
	v19 =	vld.idx.msk [tilespmem:v22+s2+$0x0], $0xffff  }
0x154: {  	v37 =	vadd.s32 $0x1, v47;
	v11 =	vsub.s32 v11, v4;
	v22 =	vxor.u32 $0x80000000, v32  }
0x155: {  	v11 =	vsel vm7, v37, v11;
	v22 =	vnsel vm6, $0x80000101, v22;
	vm15 =	vlt.f32 v18, v7  }
0x156: {  	_, v40, vm10 =	vpop (xrf1);
	v11 =	vadd.s32 v10, v11;
	(xrf1) =	vsort.ascd.msk.u32 $0xffff, v22, v6;
	v22 =	vmin.f32 v35, v26;
	v41 =	vsel vm15, $0x1, v3  }
0x157: {  	v22 =	vnsel vm0, $0x0, v22;
	vm0 =	vgt.f32 v21, $0.0e+00;
	v21 =	vadd.s32 v41, v14;
	v42, v43, _ =	vpop (xrf1)  }
0x158: {  	vm9 =	vlt.f32 v19, v8;
	v21 =	vxor.u32 $0x80000000, v21;
	v44 =	vxor.u32 $0x80000000, v42  }
0x159: {  	v61 =	vnsel vm3, $0x501502F9, v39;
	v45 =	vsel vm9, $0x1, v3;
	v21 =	vnsel vm0, $0x80000101, v21;
	(xrf1) =	vunique.msk.u32 $0xffff, v44  }
0x15a: {  	v63 =	vperm.xlane v38, v5;
	v30 =	vnsel vm5, $0xD01502F9, v30;
	(xrf1) =	vsort.ascd.msk.u32 $0xffff, v21, v7;
	v21 =	vadd.s32 v45, v13  }
0x15b: {  	v33 =	vnsel vm2, $0x501502F9, v62;
	vm2 =	vgt.f32 v16, $0.0e+00;
	v46 =	vxor.u32 $0x80000000, v21  }
0x15c: {  	v28 =	vnsel vm5, $0x104, v28;
	v24 =	vadd.f32 v27, v24;
	v16 =	vnsel vm2, $0x80000101, v46  }
0x15d: {  	v49 =	vnsel vm10, $0x104, v25;
	vm12 =	veq.s32 v40, $0x1;
	v50 =	vmin.u32 v12, $0xFE;
	v11 =	vld.idx.msk [tilespmem:v11+s2+$0x0], $0xffff;
	(xrf1) =	vsort.ascd.msk.u32 $0xffff, v16, v8  }
0x15e: {  	v34 =	vnsel vm12, $0x105, v25;
	v51 =	vadd.s32 $0x1, v50;
	v15 =	vsub.f32 v6, v15  }
0x15f: {  	v37 =	vsub.f32 v9, v17;
	v12 =	vmax.u32 v12, $0x1;
	v52 =	vmin.u32 v14, $0xFE  }
0x160: {  	(xrf0) =	vmax.scan.msk.f32 $0xffff, v31;
	v15 =	vmul.f32 v15, v15;
	v12 =	vsub.s32 v12, v4;
	v53 =	vmin.u32 v13, $0xFE  }
0x161: {  	[tilespmem:s16+$0x10] =	vst v61;
	v27 =	vadd.s32 $0x1, v52;
	v12 =	vsel vm8, v51, v12;
	v26 =	vsub.f32 $0.0e+00, v63  }
0x162: {  	[tilespmem:s7+$0x0] =	vst v28;
	v28 =	vadd.s32 $0x1, v53;
	v63 =	vadd.s32 v10, v12;
	v11 =	vsub.f32 v9, v11  }
0x163: {  	[tilespmem:s5+$0x0] =	vst v30;
	v26 =	vnsel vm4, $0x501502F9, v26;
	v22 =	vadd.f32 v22, v24;
	v13 =	vmax.u32 v13, $0x1  }
0x164: {  	[tilespmem:s17+$0x0] =	vst v29;
	v14 =	vmax.u32 v14, $0x1;
	v57 =	vsub.f32 $0.0e+00, v43;
	v13 =	vsub.s32 v13, v4;
	v55, v54, _ =	vpop (xrf1)  }
0x165: {  	[tilespmem:s16+$0xFFFFFFF0] =	vst v33;
	vm13 =	veq.s32 v42, $0x80000101;
	v13 =	vsel vm9, v28, v13;
	v56 =	vxor.u32 $0x80000000, v55  }
0x166: {  	v14 =	vsub.s32 v14, v4;
	v59 =	vsel vm13, $0xD01502F9, v57;
	v21, _, _ =	vpop (xrf0);
	v13 =	vadd.s32 v10, v13;
	(xrf1) =	vunique.msk.u32 $0xffff, v56  }
0x167: {  	[tilespmem:s7+$0xFFFFFFE0] =	vst v49;
	v14 =	vsel vm15, v27, v14;
	v28 =	vperm.xlane v59, v5;
	v58 =	vsub.f32 $0.0e+00, v54;
	_, v29, vm3 =	vpop (xrf1)  }
0x168: {  	[tilespmem:s16+$0x0] =	vst v26;
	v14 =	vadd.s32 v10, v14;
	(xrf0) =	vmax.scan.msk.f32 $0xffff, v43;
	vm14 =	veq.s32 v55, $0x80000101;
	v60, v61, _ =	vpop (xrf1)  }
0x169: {  	v10 =	vld.idx.msk [tilespmem:v63+s2+$0x0], $0xffff;
	v48, _, _ =	vpop (xrf0);
	v21 =	vperm.xlane v21, v5;
	(xrf0) =	vmax.scan.msk.f32 $0xffff, v28;
	v16 =	vsel vm14, $0xD01502F9, v58;
	v62 =	vxor.u32 $0x80000000, v60  }
0x16a: {  	v22 =	vadd.f32 v23, v22;
	v38 =	vnsel vm10, $0xD01502F9, v48;
	v31 =	vperm.xlane v16, v5;
	(xrf1) =	vunique.msk.u32 $0xffff, v62  }
0x16b: {  	v9 =	vmul.f32 v37, v37;
	v21 =	vsub.f32 $0.0e+00, v21;
	[tilespmem:s5+$0xFFFFFFE0] =	vst v38;
	v38 =	vsub.f32 v7, v18;
	v13 =	vld.idx.msk [tilespmem:v13+s2+$0x0], $0xffff;
	v23, v35, _ =	vpop (xrf1)  }
0x16c: {  	v18 =	vsub.f32 v8, v19;
	(xrf0) =	vmax.scan.msk.f32 $0xffff, v31;
	v19 =	vsub.f32 $0.0e+00, v61;
	v39 =	vxor.u32 $0x80000000, v23  }
0x16d: {  	v11 =	vmul.f32 v11, v11;
	v21 =	vnsel vm12, $0x501502F9, v21;
	vm15 =	veq.s32 v60, $0x80000101;
	(xrf1) =	vunique.msk.u32 $0xffff, v39  }
0x16e: {  	v14 =	vld.idx.msk [tilespmem:v14+s2+$0x0], $0xffff;
	[tilespmem:s17+$0xFFFFFFE0] =	vst v34;
	v18 =	vmul.f32 v18, v18;
	v6 =	vsub.f32 v6, v10;
	v41, _, _ =	vpop (xrf0);
	v19 =	vsel vm15, $0xD01502F9, v19  }
0x16f: {  	[tilespmem:s16+$0xFFFFFFE0] =	vst v21;
	v43, _, _ =	vpop (xrf0);
	(xrf0) =	vmax.scan.msk.f32 $0xffff, v54;
	v40 =	vsub.f32 $0.0e+00, v35;
	v19 =	vperm.xlane v19, v5  }
0x170: {  	v8 =	vsub.f32 v8, v13;
	v13 =	vperm.xlane v43, v5;
	(xrf0) =	vmax.scan.msk.f32 $0xffff, v61;
	vm8 =	veq.s32 v23, $0x80000101  }
0x171: {  	s0 =	sadd.s32 $0x40, s15;
	vm9 =	veq.s32 v29, $0x1;
	v42 =	vnsel vm3, $0x104, v44;
	v23 =	vsel vm8, $0xD01502F9, v40;
	(xrf0) =	vmax.scan.msk.f32 $0xffff, v19  }
0x172: {  	v16 =	vnsel vm3, $0xD01502F9, v41;
	[tilespmem:s0+$0x10] =	vst v42;
	v13 =	vsub.f32 $0.0e+00, v13;
	v23 =	vperm.xlane v23, v5  }
0x173: {  	v7 =	vsub.f32 v7, v14;
	v6 =	vmul.f32 v6, v6;
	v21 =	vnsel vm9, $0x105, v44;
	[tilespmem:s14+$0x10] =	vst v16;
	v44, _, _ =	vpop (xrf0)  }
0x174: {  	[tilespmem:s21+$0x10] =	vst v21;
	v51 =	vnsel vm9, $0x501502F9, v13;
	v52 =	vperm.xlane v44, v5;
	_, v45, vm10 =	vpop (xrf1);
	(xrf0) =	vmax.scan.msk.f32 $0xffff, v23  }
0x175: {  	v7 =	vmul.f32 v7, v7;
	v8 =	vmul.f32 v8, v8;
	[tilespmem:s22+$0x10] =	vst v51;
	v46, _, _ =	vpop (xrf0);
	v47 =	vnsel vm10, $0x104, v56  }
0x176: {  	v48, _, _ =	vpop (xrf0);
	v13 =	vsub.f32 $0.0e+00, v52;
	v10 =	vnsel vm10, $0xD01502F9, v46;
	vm11 =	veq.s32 v45, $0x1;
	[tilespmem:s0+$0xFFFFFFF0] =	vst v47  }
0x177: {  	v6 =	vmin.f32 v15, v6;
	(xrf0) =	vmax.scan.msk.f32 $0xffff, v35;
	v49 =	vnsel vm11, $0x105, v56;
	[tilespmem:s14+$0xFFFFFFF0] =	vst v10;
	v53, _, _ =	vpop (xrf0)  }
0x178: {  	v6 =	vnsel vm6, $0x0, v6;
	v8 =	vmin.f32 v18, v8;
	v13 =	vnsel vm11, $0x501502F9, v13;
	[tilespmem:s21+$0xFFFFFFF0] =	vst v49;
	_, v50, vm12 =	vpop (xrf1)  }
0x179: {  	v8 =	vnsel vm2, $0x0, v8;
	v15 =	vperm.xlane v53, v5;
	[tilespmem:s22+$0xFFFFFFF0] =	vst v13;
	v54 =	vnsel vm12, $0x104, v62  }
0x17a: {  	v56 =	vmul.f32 v38, v38;
	v55, _, _ =	vpop (xrf0);
	vm13 =	veq.s32 v50, $0x1;
	v14 =	vnsel vm12, $0xD01502F9, v48;
	[tilespmem:s0+$0x0] =	vst v54  }
0x17b: {  	v8 =	vadd.f32 v8, v22;
	v58 =	vsub.f32 $0.0e+00, v15;
	v57 =	vnsel vm13, $0x105, v62;
	_, v18, vm14 =	vpop (xrf1);
	[tilespmem:s14+$0x0] =	vst v14  }
0x17c: {  	v7 =	vmin.f32 v56, v7;
	v61 =	vperm.xlane v55, v5;
	v59 =	vnsel vm14, $0x104, v39;
	[tilespmem:s21+$0x0] =	vst v57  }
0x17d: {  	v6 =	vadd.f32 v6, v8;
	v7 =	vnsel vm0, $0x0, v7;
	v60, _, _ =	vpop (xrf0);
	v8 =	vnsel vm13, $0x501502F9, v58;
	[tilespmem:s0+$0xFFFFFFE0] =	vst v59  }
0x17e: {  	v10 =	vsub.f32 $0.0e+00, v61;
	v62 =	vnsel vm14, $0xD01502F9, v60;
	vm15 =	veq.s32 v18, $0x1;
	[tilespmem:s22+$0x0] =	vst v8  }
0x17f: {  	v6 =	vadd.f32 v7, v6;
	v8 =	vmin.f32 v9, v11;
	v7 =	vnsel vm15, $0x105, v39;
	[tilespmem:s14+$0xFFFFFFE0] =	vst v62  }
0x180: {  	v63 =	vnsel vm15, $0x501502F9, v10;
	v8 =	vnsel vm1, $0x0, v8;
	[tilespmem:s21+$0xFFFFFFE0] =	vst v7  }
0x181: {  	v6 =	vadd.f32 v8, v6;
	[tilespmem:s22+$0xFFFFFFE0] =	vst v63  }
.LBB2_5:
0x182: {  	v7 =	vld [tilespmem:s25+$0xFFFFFFE0];
	_ =	sdelay $0x6  }
0x183: {  	v8 =	vld [tilespmem:s26+$0xFFFFFFE0]  }
0x184: {  	v9 =	vld.idx.msk [tilespmem:v7+s18+$0x0], $0xffff;
	_ =	sdelay $0x4  }
0x185: {  	v8 =	vmax.f32 v9, v8  }
0x186: {  	[tilespmem:v7+s18+$0x0] =	vst.idx.msk $0xffff, v8  }
0x187: {  	v7 =	vld [tilespmem:s28+$0xFFFFFFE0];
	_ =	sdelay $0x6  }
0x188: {  	v8 =	vld [tilespmem:s30+$0xFFFFFFE0]  }
0x189: {  	v57 =	vld.idx.msk [tilespmem:v7+s19+$0x0], $0xffff;
	_ =	sdelay $0x4  }
0x18a: {  	v8 =	vmin.f32 v57, v8  }
0x18b: {  	[tilespmem:v7+s19+$0x0] =	vst.idx.msk $0xffff, v8  }
0x18c: {  	v7 =	vld [tilespmem:s25+$0xFFFFFFF0];
	_ =	sdelay $0x6  }
0x18d: {  	v8 =	vld [tilespmem:s26+$0xFFFFFFF0]  }
0x18e: {  	v58 =	vld.idx.msk [tilespmem:v7+s18+$0x0], $0xffff;
	_ =	sdelay $0x4  }
0x18f: {  	v8 =	vmax.f32 v58, v8  }
0x190: {  	[tilespmem:v7+s18+$0x0] =	vst.idx.msk $0xffff, v8  }
0x191: {  	v7 =	vld [tilespmem:s28+$0xFFFFFFF0];
	_ =	sdelay $0x6  }
0x192: {  	v8 =	vld [tilespmem:s30+$0xFFFFFFF0]  }
0x193: {  	v59 =	vld.idx.msk [tilespmem:v7+s19+$0x0], $0xffff;
	_ =	sdelay $0x4  }
0x194: {  	v8 =	vmin.f32 v59, v8  }
0x195: {  	[tilespmem:v7+s19+$0x0] =	vst.idx.msk $0xffff, v8  }
0x196: {  	v7 =	vld [tilespmem:s25+$0x0];
	_ =	sdelay $0x6  }
0x197: {  	v8 =	vld [tilespmem:s26+$0x0]  }
0x198: {  	v60 =	vld.idx.msk [tilespmem:v7+s18+$0x0], $0xffff;
	_ =	sdelay $0x4  }
0x199: {  	v8 =	vmax.f32 v60, v8  }
0x19a: {  	[tilespmem:v7+s18+$0x0] =	vst.idx.msk $0xffff, v8  }
0x19b: {  	v7 =	vld [tilespmem:s28+$0x0];
	_ =	sdelay $0x6  }
0x19c: {  	v8 =	vld [tilespmem:s30+$0x0]  }
0x19d: {  	v61 =	vld.idx.msk [tilespmem:v7+s19+$0x0], $0xffff;
	_ =	sdelay $0x4  }
0x19e: {  	v8 =	vmin.f32 v61, v8  }
0x19f: {  	[tilespmem:v7+s19+$0x0] =	vst.idx.msk $0xffff, v8  }
0x1a0: {  	v7 =	vld [tilespmem:s25+$0x10];
	_ =	sdelay $0x6  }
0x1a1: {  	v8 =	vld [tilespmem:s26+$0x10]  }
0x1a2: {  	v62 =	vld.idx.msk [tilespmem:v7+s18+$0x0], $0xffff;
	_ =	sdelay $0x4  }
0x1a3: {  	v8 =	vmax.f32 v62, v8  }
0x1a4: {  	[tilespmem:v7+s18+$0x0] =	vst.idx.msk $0xffff, v8  }
0x1a5: {  	v7 =	vld [tilespmem:s28+$0x10];
	_ =	sdelay $0x6  }
0x1a6: {  	v8 =	vld [tilespmem:s30+$0x10]  }
0x1a7: {  	s29 =	sadd.s32 $0x4, s29;
	v63 =	vld.idx.msk [tilespmem:v7+s19+$0x0], $0xffff  }
0x1a8: {  	p2 =	slt.u32 s29, $0x4C  }
.Ltmp3:
0x1a9: {  	_ = 	snop;
	(pc) =	sbr.rel @p2 .LBB2_5-.Ltmp3, $3  }
0x1aa: {  	_ =	sdelay $0x1  }
0x1ab: {  	s25 =	sadd.s32 $0x40, s25;
	v8 =	vmin.f32 v63, v8  }
0x1ac: {  	s26 =	sadd.s32 $0x40, s26;
	s28 =	sadd.s32 $0x40, s28;
	s30 =	sadd.s32 $0x40, s30;
	[tilespmem:v7+s19+$0x0] =	vst.idx.msk $0xffff, v8  }
0x1ad: {  	s0 =	sshll.u32 s24, $0x4  }
0x1ae: {  	s0 =	sor.u32 s3, s0  }
0x1af: {  	s0 =	smul.u32 $0x900, s0;
	_ =	sdelay $0x1  }
0x1b0: {  	[tilespmem:$0x1820] =	vst v6;
	s0 =	sshra.s32 s0, $0x2  }
0x1b1: {  	[tilespmem:$0x1830] =	vst v20;
	s24 =	simm.s32 $0x1;
	s0 =	sadd.s32 s0, s1  }
0x1b2: {  	[spmem:s0] =	stream.linear.scatter [tilespmem:s18], [sflag:$0x1], $0x110, $0x38;
	[tilespmem:$0x56F0] =	vst v63  }
0x1b3: {  	_ =	swait.ge [sflag:s24], $0x110  }
0x1b4: {  	[sflag:s24] =	ssyncset.done $0x0  }
0x1b5: {  	s4 =	sadd.s32 $0x110, s0;
	[sflag:s24] =	ssyncadd.s32 $0xFFFFFEF0  }
0x1b6: {  	[spmem:s4] =	stream.linear.scatter [tilespmem:s19], [sflag:$0x1], $0x110, $0x38;
	[tilespmem:$0x56F0] =	vst v63  }
0x1b7: {  	_ =	swait.ge [sflag:s24], $0x110  }
0x1b8: {  	[sflag:s24] =	ssyncset.done $0x0  }
.Ltmp4:
0x1b9: {  	s0 =	sadd.s32 $0x220, s0;
	[sflag:s24] =	ssyncadd.s32 $0xFFFFFEF0;
	(pc) =	sbr.rel @p1 .LBB2_2-.Ltmp4, $4  }
0x1ba: {  	[spmem:s0] =	stream.linear.scatter [tilespmem:s20], [sflag:$0x1], $0x20, $0x38;
	[tilespmem:$0x56F0] =	vst v63  }
0x1bb: {  	_ =	swait.ge [sflag:s24], $0x20  }
0x1bc: {  	[sflag:s24] =	ssyncset.done $0x0  }
0x1bd: {  	p2 =	por $0x0, $0x0;
	[sflag:s24] =	ssyncadd.s32 $0xFFFFFFE0  }
.Ltmp5:
0x1be: {  	(pc) =	sbr.rel @p0 .LBB2_17-.Ltmp5, $2  }
0x1bf: {  	_ =	sdelay $0x1  }
0x1c0: {  	[bflag:$0x0] =	sbarrier.arrive $0xFFFF;
	_ =	sdelay $0x1  }
0x1c1: {  	s0 =	rddreg [dreg:$0x5];
	s4 =	simm.s32 $0x2E60  }
0x1c2: {  	[tilespmem:s4], [sflag:$0x1] =	stream.linear.gather [spmem:s0], $0x2400, $0x38;
	[tilespmem:$0x56F0] =	vst v63  }
0x1c3: {  	_ =	swait.ge [sflag:s13], $0x2400  }
0x1c4: {  	[sflag:s13] =	ssyncset.done $0x0  }
0x1c5: {  	s0 =	simm.s32 $0x0;
	[sflag:s13] =	ssyncadd.s32 $0xFFFFDC00  }
0x1c6: {  	v6 =	vld [tilespmem:s0+$0x2F70]  }
0x1c7: {  	v7 =	vld [tilespmem:s0+$0x31B0]  }
0x1c8: {  	v8 =	vld [tilespmem:s0+$0x33F0]  }
0x1c9: {  	v9 =	vld [tilespmem:s0+$0x3630]  }
0x1ca: {  	v10 =	vld [tilespmem:s0+$0x3870]  }
0x1cb: {  	v11 =	vld [tilespmem:s0+$0x3AB0]  }
0x1cc: {  	v12 =	vld [tilespmem:s0+$0x3CF0]  }
0x1cd: {  	v13 =	vld [tilespmem:s0+$0x3F30]  }
0x1ce: {  	v14 =	vld [tilespmem:s0+$0x4170]  }
0x1cf: {  	v15 =	vld [tilespmem:s0+$0x43B0]  }
0x1d0: {  	v16 =	vld [tilespmem:s0+$0x45F0]  }
0x1d1: {  	v17 =	vld [tilespmem:s0+$0x4830]  }
0x1d2: {  	v18 =	vld [tilespmem:s0+$0x4A70]  }
0x1d3: {  	v19 =	vld [tilespmem:s0+$0x4CB0]  }
0x1d4: {  	v20 =	vld [tilespmem:s0+$0x4EF0]  }
0x1d5: {  	v21 =	vld [tilespmem:s0+$0x5130];
	v6 =	vmin.f32 v6, $1.000000000e+10  }
0x1d6: {  	v6 =	vmin.f32 v6, v7;
	v7 =	vld [tilespmem:s0+$0x2E60]  }
0x1d7: {  	v6 =	vmin.f32 v6, v8;
	v8 =	vld [tilespmem:s0+$0x30A0]  }
0x1d8: {  	v6 =	vmin.f32 v6, v9;
	v9 =	vld [tilespmem:s0+$0x32E0]  }
0x1d9: {  	v6 =	vmin.f32 v6, v10;
	v10 =	vld [tilespmem:s0+$0x3520]  }
0x1da: {  	v6 =	vmin.f32 v6, v11;
	v11 =	vld [tilespmem:s0+$0x3760]  }
0x1db: {  	v61 =	vld [tilespmem:s0+$0x39A0];
	v6 =	vmin.f32 v6, v12;
	v7 =	vmax.f32 v7, $-1.000000000e+10  }
0x1dc: {  	v6 =	vmin.f32 v6, v13;
	v7 =	vmax.f32 v7, v8;
	v8 =	vld [tilespmem:s0+$0x3BE0]  }
0x1dd: {  	v6 =	vmin.f32 v6, v14;
	v7 =	vmax.f32 v7, v9;
	v9 =	vld [tilespmem:s0+$0x3E20]  }
0x1de: {  	v6 =	vmin.f32 v6, v15;
	v7 =	vmax.f32 v7, v10;
	v10 =	vld [tilespmem:s0+$0x4060]  }
0x1df: {  	v6 =	vmin.f32 v6, v16;
	v7 =	vmax.f32 v7, v11;
	v11 =	vld [tilespmem:s0+$0x42A0]  }
0x1e0: {  	v62 =	vld [tilespmem:s0+$0x44E0];
	v6 =	vmin.f32 v6, v17;
	v7 =	vmax.f32 v7, v61  }
0x1e1: {  	v63 =	vmin.f32 v6, v18;
	v7 =	vmax.f32 v7, v8;
	v6 =	vld [tilespmem:s0+$0x4720]  }
0x1e2: {  	v8 =	vmin.f32 v63, v19;
	v9 =	vmax.f32 v7, v9;
	v7 =	vld [tilespmem:s0+$0x4960]  }
0x1e3: {  	v13 =	vmin.f32 v8, v20;
	v9 =	vmax.f32 v9, v10;
	v8 =	vld [tilespmem:s0+$0x4BA0]  }
0x1e4: {  	v10 =	vmin.f32 v13, v21;
	v11 =	vmax.f32 v9, v11;
	v9 =	vld [tilespmem:s0+$0x4DE0]  }
0x1e5: {  	s7 =	simm.s32 $0x10;
	s5 =	simm.s32 $0x80;
	s4 =	simm.s32 $0x0;
	[tilespmem:s0+$0x1710] =	vst v10;
	v11 =	vmax.f32 v11, v62;
	v10 =	vld [tilespmem:s0+$0x5020]  }
.LBB2_9:
0x1e6: {  	p1 =	sne.s32 s5, $0x400;
	v12 =	vld [tilespmem:s7+$0x2F70];
	v6 =	vmax.f32 v11, v6  }
0x1e7: {  	v11 =	vld [tilespmem:s7+$0x31B0];
	v6 =	vmax.f32 v6, v7  }
0x1e8: {  	v7 =	vld [tilespmem:s7+$0x33F0];
	v6 =	vmax.f32 v6, v8  }
0x1e9: {  	v8 =	vld [tilespmem:s7+$0x3630];
	v6 =	vmax.f32 v6, v9  }
0x1ea: {  	v9 =	vld [tilespmem:s7+$0x3870];
	v6 =	vmax.f32 v6, v10  }
0x1eb: {  	v10 =	vmin.f32 v12, $1.000000000e+10;
	v12 =	vld [tilespmem:s7+$0x3AB0];
	[tilespmem:s4+$0x1600] =	vst v6;
	s4 =	smov.u32 s7  }
0x1ec: {  	v6 =	vmin.f32 v10, v11;
	v10 =	vld [tilespmem:s4+$0x3CF0]  }
0x1ed: {  	v6 =	vmin.f32 v6, v7;
	v7 =	vld [tilespmem:s4+$0x3F30]  }
0x1ee: {  	v6 =	vmin.f32 v6, v8;
	v8 =	vld [tilespmem:s4+$0x4170]  }
0x1ef: {  	v6 =	vmin.f32 v6, v9;
	v9 =	vld [tilespmem:s4+$0x43B0]  }
0x1f0: {  	v6 =	vmin.f32 v6, v12;
	v11 =	vld [tilespmem:s4+$0x45F0]  }
0x1f1: {  	v6 =	vmin.f32 v6, v10;
	v10 =	vld [tilespmem:s4+$0x4830]  }
0x1f2: {  	v6 =	vmin.f32 v6, v7;
	v7 =	vld [tilespmem:s4+$0x4A70]  }
0x1f3: {  	v6 =	vmin.f32 v6, v8;
	v8 =	vld [tilespmem:s4+$0x4CB0]  }
0x1f4: {  	v6 =	vmin.f32 v6, v9;
	v9 =	vld [tilespmem:s4+$0x4EF0]  }
0x1f5: {  	v6 =	vmin.f32 v6, v11;
	v11 =	vld [tilespmem:s4+$0x5130]  }
0x1f6: {  	v12 =	vld [tilespmem:s4+$0x2E60];
	v6 =	vmin.f32 v6, v10  }
0x1f7: {  	v10 =	vld [tilespmem:s4+$0x30A0];
	v6 =	vmin.f32 v6, v7  }
0x1f8: {  	v7 =	vld [tilespmem:s4+$0x32E0];
	v6 =	vmin.f32 v6, v8  }
0x1f9: {  	v8 =	vld [tilespmem:s4+$0x3520];
	v6 =	vmin.f32 v6, v9  }
0x1fa: {  	v9 =	vld [tilespmem:s4+$0x3760];
	v6 =	vmin.f32 v6, v11  }
0x1fb: {  	v11 =	vmax.f32 v12, $-1.000000000e+10;
	v12 =	vld [tilespmem:s4+$0x39A0];
	[tilespmem:s4+$0x1710] =	vst v6  }
0x1fc: {  	v6 =	vmax.f32 v11, v10;
	v10 =	vld [tilespmem:s4+$0x3BE0]  }
0x1fd: {  	v6 =	vmax.f32 v6, v7;
	v7 =	vld [tilespmem:s4+$0x3E20]  }
0x1fe: {  	v6 =	vmax.f32 v6, v8;
	v8 =	vld [tilespmem:s4+$0x4060]  }
0x1ff: {  	v6 =	vmax.f32 v6, v9;
	v9 =	vld [tilespmem:s4+$0x42A0]  }
0x200: {  	v6 =	vmax.f32 v6, v12;
	v11 =	vld [tilespmem:s4+$0x44E0]  }
.Ltmp6:
0x201: {  	v10 =	vmax.f32 v6, v10;
	v6 =	vld [tilespmem:s4+$0x4720];
	(pc) =	sbr.rel @p1 .LBB2_9-.Ltmp6, $4  }
0x202: {  	v10 =	vmax.f32 v10, v7;
	v7 =	vld [tilespmem:s4+$0x4960]  }
0x203: {  	v10 =	vmax.f32 v10, v8;
	v8 =	vld [tilespmem:s4+$0x4BA0]  }
0x204: {  	v10 =	vmax.f32 v10, v9;
	v9 =	vld [tilespmem:s4+$0x4DE0]  }
0x205: {  	s7 =	sshra.s32 s5, $0x2;
	s5 =	sadd.s32 $0x40, s5;
	v11 =	vmax.f32 v10, v11;
	v10 =	vld [tilespmem:s4+$0x5020]  }
0x206: {  	v12 =	vld [tilespmem:s7+$0x2F70];
	v6 =	vmax.f32 v11, v6  }
0x207: {  	v45 =	vld [tilespmem:s7+$0x31B0];
	v6 =	vmax.f32 v6, v7  }
0x208: {  	v46 =	vld [tilespmem:s7+$0x3870];
	v6 =	vmax.f32 v6, v8  }
0x209: {  	v7 =	vld [tilespmem:s7+$0x33F0];
	v6 =	vmax.f32 v6, v9  }
0x20a: {  	v8 =	vld [tilespmem:s7+$0x3630];
	v6 =	vmax.f32 v6, v10  }
0x20b: {  	v47 =	vld [tilespmem:s7+$0x3AB0];
	[tilespmem:s4+$0x1600] =	vst v6  }
0x20c: {  	v6 =	vmin.f32 v12, $1.000000000e+10;
	v48 =	vld [tilespmem:s7+$0x3CF0]  }
0x20d: {  	v6 =	vmin.f32 v6, v45;
	v49 =	vld [tilespmem:s7+$0x3F30]  }
0x20e: {  	v50 =	vld [tilespmem:s7+$0x45F0];
	v6 =	vmin.f32 v6, v7  }
0x20f: {  	v7 =	vld [tilespmem:s7+$0x4170];
	v6 =	vmin.f32 v6, v8  }
0x210: {  	v8 =	vld [tilespmem:s7+$0x43B0];
	v6 =	vmin.f32 v6, v46  }
0x211: {  	v51 =	vld [tilespmem:s7+$0x4830];
	v6 =	vmin.f32 v6, v47  }
0x212: {  	v52 =	vld [tilespmem:s7+$0x4A70];
	v6 =	vmin.f32 v6, v48  }
0x213: {  	v53 =	vld [tilespmem:s7+$0x4CB0];
	v6 =	vmin.f32 v6, v49  }
0x214: {  	v54 =	vld [tilespmem:s7+$0x2E60];
	v6 =	vmin.f32 v6, v7  }
0x215: {  	v7 =	vld [tilespmem:s7+$0x4EF0];
	v6 =	vmin.f32 v6, v8  }
0x216: {  	v8 =	vld [tilespmem:s7+$0x5130];
	v6 =	vmin.f32 v6, v50  }
0x217: {  	v55 =	vld [tilespmem:s7+$0x30A0];
	v6 =	vmin.f32 v6, v51  }
0x218: {  	v56 =	vld [tilespmem:s7+$0x32E0];
	v6 =	vmin.f32 v6, v52  }
0x219: {  	v57 =	vld [tilespmem:s7+$0x3520];
	v6 =	vmin.f32 v6, v53  }
0x21a: {  	v6 =	vmin.f32 v6, v7;
	v7 =	vld [tilespmem:s7+$0x3760]  }
0x21b: {  	v9 =	vmax.f32 v54, $-1.000000000e+10;
	v6 =	vmin.f32 v6, v8;
	v8 =	vld [tilespmem:s7+$0x39A0]  }
0x21c: {  	v58 =	vld [tilespmem:s7+$0x3BE0];
	[tilespmem:s7+$0x1710] =	vst v6;
	v6 =	vmax.f32 v9, v55  }
0x21d: {  	v59 =	vld [tilespmem:s7+$0x3E20];
	v6 =	vmax.f32 v6, v56  }
0x21e: {  	v60 =	vld [tilespmem:s7+$0x4060];
	v6 =	vmax.f32 v6, v57  }
0x21f: {  	v6 =	vmax.f32 v6, v7;
	v7 =	vld [tilespmem:s7+$0x42A0]  }
0x220: {  	v6 =	vmax.f32 v6, v8;
	v8 =	vld [tilespmem:s7+$0x44E0]  }
0x221: {  	v61 =	vld [tilespmem:s7+$0x4720];
	v6 =	vmax.f32 v6, v58  }
0x222: {  	v62 =	vld [tilespmem:s7+$0x4960];
	v6 =	vmax.f32 v6, v59  }
0x223: {  	v63 =	vld [tilespmem:s7+$0x4BA0];
	v6 =	vmax.f32 v6, v60  }
0x224: {  	v6 =	vmax.f32 v6, v7;
	v7 =	vld [tilespmem:s7+$0x4DE0]  }
0x225: {  	v6 =	vmax.f32 v6, v8;
	v8 =	vld [tilespmem:s7+$0x5020]  }
0x226: {  	v6 =	vmax.f32 v6, v61  }
0x227: {  	v6 =	vmax.f32 v6, v62  }
0x228: {  	v6 =	vmax.f32 v6, v63  }
0x229: {  	v6 =	vmax.f32 v6, v7  }
0x22a: {  	v6 =	vmax.f32 v6, v8  }
0x22b: {  	[tilespmem:s7+$0x1600] =	vst v6  }
0x22c: {  	v6 =	vld [tilespmem:s0+$0x1600];
	_ =	sdelay $0x4  }
0x22d: {  	(xrf0) =	vmax.scan.msk.f32 $0xffff, v6;
	_ =	sdelay $0x5  }
0x22e: {  	s4 =	simm.s32 $0x10;
	v6 =	vimm.f32 $-1.000000000e+10;
	v7, _, _ =	vpop (xrf0)  }
0x22f: {  	v6 =	vmax.f32 v7, v6;
	v7 =	vld [tilespmem:s4+$0x1600];
	_ =	sdelay $0x2  }
0x230: {  	(xrf0) =	vmax.scan.msk.f32 $0xffff, v6;
	_ =	sdelay $0x1  }
0x231: {  	(xrf0) =	vmax.scan.msk.f32 $0xffff, v7;
	_ =	sdelay $0x3  }
0x232: {  	s5 =	simm.s32 $0xC0;
	[tilespmem:s0+$0x2C40] =	vst v6;
	s0 =	simm.s32 $0x20;
	v6, _, _ =	vpop (xrf0)  }
.LBB2_11:
0x233: {  	p1 =	sne.s32 s5, $0x400;
	v7 =	vld [tilespmem:s0+$0x1600];
	v6 =	vbroadcast v6, $0xF  }
0x234: {  	v8, _, _ =	vpop (xrf0)  }
0x235: {  	v6 =	vmax.f32 v8, v6  }
0x236: {  	[tilespmem:s4+$0x2C40] =	vst v6;
	(xrf0) =	vmax.scan.msk.f32 $0xffff, v6;
	s4 =	smov.u32 s0;
	_ =	sdelay $0x1  }
.Ltmp7:
0x237: {  	(xrf0) =	vmax.scan.msk.f32 $0xffff, v7;
	(pc) =	sbr.rel @p1 .LBB2_11-.Ltmp7, $2  }
0x238: {  	_ =	sdelay $0x2  }
0x239: {  	s0 =	sshra.s32 s5, $0x2;
	s5 =	sadd.s32 $0x40, s5;
	v6, _, _ =	vpop (xrf0)  }
0x23a: {  	v7 =	vld [tilespmem:s0+$0x1600];
	v6 =	vbroadcast v6, $0xF  }
0x23b: {  	v8, _, _ =	vpop (xrf0)  }
0x23c: {  	v6 =	vmax.f32 v8, v6  }
0x23d: {  	(xrf0) =	vmax.scan.msk.f32 $0xffff, v6;
	_ =	sdelay $0x1  }
0x23e: {  	(xrf0) =	vmax.scan.msk.f32 $0xffff, v7;
	_ =	sdelay $0x3  }
0x23f: {  	v7, _, _ =	vpop (xrf0)  }
0x240: {  	v7 =	vbroadcast v7, $0xF  }
0x241: {  	v8, _, _ =	vpop (xrf0)  }
0x242: {  	[tilespmem:s4+$0x2C40] =	vst v6;
	v6 =	vmax.f32 v8, v7  }
0x243: {  	[tilespmem:s0+$0x2C40] =	vst v6;
	s0 =	simm.s32 $0x100  }
0x244: {  	v7 =	vld [tilespmem:s0+$0x1710];
	_ =	sdelay $0x4  }
0x245: {  	v7 =	vsub.f32 $0.0e+00, v7;
	_ =	sdelay $0x1  }
0x246: {  	v7 =	vperm.xlane v7, v5  }
0x247: {  	(xrf0) =	vmax.scan.msk.f32 $0xffff, v6  }
0x248: {  	s4 =	simm.s32 $0xF0;
	(xrf0) =	vmax.scan.msk.f32 $0xffff, v7  }
0x249: {  	v6 =	vld [tilespmem:s4+$0x1710];
	_ =	sdelay $0x3  }
0x24a: {  	v7, _, _ =	vpop (xrf0)  }
0x24b: {  	v6 =	vsub.f32 $0.0e+00, v6;
	v7, _, _ =	vpop (xrf0)  }
0x24c: {  	v8 =	vperm.xlane v7, v5  }
0x24d: {  	v9 =	vperm.xlane v6, v5  }
0x24e: {  	v6 =	vsub.f32 $0.0e+00, v8  }
0x24f: {  	s5 =	simm.s32 $0xE0;
	s7 =	simm.s32 $0x340;
	(xrf0) =	vmax.scan.msk.f32 $0xffff, v9;
	v7 =	vimm.f32 $1.000000000e+10  }
.LBB2_13:
0x250: {  	p1 =	sne.s32 s7, $0x0;
	v8 =	vld [tilespmem:s5+$0x1710];
	v6 =	vmin.f32 v6, v7  }
0x251: {  	[tilespmem:s0+$0x2D50] =	vst v6;
	(xrf0) =	vmin.scan.msk.f32 $0xffff, v6;
	s0 =	smov.u32 s4;
	s4 =	smov.u32 s5;
	_ =	sdelay $0x3  }
.Ltmp8:
0x252: {  	v6 =	vsub.f32 $0.0e+00, v8;
	v7, _, _ =	vpop (xrf0);
	(pc) =	sbr.rel @p1 .LBB2_13-.Ltmp8, $4  }
0x253: {  	v7 =	vperm.xlane v7, v5  }
0x254: {  	v8 =	vperm.xlane v6, v5;
	v9, _, _ =	vpop (xrf0)  }
0x255: {  	v6 =	vsub.f32 $0.0e+00, v7;
	v7 =	vbroadcast v9, $0xF  }
0x256: {  	s5 =	sshra.s32 s7, $0x2;
	s7 =	sadd.s32 $0xFFFFFFC0, s7;
	(xrf0) =	vmax.scan.msk.f32 $0xffff, v8  }
0x257: {  	v8 =	vld [tilespmem:s5+$0x1710];
	v6 =	vmin.f32 v6, v7  }
0x258: {  	(xrf0) =	vmin.scan.msk.f32 $0xffff, v6;
	_ =	sdelay $0x3  }
0x259: {  	v7 =	vsub.f32 $0.0e+00, v8;
	v8, _, _ =	vpop (xrf0)  }
0x25a: {  	v8 =	vperm.xlane v8, v5  }
0x25b: {  	v7 =	vperm.xlane v7, v5;
	v9, _, _ =	vpop (xrf0)  }
0x25c: {  	v8 =	vsub.f32 $0.0e+00, v8;
	v9 =	vbroadcast v9, $0xF  }
0x25d: {  	(xrf0) =	vmax.scan.msk.f32 $0xffff, v7  }
0x25e: {  	v7 =	vmin.f32 v8, v9  }
0x25f: {  	(xrf0) =	vmin.scan.msk.f32 $0xffff, v7;
	_ =	sdelay $0x3  }
0x260: {  	v8, _, _ =	vpop (xrf0)  }
0x261: {  	v8 =	vperm.xlane v8, v5  }
0x262: {  	v10 =	vor.u32 s6, v0;
	v9, _, _ =	vpop (xrf0)  }
0x263: {  	v8 =	vsub.f32 $0.0e+00, v8;
	v9 =	vbroadcast v9, $0xF  }
0x264: {  	[tilespmem:s0+$0x2D50] =	vst v6  }
0x265: {  	[tilespmem:s4+$0x2D50] =	vst v7;
	v6 =	vmin.f32 v8, v9  }
0x266: {  	[tilespmem:s5+$0x2D50] =	vst v6  }
0x267: {  	s29 =	simm.s32 $0x0;
	v7 =	vld.idx.msk [tilespmem:v10+s2+$0x0], $0xffff  }
0x268: {  	v10 =	vld [tilespmem:s29+$0x2C40]  }
0x269: {  	s30 =	sadd.s32 $0x10, s6  }
0x26a: {  	v8 =	vor.u32 s30, v0;
	v11 =	vld [tilespmem:s29+$0x2D51];
	_ =	sdelay $0x2  }
0x26b: {  	s31 =	simm.s32 $0x10;
	(xrf0) =	vmin.scan.msk.f32 $0xffff, v6;
	v6 =	vsub.f32 v7, v10  }
0x26c: {  	s4 =	sadd.s32 $0x10, s30;
	v12 =	vld [tilespmem:s31+$0x2C40]  }
0x26d: {  	v9 =	vld.idx.msk [tilespmem:v8+s2+$0x0], $0xffff;
	v10 =	vor.u32 s4, v0;
	v7 =	vsub.f32 v11, v7;
	v6 =	vmul.f32 v6, v6  }
0x26e: {  	v8 =	vld [tilespmem:s31+$0x2D51]  }
0x26f: {  	v7 =	vmul.f32 v7, v7;
	_ =	sdelay $0x1  }
0x270: {  	v13 =	vmin.f32 v6, v7;
	v6, _, _ =	vpop (xrf0)  }
0x271: {  	s0 =	simm.s32 $0xC0;
	s5 =	simm.s32 $0x20;
	s4 =	sadd.s32 $0x10, s4;
	v11 =	vsub.f32 v9, v12;
	v7 =	vld.idx.msk [tilespmem:v10+s2+$0x0], $0xffff;
	v10 =	vmin.f32 v13, $1.000000000e+10;
	v6 =	vimm.f32 $0.0e+00  }
.LBB2_15:
0x272: {  	v12 =	vor.u32 s4, v0;
	v13 =	vld [tilespmem:s5+$0x2C40];
	v9 =	vsub.f32 v8, v9;
	v6 =	vadd.f32 v10, v6;
	s7 =	smov.u32 s0;
	p1 =	sne.s32 s0, $0x3C0  }
.Ltmp9:
0x273: {  	s0 =	sadd.s32 $0x40, s0;
	v8 =	vld [tilespmem:s5+$0x2D51];
	(pc) =	sbr.rel @p1 .LBB2_15-.Ltmp9, $3  }
0x274: {  	v10 =	vmul.f32 v11, v11;
	v15 =	vmul.f32 v9, v9;
	_ =	sdelay $0x1  }
0x275: {  	v14 =	vmin.f32 v10, v15  }
0x276: {  	s4 =	sadd.s32 $0x10, s4;
	s5 =	sshra.s32 s7, $0x2;
	v9 =	vmov v7;
	v11 =	vsub.f32 v7, v13;
	v10 =	vmin.f32 v14, $1.000000000e+10;
	v7 =	vld.idx.msk [tilespmem:v12+s2+$0x0], $0xffff  }
0x277: {  	v12 =	vld [tilespmem:s5+$0x2C40]  }
0x278: {  	v13 =	vld [tilespmem:s5+$0x2D51]  }
0x279: {  	v14 =	vld [tilespmem:$0x3080]  }
0x27a: {  	v15 =	vld [tilespmem:$0x3090]  }
0x27b: {  	v16 =	vld [tilespmem:$0x32C0]  }
0x27c: {  	v17 =	vld [tilespmem:$0x32D0]  }
0x27d: {  	v18 =	vld [tilespmem:$0x3500]  }
0x27e: {  	v19 =	vld [tilespmem:$0x3510];
	v14 =	vadd.f32 $0.0e+00, v14  }
0x27f: {  	v20 =	vld [tilespmem:$0x3740];
	v15 =	vadd.f32 $0.0e+00, v15  }
0x280: {  	v32 =	vld [tilespmem:$0x3750];
	v14 =	vadd.f32 v16, v14  }
0x281: {  	v33 =	vld [tilespmem:$0x3980];
	v15 =	vadd.f32 v17, v15  }
0x282: {  	v34 =	vld [tilespmem:$0x3990];
	v14 =	vadd.f32 v18, v14  }
0x283: {  	v35 =	vld [tilespmem:$0x3BC0];
	v15 =	vadd.f32 v19, v15  }
0x284: {  	v36 =	vld [tilespmem:$0x3BD0];
	v14 =	vadd.f32 v20, v14  }
0x285: {  	v37 =	vld [tilespmem:$0x3E00];
	v15 =	vadd.f32 v32, v15  }
0x286: {  	v38 =	vld [tilespmem:$0x3E10];
	v14 =	vadd.f32 v33, v14  }
0x287: {  	v39 =	vld [tilespmem:$0x4040];
	v15 =	vadd.f32 v34, v15  }
0x288: {  	v40 =	vld [tilespmem:$0x4050];
	v14 =	vadd.f32 v35, v14  }
0x289: {  	v41 =	vld [tilespmem:$0x4280];
	v15 =	vadd.f32 v36, v15  }
0x28a: {  	v42 =	vld [tilespmem:$0x4290];
	v14 =	vadd.f32 v37, v14  }
0x28b: {  	v43 =	vld [tilespmem:$0x44C0];
	v15 =	vadd.f32 v38, v15  }
0x28c: {  	v44 =	vld [tilespmem:$0x44D0];
	v14 =	vadd.f32 v39, v14  }
0x28d: {  	v45 =	vld [tilespmem:$0x4700];
	v15 =	vadd.f32 v40, v15  }
0x28e: {  	v46 =	vld [tilespmem:$0x4710];
	v14 =	vadd.f32 v41, v14  }
0x28f: {  	v47 =	vld [tilespmem:$0x4940];
	v15 =	vadd.f32 v42, v15  }
0x290: {  	v48 =	vld [tilespmem:$0x4950];
	v14 =	vadd.f32 v43, v14  }
0x291: {  	v49 =	vld [tilespmem:$0x4B80];
	v15 =	vadd.f32 v44, v15  }
0x292: {  	v8 =	vsub.f32 v8, v9;
	v51 =	vld [tilespmem:$0x4B90];
	v50 =	vadd.f32 v45, v14  }
0x293: {  	v52 =	vld [tilespmem:$0x4DC0];
	v11 =	vmul.f32 v11, v11;
	v15 =	vadd.f32 v46, v15  }
0x294: {  	v53 =	vld [tilespmem:$0x4DD0];
	v8 =	vmul.f32 v8, v8;
	v12 =	vsub.f32 v7, v12;
	v9 =	vadd.f32 v47, v50  }
0x295: {  	v55 =	vld [tilespmem:$0x5000];
	v7 =	vsub.f32 v13, v7;
	v54 =	vadd.f32 v48, v15  }
0x296: {  	v6 =	vadd.f32 v10, v6;
	v56 =	vld [tilespmem:$0x5010];
	v8 =	vmin.f32 v11, v8;
	v9 =	vadd.f32 v49, v9  }
0x297: {  	v59 =	vld [tilespmem:$0x5240];
	v57 =	vmul.f32 v12, v12;
	v7 =	vmul.f32 v7, v7;
	v58 =	vadd.f32 v51, v54  }
0x298: {  	v60 =	vld [tilespmem:$0x5250];
	v8 =	vmin.f32 v8, $1.000000000e+10;
	v9 =	vadd.f32 v52, v9  }
0x299: {  	v6 =	vadd.f32 v8, v6;
	v7 =	vmin.f32 v57, v7;
	v61 =	vadd.f32 v53, v58  }
0x29a: {  	v7 =	vmin.f32 v7, $1.000000000e+10;
	v9 =	vadd.f32 v55, v9  }
0x29b: {  	v6 =	vadd.f32 v7, v6;
	v7 =	vadd.f32 v56, v61  }
0x29c: {  	v62 =	vadd.f32 v59, v9  }
0x29d: {  	(xrf2) =	vadd.scan.msk.f32 $0xffff, v6;
	v6 =	vadd.f32 v60, v7  }
0x29e: {  	(xrf2) =	vadd.scan.msk.f32 $0xffff, v62  }
0x29f: {  	(xrf2) =	vadd.scan.msk.f32 $0xffff, v6;
	_ =	sdelay $0x7  }
0x2a0: {  	v6, _, _ =	vpop (xrf2)  }
0x2a1: {  	v7, _, _ =	vpop (xrf2)  }
0x2a2: {  	v63, _, _ =	vpop (xrf2)  }
0x2a3: {  	v8 =	vmax.f32 v63, $1.000000000e+00  }
0x2a4: {  	v8 =	vbroadcast v8, $0xF;
	_ =	sdelay $0x1  }
0x2a5: {  	(erf) = vrcp.f32 v8;
	_ =	sdelay $0x7  }
0x2a6: {  	v6 =	vmul.f32 $3.906250000e-03, v6;
	v7 =	vbroadcast v7, $0xF  }
0x2a7: {  	v8 =	vpop (erf)  }
0x2a8: {  	v6 =	vbroadcast v6, $0xF;
	v7 =	vmul.f32 v8, v7;
	_ =	sdelay $0x1  }
0x2a9: {  	v6 =	vadd.f32 v7, v6;
	_ =	sdelay $0x1  }
.Ltmp10:
0x2aa: {  	s0 =	rddreg [dreg:$0x6];
	s4 =	simm.s32 $0x5260;
	[tilespmem:$0x5260] =	vst v6;
	(pc) =	sbr.rel .LBB2_17-.Ltmp10, $4  }
0x2ab: {  	[hbm4b:s0+s2] =	stream.linear.scatter [tilespmem:s4], [sflag:$0x1], $0x10, $0x38;
	[tilespmem:$0x56F0] =	vst v63  }
0x2ac: {  	_ =	swait.ge [sflag:s13], $0x10  }
0x2ad: {  	[sflag:s13] =	ssyncset.done $0x0  }
0x2ae: {  	[sflag:s13] =	ssyncadd.s32 $0xFFFFFFF0  }
.LBB2_18:
0x2af: {  	_ =	sfence.sel $0x180000  }
0x2b0: {  	[bflag:$0x0] =	sbarrier.arrive $0xFFFF  }
0x2b1: {  	_ =	strace $0x90000047  }
0x2b2: {  	[bflag:$0x2] =	sbarrier.arrive $0xFFFF  }
0x2b3: {  	p0 =	sne.s32 s3, $0x0;
	s0 =	rddreg [dreg:$0x3]  }
0x2b4: {  	s0 =	sadd.s32 @!p0 $0x100000, s0  }
0x2b5: {  	[sflag:s0] =	ssyncadd.tile.s32 @!p0 $0x1;
	_ =	shalt  }
.Lfunc_end2:
_tile_overlayer_lowered:
.L_overlay_start_2:
0x2b6: {  	(tag) =	ssettag $0x2  }
0x2b7: {  	s0 =	rddreg [dreg:$0x0];
	s2 =	stileid.u32  }
0x2b8: {  	s1 =	rddreg [dreg:$0x1];
	p0 =	sne.s32 s2, $0x0  }
0x2b9: {  	s3 =	rddreg [dreg:$0x2];
	[bflag:$0x3] =	sbarrier.arrive $0xFFFF;
	s2 =	simm.s32 @!p0 $0x1C01  }
0x2ba: {  	[timem:s3], [sflag:s2] =	dma.local @!p0 [hbm:s0], s1  }
0x2bb: {  	s0 =	simm.s32 @!p0 $0x1  }
0x2bc: {  	_ =	swait.ge @!p0 [sflag:s0], s1  }
0x2bd: {  	s1 =	ssub.s32 @!p0 $0x0, s1;
	[sflag:s0] =	ssyncset.done @!p0 $0x0  }
0x2be: {  	[sflag:s0] =	ssyncadd.s32 @!p0 s1  }
0x2bf: {  	[bflag:$0x3] =	sbarrier.arrive $0xFFFF  }
0x2c0: {  	_ =	shalt  }

</sc_bundles>
